<compile_context>
chip_gen: v7x
topology: tpu7x:2x2x1
jax: 0.10.2.dev20260603
libtpu: 0.0.44.dev20260713+nightly
codegen_flags: <defaults>
</compile_context>

<pallas_src>
import functools

import jax
import jax.numpy as jnp
from jax import lax
from jax.experimental import pallas as pl
from jax.experimental.pallas import tpu as pltpu
from jax.experimental.pallas import tpu_sc as plsc

_INFO = plsc.get_sparse_core_info()
_NC, _NS, _L = _INFO.num_cores, _INFO.num_subcores, _INFO.num_lanes
_NW = _NC * _NS

_B, _R, _C = 4, 4096, 2048
_RCHUNK = 2
_ROWS_PER_W = (_B * _R) // _NW
_NCHUNK = _ROWS_PER_W // _RCHUNK
_NBUF = 8
_NGROUP = _NCHUNK // _NBUF


def _sort_chunk(src, dst):
    lane = lax.iota(jnp.int32, _L)
    group_msb = jnp.where(lane < 8, jnp.uint32(0x80000000), jnp.uint32(0))

    @plsc.parallel_loop(0, _C, _L, unroll=2)
    def _(i):
        for r in range(_RCHUNK):
            v = src[r, pl.ds(i, _L)]
            bits = plsc.bitcast(v, jnp.int32)
            sgn = lax.shift_right_arithmetic(bits, 31)
            u = bits ^ (sgn | jnp.int32(-(2 ** 31)))
            uk = lax.shift_right_logical(
                plsc.bitcast(u, jnp.uint32), jnp.uint32(1))
            key = uk | group_msb
            _, sv = plsc.sort_key_val(key, v, descending=True)
            dst[r, pl.ds(i, _L)] = sv


def _body(x_hbm, out_hbm, in_bufs, out_bufs, in_sems, out_sems):
    wid = lax.axis_index("s") * _NC + lax.axis_index("c")
    batch = wid // (_NW // _B)
    row0 = (wid % (_NW // _B)) * _ROWS_PER_W

    def in_slice(c):
        return x_hbm.at[batch, pl.ds(row0 + c * _RCHUNK, _RCHUNK), :]

    def out_slice(c):
        return out_hbm.at[batch, pl.ds(row0 + c * _RCHUNK, _RCHUNK), :]

    for b in range(_NBUF):
        pltpu.async_copy(in_slice(b), in_bufs[b], in_sems[b])

    def group_step(g, carry):
        for b in range(_NBUF):
            c = g * _NBUF + b

            pltpu.make_async_copy(in_slice(c), in_bufs[b], in_sems[b]).wait()

            @pl.when(g > 0)
            def _():
                pltpu.make_async_copy(
                    out_bufs[b], out_slice(c), out_sems[b]).wait()

            _sort_chunk(in_bufs[b], out_bufs[b])

            pltpu.async_copy(out_bufs[b], out_slice(c), out_sems[b])

            @pl.when(g < _NGROUP - 1)
            def _():
                pltpu.async_copy(in_slice(c + _NBUF), in_bufs[b], in_sems[b])
        return carry

    lax.fori_loop(0, _NGROUP, group_step, 0)

    for b in range(_NBUF):
        pltpu.make_async_copy(out_bufs[b], out_slice(0), out_sems[b]).wait()


@functools.partial(
    pl.kernel,
    mesh=plsc.VectorSubcoreMesh(core_axis_name="c", subcore_axis_name="s"),
    out_type=jax.ShapeDtypeStruct((_B, _R, _C), jnp.float32),
    scratch_types=[
        [pltpu.VMEM((_RCHUNK, _C), jnp.float32) for _ in range(_NBUF)],
        [pltpu.VMEM((_RCHUNK, _C), jnp.float32) for _ in range(_NBUF)],
        [pltpu.SemaphoreType.DMA for _ in range(_NBUF)],
        [pltpu.SemaphoreType.DMA for _ in range(_NBUF)],
    ],
    compiler_params=pltpu.CompilerParams(
        needs_layout_passes=False, use_tc_tiling_on_sc=True),
)
def _sc_group_sort(x_hbm, out_hbm, in_bufs, out_bufs, in_sems, out_sems):
    _body(x_hbm, out_hbm, in_bufs, out_bufs, in_sems, out_sems)


def kernel(input):
    return _sc_group_sort(input)

# --- scband reference (transcript-rebuilt; emitter-appended) ---
"""Pipeline reference for scband-group-sort-1357209665963 (READ-ONLY COPY).

The authoritative reference and input builder live on the scoring server;
editing this copy changes nothing except your own understanding.
"""

import jax, jax.numpy as jnp
import numpy as np

NUM_UNITS = 256

def setup_inputs(seed: int = 0) -> dict:
    key = jax.random.key(seed)
    x = jax.random.normal(key, (4, 4096, 2048), dtype=jnp.float32)
    return {"input": x}

def groupsort(x, num_units):
    num_channels = x.shape[-1]
    assert num_channels % num_units == 0
    group_size = num_channels // num_units
    grouped = x.reshape(x.shape[:-1] + (num_units, group_size))
    # torch.sort(descending=True) on values == -sort(-x) ascending
    sorted_grouped = -jnp.sort(-grouped, axis=-1)
    return sorted_grouped.reshape(x.shape)

def reference(input):
    return groupsort(input, NUM_UNITS)

if __name__ == "__main__":
    import jax
    _d = setup_inputs()
    print(jax.jit(kernel)(*tuple(_d.values())))

</pallas_src>

<mosaic_0001>
#map = affine_map<(d0, d1) -> (0, 0, 0)>
module attributes {stable_mosaic.version = 14 : i64} {
  func.func @_sc_group_sort(%arg0: i32, %arg1: i32, %arg2: memref<4x4096x2048xf32, #tpu.memory_space<hbm>>, %arg3: memref<4x4096x2048xf32, #tpu.memory_space<hbm>>, %arg4: memref<2x2048xf32, #tpu.memory_space<vmem>>, %arg5: memref<2x2048xf32, #tpu.memory_space<vmem>>, %arg6: memref<2x2048xf32, #tpu.memory_space<vmem>>, %arg7: memref<2x2048xf32, #tpu.memory_space<vmem>>, %arg8: memref<2x2048xf32, #tpu.memory_space<vmem>>, %arg9: memref<2x2048xf32, #tpu.memory_space<vmem>>, %arg10: memref<2x2048xf32, #tpu.memory_space<vmem>>, %arg11: memref<2x2048xf32, #tpu.memory_space<vmem>>, %arg12: memref<2x2048xf32, #tpu.memory_space<vmem>>, %arg13: memref<2x2048xf32, #tpu.memory_space<vmem>>, %arg14: memref<2x2048xf32, #tpu.memory_space<vmem>>, %arg15: memref<2x2048xf32, #tpu.memory_space<vmem>>, %arg16: memref<2x2048xf32, #tpu.memory_space<vmem>>, %arg17: memref<2x2048xf32, #tpu.memory_space<vmem>>, %arg18: memref<2x2048xf32, #tpu.memory_space<vmem>>, %arg19: memref<2x2048xf32, #tpu.memory_space<vmem>>, %arg20: memref<!tpu.dma_semaphore, #tpu.memory_space<semaphore_mem>>, %arg21: memref<!tpu.dma_semaphore, #tpu.memory_space<semaphore_mem>>, %arg22: memref<!tpu.dma_semaphore, #tpu.memory_space<semaphore_mem>>, %arg23: memref<!tpu.dma_semaphore, #tpu.memory_space<semaphore_mem>>, %arg24: memref<!tpu.dma_semaphore, #tpu.memory_space<semaphore_mem>>, %arg25: memref<!tpu.dma_semaphore, #tpu.memory_space<semaphore_mem>>, %arg26: memref<!tpu.dma_semaphore, #tpu.memory_space<semaphore_mem>>, %arg27: memref<!tpu.dma_semaphore, #tpu.memory_space<semaphore_mem>>, %arg28: memref<!tpu.dma_semaphore, #tpu.memory_space<semaphore_mem>>, %arg29: memref<!tpu.dma_semaphore, #tpu.memory_space<semaphore_mem>>, %arg30: memref<!tpu.dma_semaphore, #tpu.memory_space<semaphore_mem>>, %arg31: memref<!tpu.dma_semaphore, #tpu.memory_space<semaphore_mem>>, %arg32: memref<!tpu.dma_semaphore, #tpu.memory_space<semaphore_mem>>, %arg33: memref<!tpu.dma_semaphore, #tpu.memory_space<semaphore_mem>>, %arg34: memref<!tpu.dma_semaphore, #tpu.memory_space<semaphore_mem>>, %arg35: memref<!tpu.dma_semaphore, #tpu.memory_space<semaphore_mem>>) attributes {dimension_semantics = [#tpu.dimension_semantics<core_parallel>, #tpu.dimension_semantics<subcore_parallel>], iteration_bounds = array<i64: 2, 16>, scalar_prefetch = 0 : i64, scratch_operands = 32 : i64, tpu.core_type = #tpu.core_type<sc_vector_subcore>, window_params = [{transform_indices = #map}, {transform_indices = #map}]} {
    %mul3A = arith.constant 2 : i32
    %mul3A_0 = arith.muli %arg1, %mul3A : i32
    %add3A = arith.addi %mul3A_0, %arg0 : i32
    %jit3A = arith.constant 8 : i32
    %div3A = arith.divsi %add3A, %jit3A : i32
    %sign3A = arith.constant 0 : i32
    %sign3A_1 = arith.cmpi sgt, %add3A, %sign3A : i32
    %sign3A_2 = arith.extui %sign3A_1 : i1 to i32
    %sign3A_3 = arith.constant 0 : i32
    %sign3A_4 = arith.cmpi slt, %add3A, %sign3A_3 : i32
    %sign3A_5 = arith.extui %sign3A_4 : i1 to i32
    %sign3A_6 = arith.subi %sign3A_2, %sign3A_5 : i32
    %sign3A_7 = arith.constant 0 : i32
    %sign3A_8 = arith.cmpi sgt, %jit3A, %sign3A_7 : i32
    %sign3A_9 = arith.extui %sign3A_8 : i1 to i32
    %sign3A_10 = arith.constant 0 : i32
    %sign3A_11 = arith.cmpi slt, %jit3A, %sign3A_10 : i32
    %sign3A_12 = arith.extui %sign3A_11 : i1 to i32
    %sign3A_13 = arith.subi %sign3A_9, %sign3A_12 : i32
    %ne3A = arith.cmpi ne, %sign3A_6, %sign3A_13 : i32
    %rem3A = arith.remsi %add3A, %jit3A : i32
    %ne3A_14 = arith.constant 0 : i32
    %ne3A_15 = arith.cmpi ne, %rem3A, %ne3A_14 : i32
    %and3A = arith.andi %ne3A, %ne3A_15 : i1
    %sub3A = arith.constant 1 : i32
    %sub3A_16 = arith.subi %div3A, %sub3A : i32
    %select_n3A = arith.select %and3A, %sub3A_16, %div3A : i32
    %jit3A_17 = arith.constant 8 : i32
    %eq3A = arith.constant 0 : i32
    %eq3A_18 = arith.cmpi eq, %jit3A_17, %eq3A : i32
    %jit3A_19 = arith.constant 1 : i32
    %select_n3A_20 = arith.select %eq3A_18, %jit3A_19, %jit3A_17 : i32
    %rem3A_21 = arith.remsi %add3A, %select_n3A_20 : i32
    %ne3A_22 = arith.constant 0 : i32
    %ne3A_23 = arith.cmpi ne, %rem3A_21, %ne3A_22 : i32
    %lt3A = arith.constant 0 : i32
    %lt3A_24 = arith.cmpi slt, %rem3A_21, %lt3A : i32
    %lt3A_25 = arith.constant 0 : i32
    %lt3A_26 = arith.cmpi slt, %select_n3A_20, %lt3A_25 : i32
    %ne3A_27 = arith.xori %lt3A_24, %lt3A_26 : i1
    %and3A_28 = arith.andi %ne3A_27, %ne3A_23 : i1
    %add3A_29 = arith.addi %rem3A_21, %select_n3A_20 : i32
    %select_n3A_30 = arith.select %and3A_28, %add3A_29, %rem3A_21 : i32
    %mul3A_31 = arith.constant 512 : i32
    %mul3A_32 = arith.muli %select_n3A_30, %mul3A_31 : i32
    %add3A_33 = arith.constant 0 : i32
    %add3A_34 = arith.addi %mul3A_32, %add3A_33 : i32
    %dma_start3A = arith.constant 0 : i32
    %dma_start3A_35 = tpu.memref_slice %arg2[%select_n3A, %add3A_34, %dma_start3A] : memref<4x4096x2048xf32, #tpu.memory_space<hbm>> -> memref<1x2x2048xf32, #tpu.memory_space<hbm>>
    %dma_start3A_36 = tpu.memref_squeeze %dma_start3A_35 : memref<1x2x2048xf32, #tpu.memory_space<hbm>> -> memref<2x2048xf32, #tpu.memory_space<hbm>>
    %dma_start3A_37 = arith.constant 0 : i32
    %dma_start3A_38 = tpu.memref_slice %arg2[%select_n3A, %add3A_34, %dma_start3A_37] : memref<4x4096x2048xf32, #tpu.memory_space<hbm>> -> memref<1x2x2048xf32, #tpu.memory_space<hbm>>
    %dma_start3A_39 = tpu.memref_squeeze %dma_start3A_38 : memref<1x2x2048xf32, #tpu.memory_space<hbm>> -> memref<2x2048xf32, #tpu.memory_space<hbm>>
    tpu.enqueue_dma source(%dma_start3A_39 : memref<2x2048xf32, #tpu.memory_space<hbm>>) target(%arg4 : memref<2x2048xf32, #tpu.memory_space<vmem>>) target_semaphore(%arg20 : memref<!tpu.dma_semaphore, #tpu.memory_space<semaphore_mem>>)
    %add3A_40 = arith.constant 2 : i32
    %add3A_41 = arith.addi %mul3A_32, %add3A_40 : i32
    %dma_start3A_42 = arith.constant 0 : i32
    %dma_start3A_43 = tpu.memref_slice %arg2[%select_n3A, %add3A_41, %dma_start3A_42] : memref<4x4096x2048xf32, #tpu.memory_space<hbm>> -> memref<1x2x2048xf32, #tpu.memory_space<hbm>>
    %dma_start3A_44 = tpu.memref_squeeze %dma_start3A_43 : memref<1x2x2048xf32, #tpu.memory_space<hbm>> -> memref<2x2048xf32, #tpu.memory_space<hbm>>
    %dma_start3A_45 = arith.constant 0 : i32
    %dma_start3A_46 = tpu.memref_slice %arg2[%select_n3A, %add3A_41, %dma_start3A_45] : memref<4x4096x2048xf32, #tpu.memory_space<hbm>> -> memref<1x2x2048xf32, #tpu.memory_space<hbm>>
    %dma_start3A_47 = tpu.memref_squeeze %dma_start3A_46 : memref<1x2x2048xf32, #tpu.memory_space<hbm>> -> memref<2x2048xf32, #tpu.memory_space<hbm>>
    tpu.enqueue_dma source(%dma_start3A_47 : memref<2x2048xf32, #tpu.memory_space<hbm>>) target(%arg5 : memref<2x2048xf32, #tpu.memory_space<vmem>>) target_semaphore(%arg21 : memref<!tpu.dma_semaphore, #tpu.memory_space<semaphore_mem>>)
    %add3A_48 = arith.constant 4 : i32
    %add3A_49 = arith.addi %mul3A_32, %add3A_48 : i32
    %dma_start3A_50 = arith.constant 0 : i32
    %dma_start3A_51 = tpu.memref_slice %arg2[%select_n3A, %add3A_49, %dma_start3A_50] : memref<4x4096x2048xf32, #tpu.memory_space<hbm>> -> memref<1x2x2048xf32, #tpu.memory_space<hbm>>
    %dma_start3A_52 = tpu.memref_squeeze %dma_start3A_51 : memref<1x2x2048xf32, #tpu.memory_space<hbm>> -> memref<2x2048xf32, #tpu.memory_space<hbm>>
    %dma_start3A_53 = arith.constant 0 : i32
    %dma_start3A_54 = tpu.memref_slice %arg2[%select_n3A, %add3A_49, %dma_start3A_53] : memref<4x4096x2048xf32, #tpu.memory_space<hbm>> -> memref<1x2x2048xf32, #tpu.memory_space<hbm>>
    %dma_start3A_55 = tpu.memref_squeeze %dma_start3A_54 : memref<1x2x2048xf32, #tpu.memory_space<hbm>> -> memref<2x2048xf32, #tpu.memory_space<hbm>>
    tpu.enqueue_dma source(%dma_start3A_55 : memref<2x2048xf32, #tpu.memory_space<hbm>>) target(%arg6 : memref<2x2048xf32, #tpu.memory_space<vmem>>) target_semaphore(%arg22 : memref<!tpu.dma_semaphore, #tpu.memory_space<semaphore_mem>>)
    %add3A_56 = arith.constant 6 : i32
    %add3A_57 = arith.addi %mul3A_32, %add3A_56 : i32
    %dma_start3A_58 = arith.constant 0 : i32
    %dma_start3A_59 = tpu.memref_slice %arg2[%select_n3A, %add3A_57, %dma_start3A_58] : memref<4x4096x2048xf32, #tpu.memory_space<hbm>> -> memref<1x2x2048xf32, #tpu.memory_space<hbm>>
    %dma_start3A_60 = tpu.memref_squeeze %dma_start3A_59 : memref<1x2x2048xf32, #tpu.memory_space<hbm>> -> memref<2x2048xf32, #tpu.memory_space<hbm>>
    %dma_start3A_61 = arith.constant 0 : i32
    %dma_start3A_62 = tpu.memref_slice %arg2[%select_n3A, %add3A_57, %dma_start3A_61] : memref<4x4096x2048xf32, #tpu.memory_space<hbm>> -> memref<1x2x2048xf32, #tpu.memory_space<hbm>>
    %dma_start3A_63 = tpu.memref_squeeze %dma_start3A_62 : memref<1x2x2048xf32, #tpu.memory_space<hbm>> -> memref<2x2048xf32, #tpu.memory_space<hbm>>
    tpu.enqueue_dma source(%dma_start3A_63 : memref<2x2048xf32, #tpu.memory_space<hbm>>) target(%arg7 : memref<2x2048xf32, #tpu.memory_space<vmem>>) target_semaphore(%arg23 : memref<!tpu.dma_semaphore, #tpu.memory_space<semaphore_mem>>)
    %add3A_64 = arith.constant 8 : i32
    %add3A_65 = arith.addi %mul3A_32, %add3A_64 : i32
    %dma_start3A_66 = arith.constant 0 : i32
    %dma_start3A_67 = tpu.memref_slice %arg2[%select_n3A, %add3A_65, %dma_start3A_66] : memref<4x4096x2048xf32, #tpu.memory_space<hbm>> -> memref<1x2x2048xf32, #tpu.memory_space<hbm>>
    %dma_start3A_68 = tpu.memref_squeeze %dma_start3A_67 : memref<1x2x2048xf32, #tpu.memory_space<hbm>> -> memref<2x2048xf32, #tpu.memory_space<hbm>>
    %dma_start3A_69 = arith.constant 0 : i32
    %dma_start3A_70 = tpu.memref_slice %arg2[%select_n3A, %add3A_65, %dma_start3A_69] : memref<4x4096x2048xf32, #tpu.memory_space<hbm>> -> memref<1x2x2048xf32, #tpu.memory_space<hbm>>
    %dma_start3A_71 = tpu.memref_squeeze %dma_start3A_70 : memref<1x2x2048xf32, #tpu.memory_space<hbm>> -> memref<2x2048xf32, #tpu.memory_space<hbm>>
    tpu.enqueue_dma source(%dma_start3A_71 : memref<2x2048xf32, #tpu.memory_space<hbm>>) target(%arg8 : memref<2x2048xf32, #tpu.memory_space<vmem>>) target_semaphore(%arg24 : memref<!tpu.dma_semaphore, #tpu.memory_space<semaphore_mem>>)
    %add3A_72 = arith.constant 10 : i32
    %add3A_73 = arith.addi %mul3A_32, %add3A_72 : i32
    %dma_start3A_74 = arith.constant 0 : i32
    %dma_start3A_75 = tpu.memref_slice %arg2[%select_n3A, %add3A_73, %dma_start3A_74] : memref<4x4096x2048xf32, #tpu.memory_space<hbm>> -> memref<1x2x2048xf32, #tpu.memory_space<hbm>>
    %dma_start3A_76 = tpu.memref_squeeze %dma_start3A_75 : memref<1x2x2048xf32, #tpu.memory_space<hbm>> -> memref<2x2048xf32, #tpu.memory_space<hbm>>
    %dma_start3A_77 = arith.constant 0 : i32
    %dma_start3A_78 = tpu.memref_slice %arg2[%select_n3A, %add3A_73, %dma_start3A_77] : memref<4x4096x2048xf32, #tpu.memory_space<hbm>> -> memref<1x2x2048xf32, #tpu.memory_space<hbm>>
    %dma_start3A_79 = tpu.memref_squeeze %dma_start3A_78 : memref<1x2x2048xf32, #tpu.memory_space<hbm>> -> memref<2x2048xf32, #tpu.memory_space<hbm>>
    tpu.enqueue_dma source(%dma_start3A_79 : memref<2x2048xf32, #tpu.memory_space<hbm>>) target(%arg9 : memref<2x2048xf32, #tpu.memory_space<vmem>>) target_semaphore(%arg25 : memref<!tpu.dma_semaphore, #tpu.memory_space<semaphore_mem>>)
    %add3A_80 = arith.constant 12 : i32
    %add3A_81 = arith.addi %mul3A_32, %add3A_80 : i32
    %dma_start3A_82 = arith.constant 0 : i32
    %dma_start3A_83 = tpu.memref_slice %arg2[%select_n3A, %add3A_81, %dma_start3A_82] : memref<4x4096x2048xf32, #tpu.memory_space<hbm>> -> memref<1x2x2048xf32, #tpu.memory_space<hbm>>
    %dma_start3A_84 = tpu.memref_squeeze %dma_start3A_83 : memref<1x2x2048xf32, #tpu.memory_space<hbm>> -> memref<2x2048xf32, #tpu.memory_space<hbm>>
    %dma_start3A_85 = arith.constant 0 : i32
    %dma_start3A_86 = tpu.memref_slice %arg2[%select_n3A, %add3A_81, %dma_start3A_85] : memref<4x4096x2048xf32, #tpu.memory_space<hbm>> -> memref<1x2x2048xf32, #tpu.memory_space<hbm>>
    %dma_start3A_87 = tpu.memref_squeeze %dma_start3A_86 : memref<1x2x2048xf32, #tpu.memory_space<hbm>> -> memref<2x2048xf32, #tpu.memory_space<hbm>>
    tpu.enqueue_dma source(%dma_start3A_87 : memref<2x2048xf32, #tpu.memory_space<hbm>>) target(%arg10 : memref<2x2048xf32, #tpu.memory_space<vmem>>) target_semaphore(%arg26 : memref<!tpu.dma_semaphore, #tpu.memory_space<semaphore_mem>>)
    %add3A_88 = arith.constant 14 : i32
    %add3A_89 = arith.addi %mul3A_32, %add3A_88 : i32
    %dma_start3A_90 = arith.constant 0 : i32
    %dma_start3A_91 = tpu.memref_slice %arg2[%select_n3A, %add3A_89, %dma_start3A_90] : memref<4x4096x2048xf32, #tpu.memory_space<hbm>> -> memref<1x2x2048xf32, #tpu.memory_space<hbm>>
    %dma_start3A_92 = tpu.memref_squeeze %dma_start3A_91 : memref<1x2x2048xf32, #tpu.memory_space<hbm>> -> memref<2x2048xf32, #tpu.memory_space<hbm>>
    %dma_start3A_93 = arith.constant 0 : i32
    %dma_start3A_94 = tpu.memref_slice %arg2[%select_n3A, %add3A_89, %dma_start3A_93] : memref<4x4096x2048xf32, #tpu.memory_space<hbm>> -> memref<1x2x2048xf32, #tpu.memory_space<hbm>>
    %dma_start3A_95 = tpu.memref_squeeze %dma_start3A_94 : memref<1x2x2048xf32, #tpu.memory_space<hbm>> -> memref<2x2048xf32, #tpu.memory_space<hbm>>
    tpu.enqueue_dma source(%dma_start3A_95 : memref<2x2048xf32, #tpu.memory_space<hbm>>) target(%arg11 : memref<2x2048xf32, #tpu.memory_space<vmem>>) target_semaphore(%arg27 : memref<!tpu.dma_semaphore, #tpu.memory_space<semaphore_mem>>)
    %scan3A = arith.constant 0 : i32
    %scan3A_96 = arith.constant 0 : i32
    %scan3A_97 = arith.constant 32 : i32
    %scan3A_98 = arith.addi %scan3A_96, %scan3A_97 : i32
    %scan3A_99 = arith.constant 1 : i32
    scf.for %scan3A_164 = %scan3A_96 to %scan3A_98 step %scan3A_99  : i32 {
      %mul3A_165 = arith.constant 8 : i32
      %mul3A_166 = arith.muli %scan3A_164, %mul3A_165 : i32
      %add3A_167 = arith.constant 0 : i32
      %add3A_168 = arith.addi %mul3A_166, %add3A_167 : i32
      %mul3A_169 = arith.constant 2 : i32
      %mul3A_170 = arith.muli %add3A_168, %mul3A_169 : i32
      %add3A_171 = arith.addi %mul3A_32, %mul3A_170 : i32
      %dma_wait3A_172 = arith.constant 0 : i32
      %dma_wait3A_173 = tpu.memref_slice %arg2[%select_n3A, %add3A_171, %dma_wait3A_172] : memref<4x4096x2048xf32, #tpu.memory_space<hbm>> -> memref<1x2x2048xf32, #tpu.memory_space<hbm>>
      %dma_wait3A_174 = tpu.memref_squeeze %dma_wait3A_173 : memref<1x2x2048xf32, #tpu.memory_space<hbm>> -> memref<2x2048xf32, #tpu.memory_space<hbm>>
      %dma_wait3A_175 = arith.constant 0 : i32
      %dma_wait3A_176 = tpu.memref_slice %arg2[%select_n3A, %add3A_171, %dma_wait3A_175] : memref<4x4096x2048xf32, #tpu.memory_space<hbm>> -> memref<1x2x2048xf32, #tpu.memory_space<hbm>>
      %dma_wait3A_177 = tpu.memref_squeeze %dma_wait3A_176 : memref<1x2x2048xf32, #tpu.memory_space<hbm>> -> memref<2x2048xf32, #tpu.memory_space<hbm>>
      tpu.wait_dma2 semaphore(%arg20 : memref<!tpu.dma_semaphore, #tpu.memory_space<semaphore_mem>>) src(%dma_wait3A_177 : memref<2x2048xf32, #tpu.memory_space<hbm>>) dst(%arg4 : memref<2x2048xf32, #tpu.memory_space<vmem>>)
      %gt3A = arith.constant 0 : i32
      %gt3A_178 = arith.cmpi sgt, %scan3A_164, %gt3A : i32
      %convert_element_type3A = arith.extui %gt3A_178 : i1 to i32
      %cond3A = arith.constant 0 : i32
      %cond3A_179 = arith.cmpi ne, %convert_element_type3A, %cond3A : i32
      scf.if %cond3A_179 {
        %mul3A_511 = arith.constant 2 : i32
        %mul3A_512 = arith.muli %add3A_168, %mul3A_511 : i32
        %add3A_513 = arith.addi %mul3A_32, %mul3A_512 : i32
        %dma_wait3A_514 = arith.constant 0 : i32
        %dma_wait3A_515 = tpu.memref_slice %arg3[%select_n3A, %add3A_513, %dma_wait3A_514] : memref<4x4096x2048xf32, #tpu.memory_space<hbm>> -> memref<1x2x2048xf32, #tpu.memory_space<hbm>>
        %dma_wait3A_516 = tpu.memref_squeeze %dma_wait3A_515 : memref<1x2x2048xf32, #tpu.memory_space<hbm>> -> memref<2x2048xf32, #tpu.memory_space<hbm>>
        %dma_wait3A_517 = arith.constant 0 : i32
        %dma_wait3A_518 = tpu.memref_slice %arg3[%select_n3A, %add3A_513, %dma_wait3A_517] : memref<4x4096x2048xf32, #tpu.memory_space<hbm>> -> memref<1x2x2048xf32, #tpu.memory_space<hbm>>
        %dma_wait3A_519 = tpu.memref_squeeze %dma_wait3A_518 : memref<1x2x2048xf32, #tpu.memory_space<hbm>> -> memref<2x2048xf32, #tpu.memory_space<hbm>>
        tpu.wait_dma2 semaphore(%arg28 : memref<!tpu.dma_semaphore, #tpu.memory_space<semaphore_mem>>) src(%arg12 : memref<2x2048xf32, #tpu.memory_space<vmem>>) dst(%dma_wait3A_519 : memref<2x2048xf32, #tpu.memory_space<hbm>>)
      } else {
      }
      %iota3A = tpu.iota {dimensions = array<i32: 0>} : vector<16xi32>
      %lt3A_180 = arith.constant 8 : i32
      %lt3A_181 = vector.broadcast %lt3A_180 : i32 to vector<16xi32>
      %lt3A_182 = arith.cmpi slt, %iota3A, %lt3A_181 : vector<16xi32>
      %jit3A_183 = arith.constant -2147483648 : i32
      %jit3A_184 = arith.constant 0 : i32
      %broadcast_in_dim3A = vector.broadcast %jit3A_183 : i32 to vector<16xi32>
      %broadcast_in_dim3A_185 = vector.broadcast %jit3A_184 : i32 to vector<16xi32>
      %select_n3A_186 = arith.select %lt3A_182, %broadcast_in_dim3A, %broadcast_in_dim3A_185 : vector<16xi1>, vector<16xi32>
      %parallel_loop3A = arith.constant 0 : i32
      %parallel_loop3A_187 = arith.constant 2048 : i32
      %parallel_loop3A_188 = arith.constant 16 : i32
      scf.for %parallel_loop3A_511 = %parallel_loop3A to %parallel_loop3A_187 step %parallel_loop3A_188  : i32 {
        %parallel_loop3A_512 = arith.constant 0 : i32
        %parallel_loop3A_513 = arith.index_cast %parallel_loop3A_512 : i32 to index
        %parallel_loop3A_514 = arith.index_cast %parallel_loop3A_511 : i32 to index
        %parallel_loop3A_515 = tpu.vector_load %arg4[%parallel_loop3A_513, %parallel_loop3A_514] {strides = array<i32>} : memref<2x2048xf32, #tpu.memory_space<vmem>>, vector<16xf32>,
        %parallel_loop3A_516 = vector.bitcast %parallel_loop3A_515 : vector<16xf32> to vector<16xi32>
        %parallel_loop3A_517 = arith.constant 31 : i32
        %parallel_loop3A_518 = vector.broadcast %parallel_loop3A_517 : i32 to vector<16xi32>
        %parallel_loop3A_519 = arith.shrsi %parallel_loop3A_516, %parallel_loop3A_518 : vector<16xi32>
        %parallel_loop3A_520 = arith.constant -2147483648 : i32
        %parallel_loop3A_521 = vector.broadcast %parallel_loop3A_520 : i32 to vector<16xi32>
        %parallel_loop3A_522 = arith.ori %parallel_loop3A_519, %parallel_loop3A_521 : vector<16xi32>
        %parallel_loop3A_523 = arith.xori %parallel_loop3A_516, %parallel_loop3A_522 : vector<16xi32>
        %parallel_loop3A_524 = vector.bitcast %parallel_loop3A_523 : vector<16xi32> to vector<16xi32>
        %parallel_loop3A_525 = arith.constant 1 : i32
        %parallel_loop3A_526 = vector.broadcast %parallel_loop3A_525 : i32 to vector<16xi32>
        %parallel_loop3A_527 = arith.shrui %parallel_loop3A_524, %parallel_loop3A_526 : vector<16xi32>
        %parallel_loop3A_528 = arith.ori %parallel_loop3A_527, %select_n3A_186 : vector<16xi32>
        %parallel_loop3A_529 = arith.constant dense<true> : vector<16xi1>
        %parallel_loop3A_530, %parallel_loop3A_531, %parallel_loop3A_532 = tpu.sort %parallel_loop3A_528, %parallel_loop3A_515 masked %parallel_loop3A_529 {descending = true} : (vector<16xi32>, vector<16xf32>, vector<16xi1>) -> (vector<16xi1>, vector<16xi32>, vector<16xf32>)
        %parallel_loop3A_533 = arith.constant 0 : i32
        %parallel_loop3A_534 = arith.index_cast %parallel_loop3A_533 : i32 to index
        %parallel_loop3A_535 = arith.index_cast %parallel_loop3A_511 : i32 to index
        %parallel_loop3A_536 = tpu.vector_load %arg12[%parallel_loop3A_534, %parallel_loop3A_535] {strides = array<i32>} : memref<2x2048xf32, #tpu.memory_space<vmem>>, vector<16xf32>,
        tpu.vector_store %arg12[%parallel_loop3A_534, %parallel_loop3A_535], %parallel_loop3A_532 {strides = array<i32>} : memref<2x2048xf32, #tpu.memory_space<vmem>>, vector<16xf32>,
        %parallel_loop3A_537 = arith.constant 1 : i32
        %parallel_loop3A_538 = arith.index_cast %parallel_loop3A_537 : i32 to index
        %parallel_loop3A_539 = arith.index_cast %parallel_loop3A_511 : i32 to index
        %parallel_loop3A_540 = tpu.vector_load %arg4[%parallel_loop3A_538, %parallel_loop3A_539] {strides = array<i32>} : memref<2x2048xf32, #tpu.memory_space<vmem>>, vector<16xf32>,
        %parallel_loop3A_541 = vector.bitcast %parallel_loop3A_540 : vector<16xf32> to vector<16xi32>
        %parallel_loop3A_542 = arith.constant 31 : i32
        %parallel_loop3A_543 = vector.broadcast %parallel_loop3A_542 : i32 to vector<16xi32>
        %parallel_loop3A_544 = arith.shrsi %parallel_loop3A_541, %parallel_loop3A_543 : vector<16xi32>
        %parallel_loop3A_545 = arith.constant -2147483648 : i32
        %parallel_loop3A_546 = vector.broadcast %parallel_loop3A_545 : i32 to vector<16xi32>
        %parallel_loop3A_547 = arith.ori %parallel_loop3A_544, %parallel_loop3A_546 : vector<16xi32>
        %parallel_loop3A_548 = arith.xori %parallel_loop3A_541, %parallel_loop3A_547 : vector<16xi32>
        %parallel_loop3A_549 = vector.bitcast %parallel_loop3A_548 : vector<16xi32> to vector<16xi32>
        %parallel_loop3A_550 = arith.constant 1 : i32
        %parallel_loop3A_551 = vector.broadcast %parallel_loop3A_550 : i32 to vector<16xi32>
        %parallel_loop3A_552 = arith.shrui %parallel_loop3A_549, %parallel_loop3A_551 : vector<16xi32>
        %parallel_loop3A_553 = arith.ori %parallel_loop3A_552, %select_n3A_186 : vector<16xi32>
        %parallel_loop3A_554 = arith.constant dense<true> : vector<16xi1>
        %parallel_loop3A_555, %parallel_loop3A_556, %parallel_loop3A_557 = tpu.sort %parallel_loop3A_553, %parallel_loop3A_540 masked %parallel_loop3A_554 {descending = true} : (vector<16xi32>, vector<16xf32>, vector<16xi1>) -> (vector<16xi1>, vector<16xi32>, vector<16xf32>)
        %parallel_loop3A_558 = arith.constant 1 : i32
        %parallel_loop3A_559 = arith.index_cast %parallel_loop3A_558 : i32 to index
        %parallel_loop3A_560 = arith.index_cast %parallel_loop3A_511 : i32 to index
        %parallel_loop3A_561 = tpu.vector_load %arg12[%parallel_loop3A_559, %parallel_loop3A_560] {strides = array<i32>} : memref<2x2048xf32, #tpu.memory_space<vmem>>, vector<16xf32>,
        tpu.vector_store %arg12[%parallel_loop3A_559, %parallel_loop3A_560], %parallel_loop3A_557 {strides = array<i32>} : memref<2x2048xf32, #tpu.memory_space<vmem>>, vector<16xf32>,
      } {sc.loop_unroll_factor = 2 : i64, sc.parallel_access}
      %mul3A_189 = arith.constant 2 : i32
      %mul3A_190 = arith.muli %add3A_168, %mul3A_189 : i32
      %add3A_191 = arith.addi %mul3A_32, %mul3A_190 : i32
      %dma_start3A_192 = arith.constant 0 : i32
      %dma_start3A_193 = tpu.memref_slice %arg3[%select_n3A, %add3A_191, %dma_start3A_192] : memref<4x4096x2048xf32, #tpu.memory_space<hbm>> -> memref<1x2x2048xf32, #tpu.memory_space<hbm>>
      %dma_start3A_194 = tpu.memref_squeeze %dma_start3A_193 : memref<1x2x2048xf32, #tpu.memory_space<hbm>> -> memref<2x2048xf32, #tpu.memory_space<hbm>>
      %dma_start3A_195 = arith.constant 0 : i32
      %dma_start3A_196 = tpu.memref_slice %arg3[%select_n3A, %add3A_191, %dma_start3A_195] : memref<4x4096x2048xf32, #tpu.memory_space<hbm>> -> memref<1x2x2048xf32, #tpu.memory_space<hbm>>
      %dma_start3A_197 = tpu.memref_squeeze %dma_start3A_196 : memref<1x2x2048xf32, #tpu.memory_space<hbm>> -> memref<2x2048xf32, #tpu.memory_space<hbm>>
      tpu.enqueue_dma source(%arg12 : memref<2x2048xf32, #tpu.memory_space<vmem>>) target(%dma_start3A_197 : memref<2x2048xf32, #tpu.memory_space<hbm>>) target_semaphore(%arg28 : memref<!tpu.dma_semaphore, #tpu.memory_space<semaphore_mem>>)
      %lt3A_198 = arith.constant 31 : i32
      %lt3A_199 = arith.cmpi slt, %scan3A_164, %lt3A_198 : i32
      %convert_element_type3A_200 = arith.extui %lt3A_199 : i1 to i32
      %cond3A_201 = arith.constant 0 : i32
      %cond3A_202 = arith.cmpi ne, %convert_element_type3A_200, %cond3A_201 : i32
      scf.if %cond3A_202 {
        %add3A_511 = arith.constant 8 : i32
        %add3A_512 = arith.addi %add3A_168, %add3A_511 : i32
        %mul3A_513 = arith.constant 2 : i32
        %mul3A_514 = arith.muli %add3A_512, %mul3A_513 : i32
        %add3A_515 = arith.addi %mul3A_32, %mul3A_514 : i32
        %dma_start3A_516 = arith.constant 0 : i32
        %dma_start3A_517 = tpu.memref_slice %arg2[%select_n3A, %add3A_515, %dma_start3A_516] : memref<4x4096x2048xf32, #tpu.memory_space<hbm>> -> memref<1x2x2048xf32, #tpu.memory_space<hbm>>
        %dma_start3A_518 = tpu.memref_squeeze %dma_start3A_517 : memref<1x2x2048xf32, #tpu.memory_space<hbm>> -> memref<2x2048xf32, #tpu.memory_space<hbm>>
        %dma_start3A_519 = arith.constant 0 : i32
        %dma_start3A_520 = tpu.memref_slice %arg2[%select_n3A, %add3A_515, %dma_start3A_519] : memref<4x4096x2048xf32, #tpu.memory_space<hbm>> -> memref<1x2x2048xf32, #tpu.memory_space<hbm>>
        %dma_start3A_521 = tpu.memref_squeeze %dma_start3A_520 : memref<1x2x2048xf32, #tpu.memory_space<hbm>> -> memref<2x2048xf32, #tpu.memory_space<hbm>>
        tpu.enqueue_dma source(%dma_start3A_521 : memref<2x2048xf32, #tpu.memory_space<hbm>>) target(%arg4 : memref<2x2048xf32, #tpu.memory_space<vmem>>) target_semaphore(%arg20 : memref<!tpu.dma_semaphore, #tpu.memory_space<semaphore_mem>>)
      } else {
      }
      %mul3A_203 = arith.constant 8 : i32
      %mul3A_204 = arith.muli %scan3A_164, %mul3A_203 : i32
      %add3A_205 = arith.constant 1 : i32
      %add3A_206 = arith.addi %mul3A_204, %add3A_205 : i32
      %mul3A_207 = arith.constant 2 : i32
      %mul3A_208 = arith.muli %add3A_206, %mul3A_207 : i32
      %add3A_209 = arith.addi %mul3A_32, %mul3A_208 : i32
      %dma_wait3A_210 = arith.constant 0 : i32
      %dma_wait3A_211 = tpu.memref_slice %arg2[%select_n3A, %add3A_209, %dma_wait3A_210] : memref<4x4096x2048xf32, #tpu.memory_space<hbm>> -> memref<1x2x2048xf32, #tpu.memory_space<hbm>>
      %dma_wait3A_212 = tpu.memref_squeeze %dma_wait3A_211 : memref<1x2x2048xf32, #tpu.memory_space<hbm>> -> memref<2x2048xf32, #tpu.memory_space<hbm>>
      %dma_wait3A_213 = arith.constant 0 : i32
      %dma_wait3A_214 = tpu.memref_slice %arg2[%select_n3A, %add3A_209, %dma_wait3A_213] : memref<4x4096x2048xf32, #tpu.memory_space<hbm>> -> memref<1x2x2048xf32, #tpu.memory_space<hbm>>
      %dma_wait3A_215 = tpu.memref_squeeze %dma_wait3A_214 : memref<1x2x2048xf32, #tpu.memory_space<hbm>> -> memref<2x2048xf32, #tpu.memory_space<hbm>>
      tpu.wait_dma2 semaphore(%arg21 : memref<!tpu.dma_semaphore, #tpu.memory_space<semaphore_mem>>) src(%dma_wait3A_215 : memref<2x2048xf32, #tpu.memory_space<hbm>>) dst(%arg5 : memref<2x2048xf32, #tpu.memory_space<vmem>>)
      %gt3A_216 = arith.constant 0 : i32
      %gt3A_217 = arith.cmpi sgt, %scan3A_164, %gt3A_216 : i32
      %convert_element_type3A_218 = arith.extui %gt3A_217 : i1 to i32
      %cond3A_219 = arith.constant 0 : i32
      %cond3A_220 = arith.cmpi ne, %convert_element_type3A_218, %cond3A_219 : i32
      scf.if %cond3A_220 {
        %mul3A_511 = arith.constant 2 : i32
        %mul3A_512 = arith.muli %add3A_206, %mul3A_511 : i32
        %add3A_513 = arith.addi %mul3A_32, %mul3A_512 : i32
        %dma_wait3A_514 = arith.constant 0 : i32
        %dma_wait3A_515 = tpu.memref_slice %arg3[%select_n3A, %add3A_513, %dma_wait3A_514] : memref<4x4096x2048xf32, #tpu.memory_space<hbm>> -> memref<1x2x2048xf32, #tpu.memory_space<hbm>>
        %dma_wait3A_516 = tpu.memref_squeeze %dma_wait3A_515 : memref<1x2x2048xf32, #tpu.memory_space<hbm>> -> memref<2x2048xf32, #tpu.memory_space<hbm>>
        %dma_wait3A_517 = arith.constant 0 : i32
        %dma_wait3A_518 = tpu.memref_slice %arg3[%select_n3A, %add3A_513, %dma_wait3A_517] : memref<4x4096x2048xf32, #tpu.memory_space<hbm>> -> memref<1x2x2048xf32, #tpu.memory_space<hbm>>
        %dma_wait3A_519 = tpu.memref_squeeze %dma_wait3A_518 : memref<1x2x2048xf32, #tpu.memory_space<hbm>> -> memref<2x2048xf32, #tpu.memory_space<hbm>>
        tpu.wait_dma2 semaphore(%arg29 : memref<!tpu.dma_semaphore, #tpu.memory_space<semaphore_mem>>) src(%arg13 : memref<2x2048xf32, #tpu.memory_space<vmem>>) dst(%dma_wait3A_519 : memref<2x2048xf32, #tpu.memory_space<hbm>>)
      } else {
      }
      %iota3A_221 = tpu.iota {dimensions = array<i32: 0>} : vector<16xi32>
      %lt3A_222 = arith.constant 8 : i32
      %lt3A_223 = vector.broadcast %lt3A_222 : i32 to vector<16xi32>
      %lt3A_224 = arith.cmpi slt, %iota3A_221, %lt3A_223 : vector<16xi32>
      %jit3A_225 = arith.constant -2147483648 : i32
      %jit3A_226 = arith.constant 0 : i32
      %broadcast_in_dim3A_227 = vector.broadcast %jit3A_225 : i32 to vector<16xi32>
      %broadcast_in_dim3A_228 = vector.broadcast %jit3A_226 : i32 to vector<16xi32>
      %select_n3A_229 = arith.select %lt3A_224, %broadcast_in_dim3A_227, %broadcast_in_dim3A_228 : vector<16xi1>, vector<16xi32>
      %parallel_loop3A_230 = arith.constant 0 : i32
      %parallel_loop3A_231 = arith.constant 2048 : i32
      %parallel_loop3A_232 = arith.constant 16 : i32
      scf.for %parallel_loop3A_511 = %parallel_loop3A_230 to %parallel_loop3A_231 step %parallel_loop3A_232  : i32 {
        %parallel_loop3A_512 = arith.constant 0 : i32
        %parallel_loop3A_513 = arith.index_cast %parallel_loop3A_512 : i32 to index
        %parallel_loop3A_514 = arith.index_cast %parallel_loop3A_511 : i32 to index
        %parallel_loop3A_515 = tpu.vector_load %arg5[%parallel_loop3A_513, %parallel_loop3A_514] {strides = array<i32>} : memref<2x2048xf32, #tpu.memory_space<vmem>>, vector<16xf32>,
        %parallel_loop3A_516 = vector.bitcast %parallel_loop3A_515 : vector<16xf32> to vector<16xi32>
        %parallel_loop3A_517 = arith.constant 31 : i32
        %parallel_loop3A_518 = vector.broadcast %parallel_loop3A_517 : i32 to vector<16xi32>
        %parallel_loop3A_519 = arith.shrsi %parallel_loop3A_516, %parallel_loop3A_518 : vector<16xi32>
        %parallel_loop3A_520 = arith.constant -2147483648 : i32
        %parallel_loop3A_521 = vector.broadcast %parallel_loop3A_520 : i32 to vector<16xi32>
        %parallel_loop3A_522 = arith.ori %parallel_loop3A_519, %parallel_loop3A_521 : vector<16xi32>
        %parallel_loop3A_523 = arith.xori %parallel_loop3A_516, %parallel_loop3A_522 : vector<16xi32>
        %parallel_loop3A_524 = vector.bitcast %parallel_loop3A_523 : vector<16xi32> to vector<16xi32>
        %parallel_loop3A_525 = arith.constant 1 : i32
        %parallel_loop3A_526 = vector.broadcast %parallel_loop3A_525 : i32 to vector<16xi32>
        %parallel_loop3A_527 = arith.shrui %parallel_loop3A_524, %parallel_loop3A_526 : vector<16xi32>
        %parallel_loop3A_528 = arith.ori %parallel_loop3A_527, %select_n3A_229 : vector<16xi32>
        %parallel_loop3A_529 = arith.constant dense<true> : vector<16xi1>
        %parallel_loop3A_530, %parallel_loop3A_531, %parallel_loop3A_532 = tpu.sort %parallel_loop3A_528, %parallel_loop3A_515 masked %parallel_loop3A_529 {descending = true} : (vector<16xi32>, vector<16xf32>, vector<16xi1>) -> (vector<16xi1>, vector<16xi32>, vector<16xf32>)
        %parallel_loop3A_533 = arith.constant 0 : i32
        %parallel_loop3A_534 = arith.index_cast %parallel_loop3A_533 : i32 to index
        %parallel_loop3A_535 = arith.index_cast %parallel_loop3A_511 : i32 to index
        %parallel_loop3A_536 = tpu.vector_load %arg13[%parallel_loop3A_534, %parallel_loop3A_535] {strides = array<i32>} : memref<2x2048xf32, #tpu.memory_space<vmem>>, vector<16xf32>,
        tpu.vector_store %arg13[%parallel_loop3A_534, %parallel_loop3A_535], %parallel_loop3A_532 {strides = array<i32>} : memref<2x2048xf32, #tpu.memory_space<vmem>>, vector<16xf32>,
        %parallel_loop3A_537 = arith.constant 1 : i32
        %parallel_loop3A_538 = arith.index_cast %parallel_loop3A_537 : i32 to index
        %parallel_loop3A_539 = arith.index_cast %parallel_loop3A_511 : i32 to index
        %parallel_loop3A_540 = tpu.vector_load %arg5[%parallel_loop3A_538, %parallel_loop3A_539] {strides = array<i32>} : memref<2x2048xf32, #tpu.memory_space<vmem>>, vector<16xf32>,
        %parallel_loop3A_541 = vector.bitcast %parallel_loop3A_540 : vector<16xf32> to vector<16xi32>
        %parallel_loop3A_542 = arith.constant 31 : i32
        %parallel_loop3A_543 = vector.broadcast %parallel_loop3A_542 : i32 to vector<16xi32>
        %parallel_loop3A_544 = arith.shrsi %parallel_loop3A_541, %parallel_loop3A_543 : vector<16xi32>
        %parallel_loop3A_545 = arith.constant -2147483648 : i32
        %parallel_loop3A_546 = vector.broadcast %parallel_loop3A_545 : i32 to vector<16xi32>
        %parallel_loop3A_547 = arith.ori %parallel_loop3A_544, %parallel_loop3A_546 : vector<16xi32>
        %parallel_loop3A_548 = arith.xori %parallel_loop3A_541, %parallel_loop3A_547 : vector<16xi32>
        %parallel_loop3A_549 = vector.bitcast %parallel_loop3A_548 : vector<16xi32> to vector<16xi32>
        %parallel_loop3A_550 = arith.constant 1 : i32
        %parallel_loop3A_551 = vector.broadcast %parallel_loop3A_550 : i32 to vector<16xi32>
        %parallel_loop3A_552 = arith.shrui %parallel_loop3A_549, %parallel_loop3A_551 : vector<16xi32>
        %parallel_loop3A_553 = arith.ori %parallel_loop3A_552, %select_n3A_229 : vector<16xi32>
        %parallel_loop3A_554 = arith.constant dense<true> : vector<16xi1>
        %parallel_loop3A_555, %parallel_loop3A_556, %parallel_loop3A_557 = tpu.sort %parallel_loop3A_553, %parallel_loop3A_540 masked %parallel_loop3A_554 {descending = true} : (vector<16xi32>, vector<16xf32>, vector<16xi1>) -> (vector<16xi1>, vector<16xi32>, vector<16xf32>)
        %parallel_loop3A_558 = arith.constant 1 : i32
        %parallel_loop3A_559 = arith.index_cast %parallel_loop3A_558 : i32 to index
        %parallel_loop3A_560 = arith.index_cast %parallel_loop3A_511 : i32 to index
        %parallel_loop3A_561 = tpu.vector_load %arg13[%parallel_loop3A_559, %parallel_loop3A_560] {strides = array<i32>} : memref<2x2048xf32, #tpu.memory_space<vmem>>, vector<16xf32>,
        tpu.vector_store %arg13[%parallel_loop3A_559, %parallel_loop3A_560], %parallel_loop3A_557 {strides = array<i32>} : memref<2x2048xf32, #tpu.memory_space<vmem>>, vector<16xf32>,
      } {sc.loop_unroll_factor = 2 : i64, sc.parallel_access}
      %mul3A_233 = arith.constant 2 : i32
      %mul3A_234 = arith.muli %add3A_206, %mul3A_233 : i32
      %add3A_235 = arith.addi %mul3A_32, %mul3A_234 : i32
      %dma_start3A_236 = arith.constant 0 : i32
      %dma_start3A_237 = tpu.memref_slice %arg3[%select_n3A, %add3A_235, %dma_start3A_236] : memref<4x4096x2048xf32, #tpu.memory_space<hbm>> -> memref<1x2x2048xf32, #tpu.memory_space<hbm>>
      %dma_start3A_238 = tpu.memref_squeeze %dma_start3A_237 : memref<1x2x2048xf32, #tpu.memory_space<hbm>> -> memref<2x2048xf32, #tpu.memory_space<hbm>>
      %dma_start3A_239 = arith.constant 0 : i32
      %dma_start3A_240 = tpu.memref_slice %arg3[%select_n3A, %add3A_235, %dma_start3A_239] : memref<4x4096x2048xf32, #tpu.memory_space<hbm>> -> memref<1x2x2048xf32, #tpu.memory_space<hbm>>
      %dma_start3A_241 = tpu.memref_squeeze %dma_start3A_240 : memref<1x2x2048xf32, #tpu.memory_space<hbm>> -> memref<2x2048xf32, #tpu.memory_space<hbm>>
      tpu.enqueue_dma source(%arg13 : memref<2x2048xf32, #tpu.memory_space<vmem>>) target(%dma_start3A_241 : memref<2x2048xf32, #tpu.memory_space<hbm>>) target_semaphore(%arg29 : memref<!tpu.dma_semaphore, #tpu.memory_space<semaphore_mem>>)
      %lt3A_242 = arith.constant 31 : i32
      %lt3A_243 = arith.cmpi slt, %scan3A_164, %lt3A_242 : i32
      %convert_element_type3A_244 = arith.extui %lt3A_243 : i1 to i32
      %cond3A_245 = arith.constant 0 : i32
      %cond3A_246 = arith.cmpi ne, %convert_element_type3A_244, %cond3A_245 : i32
      scf.if %cond3A_246 {
        %add3A_511 = arith.constant 8 : i32
        %add3A_512 = arith.addi %add3A_206, %add3A_511 : i32
        %mul3A_513 = arith.constant 2 : i32
        %mul3A_514 = arith.muli %add3A_512, %mul3A_513 : i32
        %add3A_515 = arith.addi %mul3A_32, %mul3A_514 : i32
        %dma_start3A_516 = arith.constant 0 : i32
        %dma_start3A_517 = tpu.memref_slice %arg2[%select_n3A, %add3A_515, %dma_start3A_516] : memref<4x4096x2048xf32, #tpu.memory_space<hbm>> -> memref<1x2x2048xf32, #tpu.memory_space<hbm>>
        %dma_start3A_518 = tpu.memref_squeeze %dma_start3A_517 : memref<1x2x2048xf32, #tpu.memory_space<hbm>> -> memref<2x2048xf32, #tpu.memory_space<hbm>>
        %dma_start3A_519 = arith.constant 0 : i32
        %dma_start3A_520 = tpu.memref_slice %arg2[%select_n3A, %add3A_515, %dma_start3A_519] : memref<4x4096x2048xf32, #tpu.memory_space<hbm>> -> memref<1x2x2048xf32, #tpu.memory_space<hbm>>
        %dma_start3A_521 = tpu.memref_squeeze %dma_start3A_520 : memref<1x2x2048xf32, #tpu.memory_space<hbm>> -> memref<2x2048xf32, #tpu.memory_space<hbm>>
        tpu.enqueue_dma source(%dma_start3A_521 : memref<2x2048xf32, #tpu.memory_space<hbm>>) target(%arg5 : memref<2x2048xf32, #tpu.memory_space<vmem>>) target_semaphore(%arg21 : memref<!tpu.dma_semaphore, #tpu.memory_space<semaphore_mem>>)
      } else {
      }
      %mul3A_247 = arith.constant 8 : i32
      %mul3A_248 = arith.muli %scan3A_164, %mul3A_247 : i32
      %add3A_249 = arith.constant 2 : i32
      %add3A_250 = arith.addi %mul3A_248, %add3A_249 : i32
      %mul3A_251 = arith.constant 2 : i32
      %mul3A_252 = arith.muli %add3A_250, %mul3A_251 : i32
      %add3A_253 = arith.addi %mul3A_32, %mul3A_252 : i32
      %dma_wait3A_254 = arith.constant 0 : i32
      %dma_wait3A_255 = tpu.memref_slice %arg2[%select_n3A, %add3A_253, %dma_wait3A_254] : memref<4x4096x2048xf32, #tpu.memory_space<hbm>> -> memref<1x2x2048xf32, #tpu.memory_space<hbm>>
      %dma_wait3A_256 = tpu.memref_squeeze %dma_wait3A_255 : memref<1x2x2048xf32, #tpu.memory_space<hbm>> -> memref<2x2048xf32, #tpu.memory_space<hbm>>
      %dma_wait3A_257 = arith.constant 0 : i32
      %dma_wait3A_258 = tpu.memref_slice %arg2[%select_n3A, %add3A_253, %dma_wait3A_257] : memref<4x4096x2048xf32, #tpu.memory_space<hbm>> -> memref<1x2x2048xf32, #tpu.memory_space<hbm>>
      %dma_wait3A_259 = tpu.memref_squeeze %dma_wait3A_258 : memref<1x2x2048xf32, #tpu.memory_space<hbm>> -> memref<2x2048xf32, #tpu.memory_space<hbm>>
      tpu.wait_dma2 semaphore(%arg22 : memref<!tpu.dma_semaphore, #tpu.memory_space<semaphore_mem>>) src(%dma_wait3A_259 : memref<2x2048xf32, #tpu.memory_space<hbm>>) dst(%arg6 : memref<2x2048xf32, #tpu.memory_space<vmem>>)
      %gt3A_260 = arith.constant 0 : i32
      %gt3A_261 = arith.cmpi sgt, %scan3A_164, %gt3A_260 : i32
      %convert_element_type3A_262 = arith.extui %gt3A_261 : i1 to i32
      %cond3A_263 = arith.constant 0 : i32
      %cond3A_264 = arith.cmpi ne, %convert_element_type3A_262, %cond3A_263 : i32
      scf.if %cond3A_264 {
        %mul3A_511 = arith.constant 2 : i32
        %mul3A_512 = arith.muli %add3A_250, %mul3A_511 : i32
        %add3A_513 = arith.addi %mul3A_32, %mul3A_512 : i32
        %dma_wait3A_514 = arith.constant 0 : i32
        %dma_wait3A_515 = tpu.memref_slice %arg3[%select_n3A, %add3A_513, %dma_wait3A_514] : memref<4x4096x2048xf32, #tpu.memory_space<hbm>> -> memref<1x2x2048xf32, #tpu.memory_space<hbm>>
        %dma_wait3A_516 = tpu.memref_squeeze %dma_wait3A_515 : memref<1x2x2048xf32, #tpu.memory_space<hbm>> -> memref<2x2048xf32, #tpu.memory_space<hbm>>
        %dma_wait3A_517 = arith.constant 0 : i32
        %dma_wait3A_518 = tpu.memref_slice %arg3[%select_n3A, %add3A_513, %dma_wait3A_517] : memref<4x4096x2048xf32, #tpu.memory_space<hbm>> -> memref<1x2x2048xf32, #tpu.memory_space<hbm>>
        %dma_wait3A_519 = tpu.memref_squeeze %dma_wait3A_518 : memref<1x2x2048xf32, #tpu.memory_space<hbm>> -> memref<2x2048xf32, #tpu.memory_space<hbm>>
        tpu.wait_dma2 semaphore(%arg30 : memref<!tpu.dma_semaphore, #tpu.memory_space<semaphore_mem>>) src(%arg14 : memref<2x2048xf32, #tpu.memory_space<vmem>>) dst(%dma_wait3A_519 : memref<2x2048xf32, #tpu.memory_space<hbm>>)
      } else {
      }
      %iota3A_265 = tpu.iota {dimensions = array<i32: 0>} : vector<16xi32>
      %lt3A_266 = arith.constant 8 : i32
      %lt3A_267 = vector.broadcast %lt3A_266 : i32 to vector<16xi32>
      %lt3A_268 = arith.cmpi slt, %iota3A_265, %lt3A_267 : vector<16xi32>
      %jit3A_269 = arith.constant -2147483648 : i32
      %jit3A_270 = arith.constant 0 : i32
      %broadcast_in_dim3A_271 = vector.broadcast %jit3A_269 : i32 to vector<16xi32>
      %broadcast_in_dim3A_272 = vector.broadcast %jit3A_270 : i32 to vector<16xi32>
      %select_n3A_273 = arith.select %lt3A_268, %broadcast_in_dim3A_271, %broadcast_in_dim3A_272 : vector<16xi1>, vector<16xi32>
      %parallel_loop3A_274 = arith.constant 0 : i32
      %parallel_loop3A_275 = arith.constant 2048 : i32
      %parallel_loop3A_276 = arith.constant 16 : i32
      scf.for %parallel_loop3A_511 = %parallel_loop3A_274 to %parallel_loop3A_275 step %parallel_loop3A_276  : i32 {
        %parallel_loop3A_512 = arith.constant 0 : i32
        %parallel_loop3A_513 = arith.index_cast %parallel_loop3A_512 : i32 to index
        %parallel_loop3A_514 = arith.index_cast %parallel_loop3A_511 : i32 to index
        %parallel_loop3A_515 = tpu.vector_load %arg6[%parallel_loop3A_513, %parallel_loop3A_514] {strides = array<i32>} : memref<2x2048xf32, #tpu.memory_space<vmem>>, vector<16xf32>,
        %parallel_loop3A_516 = vector.bitcast %parallel_loop3A_515 : vector<16xf32> to vector<16xi32>
        %parallel_loop3A_517 = arith.constant 31 : i32
        %parallel_loop3A_518 = vector.broadcast %parallel_loop3A_517 : i32 to vector<16xi32>
        %parallel_loop3A_519 = arith.shrsi %parallel_loop3A_516, %parallel_loop3A_518 : vector<16xi32>
        %parallel_loop3A_520 = arith.constant -2147483648 : i32
        %parallel_loop3A_521 = vector.broadcast %parallel_loop3A_520 : i32 to vector<16xi32>
        %parallel_loop3A_522 = arith.ori %parallel_loop3A_519, %parallel_loop3A_521 : vector<16xi32>
        %parallel_loop3A_523 = arith.xori %parallel_loop3A_516, %parallel_loop3A_522 : vector<16xi32>
        %parallel_loop3A_524 = vector.bitcast %parallel_loop3A_523 : vector<16xi32> to vector<16xi32>
        %parallel_loop3A_525 = arith.constant 1 : i32
        %parallel_loop3A_526 = vector.broadcast %parallel_loop3A_525 : i32 to vector<16xi32>
        %parallel_loop3A_527 = arith.shrui %parallel_loop3A_524, %parallel_loop3A_526 : vector<16xi32>
        %parallel_loop3A_528 = arith.ori %parallel_loop3A_527, %select_n3A_273 : vector<16xi32>
        %parallel_loop3A_529 = arith.constant dense<true> : vector<16xi1>
        %parallel_loop3A_530, %parallel_loop3A_531, %parallel_loop3A_532 = tpu.sort %parallel_loop3A_528, %parallel_loop3A_515 masked %parallel_loop3A_529 {descending = true} : (vector<16xi32>, vector<16xf32>, vector<16xi1>) -> (vector<16xi1>, vector<16xi32>, vector<16xf32>)
        %parallel_loop3A_533 = arith.constant 0 : i32
        %parallel_loop3A_534 = arith.index_cast %parallel_loop3A_533 : i32 to index
        %parallel_loop3A_535 = arith.index_cast %parallel_loop3A_511 : i32 to index
        %parallel_loop3A_536 = tpu.vector_load %arg14[%parallel_loop3A_534, %parallel_loop3A_535] {strides = array<i32>} : memref<2x2048xf32, #tpu.memory_space<vmem>>, vector<16xf32>,
        tpu.vector_store %arg14[%parallel_loop3A_534, %parallel_loop3A_535], %parallel_loop3A_532 {strides = array<i32>} : memref<2x2048xf32, #tpu.memory_space<vmem>>, vector<16xf32>,
        %parallel_loop3A_537 = arith.constant 1 : i32
        %parallel_loop3A_538 = arith.index_cast %parallel_loop3A_537 : i32 to index
        %parallel_loop3A_539 = arith.index_cast %parallel_loop3A_511 : i32 to index
        %parallel_loop3A_540 = tpu.vector_load %arg6[%parallel_loop3A_538, %parallel_loop3A_539] {strides = array<i32>} : memref<2x2048xf32, #tpu.memory_space<vmem>>, vector<16xf32>,
        %parallel_loop3A_541 = vector.bitcast %parallel_loop3A_540 : vector<16xf32> to vector<16xi32>
        %parallel_loop3A_542 = arith.constant 31 : i32
        %parallel_loop3A_543 = vector.broadcast %parallel_loop3A_542 : i32 to vector<16xi32>
        %parallel_loop3A_544 = arith.shrsi %parallel_loop3A_541, %parallel_loop3A_543 : vector<16xi32>
        %parallel_loop3A_545 = arith.constant -2147483648 : i32
        %parallel_loop3A_546 = vector.broadcast %parallel_loop3A_545 : i32 to vector<16xi32>
        %parallel_loop3A_547 = arith.ori %parallel_loop3A_544, %parallel_loop3A_546 : vector<16xi32>
        %parallel_loop3A_548 = arith.xori %parallel_loop3A_541, %parallel_loop3A_547 : vector<16xi32>
        %parallel_loop3A_549 = vector.bitcast %parallel_loop3A_548 : vector<16xi32> to vector<16xi32>
        %parallel_loop3A_550 = arith.constant 1 : i32
        %parallel_loop3A_551 = vector.broadcast %parallel_loop3A_550 : i32 to vector<16xi32>
        %parallel_loop3A_552 = arith.shrui %parallel_loop3A_549, %parallel_loop3A_551 : vector<16xi32>
        %parallel_loop3A_553 = arith.ori %parallel_loop3A_552, %select_n3A_273 : vector<16xi32>
        %parallel_loop3A_554 = arith.constant dense<true> : vector<16xi1>
        %parallel_loop3A_555, %parallel_loop3A_556, %parallel_loop3A_557 = tpu.sort %parallel_loop3A_553, %parallel_loop3A_540 masked %parallel_loop3A_554 {descending = true} : (vector<16xi32>, vector<16xf32>, vector<16xi1>) -> (vector<16xi1>, vector<16xi32>, vector<16xf32>)
        %parallel_loop3A_558 = arith.constant 1 : i32
        %parallel_loop3A_559 = arith.index_cast %parallel_loop3A_558 : i32 to index
        %parallel_loop3A_560 = arith.index_cast %parallel_loop3A_511 : i32 to index
        %parallel_loop3A_561 = tpu.vector_load %arg14[%parallel_loop3A_559, %parallel_loop3A_560] {strides = array<i32>} : memref<2x2048xf32, #tpu.memory_space<vmem>>, vector<16xf32>,
        tpu.vector_store %arg14[%parallel_loop3A_559, %parallel_loop3A_560], %parallel_loop3A_557 {strides = array<i32>} : memref<2x2048xf32, #tpu.memory_space<vmem>>, vector<16xf32>,
      } {sc.loop_unroll_factor = 2 : i64, sc.parallel_access}
      %mul3A_277 = arith.constant 2 : i32
      %mul3A_278 = arith.muli %add3A_250, %mul3A_277 : i32
      %add3A_279 = arith.addi %mul3A_32, %mul3A_278 : i32
      %dma_start3A_280 = arith.constant 0 : i32
      %dma_start3A_281 = tpu.memref_slice %arg3[%select_n3A, %add3A_279, %dma_start3A_280] : memref<4x4096x2048xf32, #tpu.memory_space<hbm>> -> memref<1x2x2048xf32, #tpu.memory_space<hbm>>
      %dma_start3A_282 = tpu.memref_squeeze %dma_start3A_281 : memref<1x2x2048xf32, #tpu.memory_space<hbm>> -> memref<2x2048xf32, #tpu.memory_space<hbm>>
      %dma_start3A_283 = arith.constant 0 : i32
      %dma_start3A_284 = tpu.memref_slice %arg3[%select_n3A, %add3A_279, %dma_start3A_283] : memref<4x4096x2048xf32, #tpu.memory_space<hbm>> -> memref<1x2x2048xf32, #tpu.memory_space<hbm>>
      %dma_start3A_285 = tpu.memref_squeeze %dma_start3A_284 : memref<1x2x2048xf32, #tpu.memory_space<hbm>> -> memref<2x2048xf32, #tpu.memory_space<hbm>>
      tpu.enqueue_dma source(%arg14 : memref<2x2048xf32, #tpu.memory_space<vmem>>) target(%dma_start3A_285 : memref<2x2048xf32, #tpu.memory_space<hbm>>) target_semaphore(%arg30 : memref<!tpu.dma_semaphore, #tpu.memory_space<semaphore_mem>>)
      %lt3A_286 = arith.constant 31 : i32
      %lt3A_287 = arith.cmpi slt, %scan3A_164, %lt3A_286 : i32
      %convert_element_type3A_288 = arith.extui %lt3A_287 : i1 to i32
      %cond3A_289 = arith.constant 0 : i32
      %cond3A_290 = arith.cmpi ne, %convert_element_type3A_288, %cond3A_289 : i32
      scf.if %cond3A_290 {
        %add3A_511 = arith.constant 8 : i32
        %add3A_512 = arith.addi %add3A_250, %add3A_511 : i32
        %mul3A_513 = arith.constant 2 : i32
        %mul3A_514 = arith.muli %add3A_512, %mul3A_513 : i32
        %add3A_515 = arith.addi %mul3A_32, %mul3A_514 : i32
        %dma_start3A_516 = arith.constant 0 : i32
        %dma_start3A_517 = tpu.memref_slice %arg2[%select_n3A, %add3A_515, %dma_start3A_516] : memref<4x4096x2048xf32, #tpu.memory_space<hbm>> -> memref<1x2x2048xf32, #tpu.memory_space<hbm>>
        %dma_start3A_518 = tpu.memref_squeeze %dma_start3A_517 : memref<1x2x2048xf32, #tpu.memory_space<hbm>> -> memref<2x2048xf32, #tpu.memory_space<hbm>>
        %dma_start3A_519 = arith.constant 0 : i32
        %dma_start3A_520 = tpu.memref_slice %arg2[%select_n3A, %add3A_515, %dma_start3A_519] : memref<4x4096x2048xf32, #tpu.memory_space<hbm>> -> memref<1x2x2048xf32, #tpu.memory_space<hbm>>
        %dma_start3A_521 = tpu.memref_squeeze %dma_start3A_520 : memref<1x2x2048xf32, #tpu.memory_space<hbm>> -> memref<2x2048xf32, #tpu.memory_space<hbm>>
        tpu.enqueue_dma source(%dma_start3A_521 : memref<2x2048xf32, #tpu.memory_space<hbm>>) target(%arg6 : memref<2x2048xf32, #tpu.memory_space<vmem>>) target_semaphore(%arg22 : memref<!tpu.dma_semaphore, #tpu.memory_space<semaphore_mem>>)
      } else {
      }
      %mul3A_291 = arith.constant 8 : i32
      %mul3A_292 = arith.muli %scan3A_164, %mul3A_291 : i32
      %add3A_293 = arith.constant 3 : i32
      %add3A_294 = arith.addi %mul3A_292, %add3A_293 : i32
      %mul3A_295 = arith.constant 2 : i32
      %mul3A_296 = arith.muli %add3A_294, %mul3A_295 : i32
      %add3A_297 = arith.addi %mul3A_32, %mul3A_296 : i32
      %dma_wait3A_298 = arith.constant 0 : i32
      %dma_wait3A_299 = tpu.memref_slice %arg2[%select_n3A, %add3A_297, %dma_wait3A_298] : memref<4x4096x2048xf32, #tpu.memory_space<hbm>> -> memref<1x2x2048xf32, #tpu.memory_space<hbm>>
      %dma_wait3A_300 = tpu.memref_squeeze %dma_wait3A_299 : memref<1x2x2048xf32, #tpu.memory_space<hbm>> -> memref<2x2048xf32, #tpu.memory_space<hbm>>
      %dma_wait3A_301 = arith.constant 0 : i32
      %dma_wait3A_302 = tpu.memref_slice %arg2[%select_n3A, %add3A_297, %dma_wait3A_301] : memref<4x4096x2048xf32, #tpu.memory_space<hbm>> -> memref<1x2x2048xf32, #tpu.memory_space<hbm>>
      %dma_wait3A_303 = tpu.memref_squeeze %dma_wait3A_302 : memref<1x2x2048xf32, #tpu.memory_space<hbm>> -> memref<2x2048xf32, #tpu.memory_space<hbm>>
      tpu.wait_dma2 semaphore(%arg23 : memref<!tpu.dma_semaphore, #tpu.memory_space<semaphore_mem>>) src(%dma_wait3A_303 : memref<2x2048xf32, #tpu.memory_space<hbm>>) dst(%arg7 : memref<2x2048xf32, #tpu.memory_space<vmem>>)
      %gt3A_304 = arith.constant 0 : i32
      %gt3A_305 = arith.cmpi sgt, %scan3A_164, %gt3A_304 : i32
      %convert_element_type3A_306 = arith.extui %gt3A_305 : i1 to i32
      %cond3A_307 = arith.constant 0 : i32
      %cond3A_308 = arith.cmpi ne, %convert_element_type3A_306, %cond3A_307 : i32
      scf.if %cond3A_308 {
        %mul3A_511 = arith.constant 2 : i32
        %mul3A_512 = arith.muli %add3A_294, %mul3A_511 : i32
        %add3A_513 = arith.addi %mul3A_32, %mul3A_512 : i32
        %dma_wait3A_514 = arith.constant 0 : i32
        %dma_wait3A_515 = tpu.memref_slice %arg3[%select_n3A, %add3A_513, %dma_wait3A_514] : memref<4x4096x2048xf32, #tpu.memory_space<hbm>> -> memref<1x2x2048xf32, #tpu.memory_space<hbm>>
        %dma_wait3A_516 = tpu.memref_squeeze %dma_wait3A_515 : memref<1x2x2048xf32, #tpu.memory_space<hbm>> -> memref<2x2048xf32, #tpu.memory_space<hbm>>
        %dma_wait3A_517 = arith.constant 0 : i32
        %dma_wait3A_518 = tpu.memref_slice %arg3[%select_n3A, %add3A_513, %dma_wait3A_517] : memref<4x4096x2048xf32, #tpu.memory_space<hbm>> -> memref<1x2x2048xf32, #tpu.memory_space<hbm>>
        %dma_wait3A_519 = tpu.memref_squeeze %dma_wait3A_518 : memref<1x2x2048xf32, #tpu.memory_space<hbm>> -> memref<2x2048xf32, #tpu.memory_space<hbm>>
        tpu.wait_dma2 semaphore(%arg31 : memref<!tpu.dma_semaphore, #tpu.memory_space<semaphore_mem>>) src(%arg15 : memref<2x2048xf32, #tpu.memory_space<vmem>>) dst(%dma_wait3A_519 : memref<2x2048xf32, #tpu.memory_space<hbm>>)
      } else {
      }
      %iota3A_309 = tpu.iota {dimensions = array<i32: 0>} : vector<16xi32>
      %lt3A_310 = arith.constant 8 : i32
      %lt3A_311 = vector.broadcast %lt3A_310 : i32 to vector<16xi32>
      %lt3A_312 = arith.cmpi slt, %iota3A_309, %lt3A_311 : vector<16xi32>
      %jit3A_313 = arith.constant -2147483648 : i32
      %jit3A_314 = arith.constant 0 : i32
      %broadcast_in_dim3A_315 = vector.broadcast %jit3A_313 : i32 to vector<16xi32>
      %broadcast_in_dim3A_316 = vector.broadcast %jit3A_314 : i32 to vector<16xi32>
      %select_n3A_317 = arith.select %lt3A_312, %broadcast_in_dim3A_315, %broadcast_in_dim3A_316 : vector<16xi1>, vector<16xi32>
      %parallel_loop3A_318 = arith.constant 0 : i32
      %parallel_loop3A_319 = arith.constant 2048 : i32
      %parallel_loop3A_320 = arith.constant 16 : i32
      scf.for %parallel_loop3A_511 = %parallel_loop3A_318 to %parallel_loop3A_319 step %parallel_loop3A_320  : i32 {
        %parallel_loop3A_512 = arith.constant 0 : i32
        %parallel_loop3A_513 = arith.index_cast %parallel_loop3A_512 : i32 to index
        %parallel_loop3A_514 = arith.index_cast %parallel_loop3A_511 : i32 to index
        %parallel_loop3A_515 = tpu.vector_load %arg7[%parallel_loop3A_513, %parallel_loop3A_514] {strides = array<i32>} : memref<2x2048xf32, #tpu.memory_space<vmem>>, vector<16xf32>,
        %parallel_loop3A_516 = vector.bitcast %parallel_loop3A_515 : vector<16xf32> to vector<16xi32>
        %parallel_loop3A_517 = arith.constant 31 : i32
        %parallel_loop3A_518 = vector.broadcast %parallel_loop3A_517 : i32 to vector<16xi32>
        %parallel_loop3A_519 = arith.shrsi %parallel_loop3A_516, %parallel_loop3A_518 : vector<16xi32>
        %parallel_loop3A_520 = arith.constant -2147483648 : i32
        %parallel_loop3A_521 = vector.broadcast %parallel_loop3A_520 : i32 to vector<16xi32>
        %parallel_loop3A_522 = arith.ori %parallel_loop3A_519, %parallel_loop3A_521 : vector<16xi32>
        %parallel_loop3A_523 = arith.xori %parallel_loop3A_516, %parallel_loop3A_522 : vector<16xi32>
        %parallel_loop3A_524 = vector.bitcast %parallel_loop3A_523 : vector<16xi32> to vector<16xi32>
        %parallel_loop3A_525 = arith.constant 1 : i32
        %parallel_loop3A_526 = vector.broadcast %parallel_loop3A_525 : i32 to vector<16xi32>
        %parallel_loop3A_527 = arith.shrui %parallel_loop3A_524, %parallel_loop3A_526 : vector<16xi32>
        %parallel_loop3A_528 = arith.ori %parallel_loop3A_527, %select_n3A_317 : vector<16xi32>
        %parallel_loop3A_529 = arith.constant dense<true> : vector<16xi1>
        %parallel_loop3A_530, %parallel_loop3A_531, %parallel_loop3A_532 = tpu.sort %parallel_loop3A_528, %parallel_loop3A_515 masked %parallel_loop3A_529 {descending = true} : (vector<16xi32>, vector<16xf32>, vector<16xi1>) -> (vector<16xi1>, vector<16xi32>, vector<16xf32>)
        %parallel_loop3A_533 = arith.constant 0 : i32
        %parallel_loop3A_534 = arith.index_cast %parallel_loop3A_533 : i32 to index
        %parallel_loop3A_535 = arith.index_cast %parallel_loop3A_511 : i32 to index
        %parallel_loop3A_536 = tpu.vector_load %arg15[%parallel_loop3A_534, %parallel_loop3A_535] {strides = array<i32>} : memref<2x2048xf32, #tpu.memory_space<vmem>>, vector<16xf32>,
        tpu.vector_store %arg15[%parallel_loop3A_534, %parallel_loop3A_535], %parallel_loop3A_532 {strides = array<i32>} : memref<2x2048xf32, #tpu.memory_space<vmem>>, vector<16xf32>,
        %parallel_loop3A_537 = arith.constant 1 : i32
        %parallel_loop3A_538 = arith.index_cast %parallel_loop3A_537 : i32 to index
        %parallel_loop3A_539 = arith.index_cast %parallel_loop3A_511 : i32 to index
        %parallel_loop3A_540 = tpu.vector_load %arg7[%parallel_loop3A_538, %parallel_loop3A_539] {strides = array<i32>} : memref<2x2048xf32, #tpu.memory_space<vmem>>, vector<16xf32>,
        %parallel_loop3A_541 = vector.bitcast %parallel_loop3A_540 : vector<16xf32> to vector<16xi32>
        %parallel_loop3A_542 = arith.constant 31 : i32
        %parallel_loop3A_543 = vector.broadcast %parallel_loop3A_542 : i32 to vector<16xi32>
        %parallel_loop3A_544 = arith.shrsi %parallel_loop3A_541, %parallel_loop3A_543 : vector<16xi32>
        %parallel_loop3A_545 = arith.constant -2147483648 : i32
        %parallel_loop3A_546 = vector.broadcast %parallel_loop3A_545 : i32 to vector<16xi32>
        %parallel_loop3A_547 = arith.ori %parallel_loop3A_544, %parallel_loop3A_546 : vector<16xi32>
        %parallel_loop3A_548 = arith.xori %parallel_loop3A_541, %parallel_loop3A_547 : vector<16xi32>
        %parallel_loop3A_549 = vector.bitcast %parallel_loop3A_548 : vector<16xi32> to vector<16xi32>
        %parallel_loop3A_550 = arith.constant 1 : i32
        %parallel_loop3A_551 = vector.broadcast %parallel_loop3A_550 : i32 to vector<16xi32>
        %parallel_loop3A_552 = arith.shrui %parallel_loop3A_549, %parallel_loop3A_551 : vector<16xi32>
        %parallel_loop3A_553 = arith.ori %parallel_loop3A_552, %select_n3A_317 : vector<16xi32>
        %parallel_loop3A_554 = arith.constant dense<true> : vector<16xi1>
        %parallel_loop3A_555, %parallel_loop3A_556, %parallel_loop3A_557 = tpu.sort %parallel_loop3A_553, %parallel_loop3A_540 masked %parallel_loop3A_554 {descending = true} : (vector<16xi32>, vector<16xf32>, vector<16xi1>) -> (vector<16xi1>, vector<16xi32>, vector<16xf32>)
        %parallel_loop3A_558 = arith.constant 1 : i32
        %parallel_loop3A_559 = arith.index_cast %parallel_loop3A_558 : i32 to index
        %parallel_loop3A_560 = arith.index_cast %parallel_loop3A_511 : i32 to index
        %parallel_loop3A_561 = tpu.vector_load %arg15[%parallel_loop3A_559, %parallel_loop3A_560] {strides = array<i32>} : memref<2x2048xf32, #tpu.memory_space<vmem>>, vector<16xf32>,
        tpu.vector_store %arg15[%parallel_loop3A_559, %parallel_loop3A_560], %parallel_loop3A_557 {strides = array<i32>} : memref<2x2048xf32, #tpu.memory_space<vmem>>, vector<16xf32>,
      } {sc.loop_unroll_factor = 2 : i64, sc.parallel_access}
      %mul3A_321 = arith.constant 2 : i32
      %mul3A_322 = arith.muli %add3A_294, %mul3A_321 : i32
      %add3A_323 = arith.addi %mul3A_32, %mul3A_322 : i32
      %dma_start3A_324 = arith.constant 0 : i32
      %dma_start3A_325 = tpu.memref_slice %arg3[%select_n3A, %add3A_323, %dma_start3A_324] : memref<4x4096x2048xf32, #tpu.memory_space<hbm>> -> memref<1x2x2048xf32, #tpu.memory_space<hbm>>
      %dma_start3A_326 = tpu.memref_squeeze %dma_start3A_325 : memref<1x2x2048xf32, #tpu.memory_space<hbm>> -> memref<2x2048xf32, #tpu.memory_space<hbm>>
      %dma_start3A_327 = arith.constant 0 : i32
      %dma_start3A_328 = tpu.memref_slice %arg3[%select_n3A, %add3A_323, %dma_start3A_327] : memref<4x4096x2048xf32, #tpu.memory_space<hbm>> -> memref<1x2x2048xf32, #tpu.memory_space<hbm>>
      %dma_start3A_329 = tpu.memref_squeeze %dma_start3A_328 : memref<1x2x2048xf32, #tpu.memory_space<hbm>> -> memref<2x2048xf32, #tpu.memory_space<hbm>>
      tpu.enqueue_dma source(%arg15 : memref<2x2048xf32, #tpu.memory_space<vmem>>) target(%dma_start3A_329 : memref<2x2048xf32, #tpu.memory_space<hbm>>) target_semaphore(%arg31 : memref<!tpu.dma_semaphore, #tpu.memory_space<semaphore_mem>>)
      %lt3A_330 = arith.constant 31 : i32
      %lt3A_331 = arith.cmpi slt, %scan3A_164, %lt3A_330 : i32
      %convert_element_type3A_332 = arith.extui %lt3A_331 : i1 to i32
      %cond3A_333 = arith.constant 0 : i32
      %cond3A_334 = arith.cmpi ne, %convert_element_type3A_332, %cond3A_333 : i32
      scf.if %cond3A_334 {
        %add3A_511 = arith.constant 8 : i32
        %add3A_512 = arith.addi %add3A_294, %add3A_511 : i32
        %mul3A_513 = arith.constant 2 : i32
        %mul3A_514 = arith.muli %add3A_512, %mul3A_513 : i32
        %add3A_515 = arith.addi %mul3A_32, %mul3A_514 : i32
        %dma_start3A_516 = arith.constant 0 : i32
        %dma_start3A_517 = tpu.memref_slice %arg2[%select_n3A, %add3A_515, %dma_start3A_516] : memref<4x4096x2048xf32, #tpu.memory_space<hbm>> -> memref<1x2x2048xf32, #tpu.memory_space<hbm>>
        %dma_start3A_518 = tpu.memref_squeeze %dma_start3A_517 : memref<1x2x2048xf32, #tpu.memory_space<hbm>> -> memref<2x2048xf32, #tpu.memory_space<hbm>>
        %dma_start3A_519 = arith.constant 0 : i32
        %dma_start3A_520 = tpu.memref_slice %arg2[%select_n3A, %add3A_515, %dma_start3A_519] : memref<4x4096x2048xf32, #tpu.memory_space<hbm>> -> memref<1x2x2048xf32, #tpu.memory_space<hbm>>
        %dma_start3A_521 = tpu.memref_squeeze %dma_start3A_520 : memref<1x2x2048xf32, #tpu.memory_space<hbm>> -> memref<2x2048xf32, #tpu.memory_space<hbm>>
        tpu.enqueue_dma source(%dma_start3A_521 : memref<2x2048xf32, #tpu.memory_space<hbm>>) target(%arg7 : memref<2x2048xf32, #tpu.memory_space<vmem>>) target_semaphore(%arg23 : memref<!tpu.dma_semaphore, #tpu.memory_space<semaphore_mem>>)
      } else {
      }
      %mul3A_335 = arith.constant 8 : i32
      %mul3A_336 = arith.muli %scan3A_164, %mul3A_335 : i32
      %add3A_337 = arith.constant 4 : i32
      %add3A_338 = arith.addi %mul3A_336, %add3A_337 : i32
      %mul3A_339 = arith.constant 2 : i32
      %mul3A_340 = arith.muli %add3A_338, %mul3A_339 : i32
      %add3A_341 = arith.addi %mul3A_32, %mul3A_340 : i32
      %dma_wait3A_342 = arith.constant 0 : i32
      %dma_wait3A_343 = tpu.memref_slice %arg2[%select_n3A, %add3A_341, %dma_wait3A_342] : memref<4x4096x2048xf32, #tpu.memory_space<hbm>> -> memref<1x2x2048xf32, #tpu.memory_space<hbm>>
      %dma_wait3A_344 = tpu.memref_squeeze %dma_wait3A_343 : memref<1x2x2048xf32, #tpu.memory_space<hbm>> -> memref<2x2048xf32, #tpu.memory_space<hbm>>
      %dma_wait3A_345 = arith.constant 0 : i32
      %dma_wait3A_346 = tpu.memref_slice %arg2[%select_n3A, %add3A_341, %dma_wait3A_345] : memref<4x4096x2048xf32, #tpu.memory_space<hbm>> -> memref<1x2x2048xf32, #tpu.memory_space<hbm>>
      %dma_wait3A_347 = tpu.memref_squeeze %dma_wait3A_346 : memref<1x2x2048xf32, #tpu.memory_space<hbm>> -> memref<2x2048xf32, #tpu.memory_space<hbm>>
      tpu.wait_dma2 semaphore(%arg24 : memref<!tpu.dma_semaphore, #tpu.memory_space<semaphore_mem>>) src(%dma_wait3A_347 : memref<2x2048xf32, #tpu.memory_space<hbm>>) dst(%arg8 : memref<2x2048xf32, #tpu.memory_space<vmem>>)
      %gt3A_348 = arith.constant 0 : i32
      %gt3A_349 = arith.cmpi sgt, %scan3A_164, %gt3A_348 : i32
      %convert_element_type3A_350 = arith.extui %gt3A_349 : i1 to i32
      %cond3A_351 = arith.constant 0 : i32
      %cond3A_352 = arith.cmpi ne, %convert_element_type3A_350, %cond3A_351 : i32
      scf.if %cond3A_352 {
        %mul3A_511 = arith.constant 2 : i32
        %mul3A_512 = arith.muli %add3A_338, %mul3A_511 : i32
        %add3A_513 = arith.addi %mul3A_32, %mul3A_512 : i32
        %dma_wait3A_514 = arith.constant 0 : i32
        %dma_wait3A_515 = tpu.memref_slice %arg3[%select_n3A, %add3A_513, %dma_wait3A_514] : memref<4x4096x2048xf32, #tpu.memory_space<hbm>> -> memref<1x2x2048xf32, #tpu.memory_space<hbm>>
        %dma_wait3A_516 = tpu.memref_squeeze %dma_wait3A_515 : memref<1x2x2048xf32, #tpu.memory_space<hbm>> -> memref<2x2048xf32, #tpu.memory_space<hbm>>
        %dma_wait3A_517 = arith.constant 0 : i32
        %dma_wait3A_518 = tpu.memref_slice %arg3[%select_n3A, %add3A_513, %dma_wait3A_517] : memref<4x4096x2048xf32, #tpu.memory_space<hbm>> -> memref<1x2x2048xf32, #tpu.memory_space<hbm>>
        %dma_wait3A_519 = tpu.memref_squeeze %dma_wait3A_518 : memref<1x2x2048xf32, #tpu.memory_space<hbm>> -> memref<2x2048xf32, #tpu.memory_space<hbm>>
        tpu.wait_dma2 semaphore(%arg32 : memref<!tpu.dma_semaphore, #tpu.memory_space<semaphore_mem>>) src(%arg16 : memref<2x2048xf32, #tpu.memory_space<vmem>>) dst(%dma_wait3A_519 : memref<2x2048xf32, #tpu.memory_space<hbm>>)
      } else {
      }
      %iota3A_353 = tpu.iota {dimensions = array<i32: 0>} : vector<16xi32>
      %lt3A_354 = arith.constant 8 : i32
      %lt3A_355 = vector.broadcast %lt3A_354 : i32 to vector<16xi32>
      %lt3A_356 = arith.cmpi slt, %iota3A_353, %lt3A_355 : vector<16xi32>
      %jit3A_357 = arith.constant -2147483648 : i32
      %jit3A_358 = arith.constant 0 : i32
      %broadcast_in_dim3A_359 = vector.broadcast %jit3A_357 : i32 to vector<16xi32>
      %broadcast_in_dim3A_360 = vector.broadcast %jit3A_358 : i32 to vector<16xi32>
      %select_n3A_361 = arith.select %lt3A_356, %broadcast_in_dim3A_359, %broadcast_in_dim3A_360 : vector<16xi1>, vector<16xi32>
      %parallel_loop3A_362 = arith.constant 0 : i32
      %parallel_loop3A_363 = arith.constant 2048 : i32
      %parallel_loop3A_364 = arith.constant 16 : i32
      scf.for %parallel_loop3A_511 = %parallel_loop3A_362 to %parallel_loop3A_363 step %parallel_loop3A_364  : i32 {
        %parallel_loop3A_512 = arith.constant 0 : i32
        %parallel_loop3A_513 = arith.index_cast %parallel_loop3A_512 : i32 to index
        %parallel_loop3A_514 = arith.index_cast %parallel_loop3A_511 : i32 to index
        %parallel_loop3A_515 = tpu.vector_load %arg8[%parallel_loop3A_513, %parallel_loop3A_514] {strides = array<i32>} : memref<2x2048xf32, #tpu.memory_space<vmem>>, vector<16xf32>,
        %parallel_loop3A_516 = vector.bitcast %parallel_loop3A_515 : vector<16xf32> to vector<16xi32>
        %parallel_loop3A_517 = arith.constant 31 : i32
        %parallel_loop3A_518 = vector.broadcast %parallel_loop3A_517 : i32 to vector<16xi32>
        %parallel_loop3A_519 = arith.shrsi %parallel_loop3A_516, %parallel_loop3A_518 : vector<16xi32>
        %parallel_loop3A_520 = arith.constant -2147483648 : i32
        %parallel_loop3A_521 = vector.broadcast %parallel_loop3A_520 : i32 to vector<16xi32>
        %parallel_loop3A_522 = arith.ori %parallel_loop3A_519, %parallel_loop3A_521 : vector<16xi32>
        %parallel_loop3A_523 = arith.xori %parallel_loop3A_516, %parallel_loop3A_522 : vector<16xi32>
        %parallel_loop3A_524 = vector.bitcast %parallel_loop3A_523 : vector<16xi32> to vector<16xi32>
        %parallel_loop3A_525 = arith.constant 1 : i32
        %parallel_loop3A_526 = vector.broadcast %parallel_loop3A_525 : i32 to vector<16xi32>
        %parallel_loop3A_527 = arith.shrui %parallel_loop3A_524, %parallel_loop3A_526 : vector<16xi32>
        %parallel_loop3A_528 = arith.ori %parallel_loop3A_527, %select_n3A_361 : vector<16xi32>
        %parallel_loop3A_529 = arith.constant dense<true> : vector<16xi1>
        %parallel_loop3A_530, %parallel_loop3A_531, %parallel_loop3A_532 = tpu.sort %parallel_loop3A_528, %parallel_loop3A_515 masked %parallel_loop3A_529 {descending = true} : (vector<16xi32>, vector<16xf32>, vector<16xi1>) -> (vector<16xi1>, vector<16xi32>, vector<16xf32>)
        %parallel_loop3A_533 = arith.constant 0 : i32
        %parallel_loop3A_534 = arith.index_cast %parallel_loop3A_533 : i32 to index
        %parallel_loop3A_535 = arith.index_cast %parallel_loop3A_511 : i32 to index
        %parallel_loop3A_536 = tpu.vector_load %arg16[%parallel_loop3A_534, %parallel_loop3A_535] {strides = array<i32>} : memref<2x2048xf32, #tpu.memory_space<vmem>>, vector<16xf32>,
        tpu.vector_store %arg16[%parallel_loop3A_534, %parallel_loop3A_535], %parallel_loop3A_532 {strides = array<i32>} : memref<2x2048xf32, #tpu.memory_space<vmem>>, vector<16xf32>,
        %parallel_loop3A_537 = arith.constant 1 : i32
        %parallel_loop3A_538 = arith.index_cast %parallel_loop3A_537 : i32 to index
        %parallel_loop3A_539 = arith.index_cast %parallel_loop3A_511 : i32 to index
        %parallel_loop3A_540 = tpu.vector_load %arg8[%parallel_loop3A_538, %parallel_loop3A_539] {strides = array<i32>} : memref<2x2048xf32, #tpu.memory_space<vmem>>, vector<16xf32>,
        %parallel_loop3A_541 = vector.bitcast %parallel_loop3A_540 : vector<16xf32> to vector<16xi32>
        %parallel_loop3A_542 = arith.constant 31 : i32
        %parallel_loop3A_543 = vector.broadcast %parallel_loop3A_542 : i32 to vector<16xi32>
        %parallel_loop3A_544 = arith.shrsi %parallel_loop3A_541, %parallel_loop3A_543 : vector<16xi32>
        %parallel_loop3A_545 = arith.constant -2147483648 : i32
        %parallel_loop3A_546 = vector.broadcast %parallel_loop3A_545 : i32 to vector<16xi32>
        %parallel_loop3A_547 = arith.ori %parallel_loop3A_544, %parallel_loop3A_546 : vector<16xi32>
        %parallel_loop3A_548 = arith.xori %parallel_loop3A_541, %parallel_loop3A_547 : vector<16xi32>
        %parallel_loop3A_549 = vector.bitcast %parallel_loop3A_548 : vector<16xi32> to vector<16xi32>
        %parallel_loop3A_550 = arith.constant 1 : i32
        %parallel_loop3A_551 = vector.broadcast %parallel_loop3A_550 : i32 to vector<16xi32>
        %parallel_loop3A_552 = arith.shrui %parallel_loop3A_549, %parallel_loop3A_551 : vector<16xi32>
        %parallel_loop3A_553 = arith.ori %parallel_loop3A_552, %select_n3A_361 : vector<16xi32>
        %parallel_loop3A_554 = arith.constant dense<true> : vector<16xi1>
        %parallel_loop3A_555, %parallel_loop3A_556, %parallel_loop3A_557 = tpu.sort %parallel_loop3A_553, %parallel_loop3A_540 masked %parallel_loop3A_554 {descending = true} : (vector<16xi32>, vector<16xf32>, vector<16xi1>) -> (vector<16xi1>, vector<16xi32>, vector<16xf32>)
        %parallel_loop3A_558 = arith.constant 1 : i32
        %parallel_loop3A_559 = arith.index_cast %parallel_loop3A_558 : i32 to index
        %parallel_loop3A_560 = arith.index_cast %parallel_loop3A_511 : i32 to index
        %parallel_loop3A_561 = tpu.vector_load %arg16[%parallel_loop3A_559, %parallel_loop3A_560] {strides = array<i32>} : memref<2x2048xf32, #tpu.memory_space<vmem>>, vector<16xf32>,
        tpu.vector_store %arg16[%parallel_loop3A_559, %parallel_loop3A_560], %parallel_loop3A_557 {strides = array<i32>} : memref<2x2048xf32, #tpu.memory_space<vmem>>, vector<16xf32>,
      } {sc.loop_unroll_factor = 2 : i64, sc.parallel_access}
      %mul3A_365 = arith.constant 2 : i32
      %mul3A_366 = arith.muli %add3A_338, %mul3A_365 : i32
      %add3A_367 = arith.addi %mul3A_32, %mul3A_366 : i32
      %dma_start3A_368 = arith.constant 0 : i32
      %dma_start3A_369 = tpu.memref_slice %arg3[%select_n3A, %add3A_367, %dma_start3A_368] : memref<4x4096x2048xf32, #tpu.memory_space<hbm>> -> memref<1x2x2048xf32, #tpu.memory_space<hbm>>
      %dma_start3A_370 = tpu.memref_squeeze %dma_start3A_369 : memref<1x2x2048xf32, #tpu.memory_space<hbm>> -> memref<2x2048xf32, #tpu.memory_space<hbm>>
      %dma_start3A_371 = arith.constant 0 : i32
      %dma_start3A_372 = tpu.memref_slice %arg3[%select_n3A, %add3A_367, %dma_start3A_371] : memref<4x4096x2048xf32, #tpu.memory_space<hbm>> -> memref<1x2x2048xf32, #tpu.memory_space<hbm>>
      %dma_start3A_373 = tpu.memref_squeeze %dma_start3A_372 : memref<1x2x2048xf32, #tpu.memory_space<hbm>> -> memref<2x2048xf32, #tpu.memory_space<hbm>>
      tpu.enqueue_dma source(%arg16 : memref<2x2048xf32, #tpu.memory_space<vmem>>) target(%dma_start3A_373 : memref<2x2048xf32, #tpu.memory_space<hbm>>) target_semaphore(%arg32 : memref<!tpu.dma_semaphore, #tpu.memory_space<semaphore_mem>>)
      %lt3A_374 = arith.constant 31 : i32
      %lt3A_375 = arith.cmpi slt, %scan3A_164, %lt3A_374 : i32
      %convert_element_type3A_376 = arith.extui %lt3A_375 : i1 to i32
      %cond3A_377 = arith.constant 0 : i32
      %cond3A_378 = arith.cmpi ne, %convert_element_type3A_376, %cond3A_377 : i32
      scf.if %cond3A_378 {
        %add3A_511 = arith.constant 8 : i32
        %add3A_512 = arith.addi %add3A_338, %add3A_511 : i32
        %mul3A_513 = arith.constant 2 : i32
        %mul3A_514 = arith.muli %add3A_512, %mul3A_513 : i32
        %add3A_515 = arith.addi %mul3A_32, %mul3A_514 : i32
        %dma_start3A_516 = arith.constant 0 : i32
        %dma_start3A_517 = tpu.memref_slice %arg2[%select_n3A, %add3A_515, %dma_start3A_516] : memref<4x4096x2048xf32, #tpu.memory_space<hbm>> -> memref<1x2x2048xf32, #tpu.memory_space<hbm>>
        %dma_start3A_518 = tpu.memref_squeeze %dma_start3A_517 : memref<1x2x2048xf32, #tpu.memory_space<hbm>> -> memref<2x2048xf32, #tpu.memory_space<hbm>>
        %dma_start3A_519 = arith.constant 0 : i32
        %dma_start3A_520 = tpu.memref_slice %arg2[%select_n3A, %add3A_515, %dma_start3A_519] : memref<4x4096x2048xf32, #tpu.memory_space<hbm>> -> memref<1x2x2048xf32, #tpu.memory_space<hbm>>
        %dma_start3A_521 = tpu.memref_squeeze %dma_start3A_520 : memref<1x2x2048xf32, #tpu.memory_space<hbm>> -> memref<2x2048xf32, #tpu.memory_space<hbm>>
        tpu.enqueue_dma source(%dma_start3A_521 : memref<2x2048xf32, #tpu.memory_space<hbm>>) target(%arg8 : memref<2x2048xf32, #tpu.memory_space<vmem>>) target_semaphore(%arg24 : memref<!tpu.dma_semaphore, #tpu.memory_space<semaphore_mem>>)
      } else {
      }
      %mul3A_379 = arith.constant 8 : i32
      %mul3A_380 = arith.muli %scan3A_164, %mul3A_379 : i32
      %add3A_381 = arith.constant 5 : i32
      %add3A_382 = arith.addi %mul3A_380, %add3A_381 : i32
      %mul3A_383 = arith.constant 2 : i32
      %mul3A_384 = arith.muli %add3A_382, %mul3A_383 : i32
      %add3A_385 = arith.addi %mul3A_32, %mul3A_384 : i32
      %dma_wait3A_386 = arith.constant 0 : i32
      %dma_wait3A_387 = tpu.memref_slice %arg2[%select_n3A, %add3A_385, %dma_wait3A_386] : memref<4x4096x2048xf32, #tpu.memory_space<hbm>> -> memref<1x2x2048xf32, #tpu.memory_space<hbm>>
      %dma_wait3A_388 = tpu.memref_squeeze %dma_wait3A_387 : memref<1x2x2048xf32, #tpu.memory_space<hbm>> -> memref<2x2048xf32, #tpu.memory_space<hbm>>
      %dma_wait3A_389 = arith.constant 0 : i32
      %dma_wait3A_390 = tpu.memref_slice %arg2[%select_n3A, %add3A_385, %dma_wait3A_389] : memref<4x4096x2048xf32, #tpu.memory_space<hbm>> -> memref<1x2x2048xf32, #tpu.memory_space<hbm>>
      %dma_wait3A_391 = tpu.memref_squeeze %dma_wait3A_390 : memref<1x2x2048xf32, #tpu.memory_space<hbm>> -> memref<2x2048xf32, #tpu.memory_space<hbm>>
      tpu.wait_dma2 semaphore(%arg25 : memref<!tpu.dma_semaphore, #tpu.memory_space<semaphore_mem>>) src(%dma_wait3A_391 : memref<2x2048xf32, #tpu.memory_space<hbm>>) dst(%arg9 : memref<2x2048xf32, #tpu.memory_space<vmem>>)
      %gt3A_392 = arith.constant 0 : i32
      %gt3A_393 = arith.cmpi sgt, %scan3A_164, %gt3A_392 : i32
      %convert_element_type3A_394 = arith.extui %gt3A_393 : i1 to i32
      %cond3A_395 = arith.constant 0 : i32
      %cond3A_396 = arith.cmpi ne, %convert_element_type3A_394, %cond3A_395 : i32
      scf.if %cond3A_396 {
        %mul3A_511 = arith.constant 2 : i32
        %mul3A_512 = arith.muli %add3A_382, %mul3A_511 : i32
        %add3A_513 = arith.addi %mul3A_32, %mul3A_512 : i32
        %dma_wait3A_514 = arith.constant 0 : i32
        %dma_wait3A_515 = tpu.memref_slice %arg3[%select_n3A, %add3A_513, %dma_wait3A_514] : memref<4x4096x2048xf32, #tpu.memory_space<hbm>> -> memref<1x2x2048xf32, #tpu.memory_space<hbm>>
        %dma_wait3A_516 = tpu.memref_squeeze %dma_wait3A_515 : memref<1x2x2048xf32, #tpu.memory_space<hbm>> -> memref<2x2048xf32, #tpu.memory_space<hbm>>
        %dma_wait3A_517 = arith.constant 0 : i32
        %dma_wait3A_518 = tpu.memref_slice %arg3[%select_n3A, %add3A_513, %dma_wait3A_517] : memref<4x4096x2048xf32, #tpu.memory_space<hbm>> -> memref<1x2x2048xf32, #tpu.memory_space<hbm>>
        %dma_wait3A_519 = tpu.memref_squeeze %dma_wait3A_518 : memref<1x2x2048xf32, #tpu.memory_space<hbm>> -> memref<2x2048xf32, #tpu.memory_space<hbm>>
        tpu.wait_dma2 semaphore(%arg33 : memref<!tpu.dma_semaphore, #tpu.memory_space<semaphore_mem>>) src(%arg17 : memref<2x2048xf32, #tpu.memory_space<vmem>>) dst(%dma_wait3A_519 : memref<2x2048xf32, #tpu.memory_space<hbm>>)
      } else {
      }
      %iota3A_397 = tpu.iota {dimensions = array<i32: 0>} : vector<16xi32>
      %lt3A_398 = arith.constant 8 : i32
      %lt3A_399 = vector.broadcast %lt3A_398 : i32 to vector<16xi32>
      %lt3A_400 = arith.cmpi slt, %iota3A_397, %lt3A_399 : vector<16xi32>
      %jit3A_401 = arith.constant -2147483648 : i32
      %jit3A_402 = arith.constant 0 : i32
      %broadcast_in_dim3A_403 = vector.broadcast %jit3A_401 : i32 to vector<16xi32>
      %broadcast_in_dim3A_404 = vector.broadcast %jit3A_402 : i32 to vector<16xi32>
      %select_n3A_405 = arith.select %lt3A_400, %broadcast_in_dim3A_403, %broadcast_in_dim3A_404 : vector<16xi1>, vector<16xi32>
      %parallel_loop3A_406 = arith.constant 0 : i32
      %parallel_loop3A_407 = arith.constant 2048 : i32
      %parallel_loop3A_408 = arith.constant 16 : i32
      scf.for %parallel_loop3A_511 = %parallel_loop3A_406 to %parallel_loop3A_407 step %parallel_loop3A_408  : i32 {
        %parallel_loop3A_512 = arith.constant 0 : i32
        %parallel_loop3A_513 = arith.index_cast %parallel_loop3A_512 : i32 to index
        %parallel_loop3A_514 = arith.index_cast %parallel_loop3A_511 : i32 to index
        %parallel_loop3A_515 = tpu.vector_load %arg9[%parallel_loop3A_513, %parallel_loop3A_514] {strides = array<i32>} : memref<2x2048xf32, #tpu.memory_space<vmem>>, vector<16xf32>,
        %parallel_loop3A_516 = vector.bitcast %parallel_loop3A_515 : vector<16xf32> to vector<16xi32>
        %parallel_loop3A_517 = arith.constant 31 : i32
        %parallel_loop3A_518 = vector.broadcast %parallel_loop3A_517 : i32 to vector<16xi32>
        %parallel_loop3A_519 = arith.shrsi %parallel_loop3A_516, %parallel_loop3A_518 : vector<16xi32>
        %parallel_loop3A_520 = arith.constant -2147483648 : i32
        %parallel_loop3A_521 = vector.broadcast %parallel_loop3A_520 : i32 to vector<16xi32>
        %parallel_loop3A_522 = arith.ori %parallel_loop3A_519, %parallel_loop3A_521 : vector<16xi32>
        %parallel_loop3A_523 = arith.xori %parallel_loop3A_516, %parallel_loop3A_522 : vector<16xi32>
        %parallel_loop3A_524 = vector.bitcast %parallel_loop3A_523 : vector<16xi32> to vector<16xi32>
        %parallel_loop3A_525 = arith.constant 1 : i32
        %parallel_loop3A_526 = vector.broadcast %parallel_loop3A_525 : i32 to vector<16xi32>
        %parallel_loop3A_527 = arith.shrui %parallel_loop3A_524, %parallel_loop3A_526 : vector<16xi32>
        %parallel_loop3A_528 = arith.ori %parallel_loop3A_527, %select_n3A_405 : vector<16xi32>
        %parallel_loop3A_529 = arith.constant dense<true> : vector<16xi1>
        %parallel_loop3A_530, %parallel_loop3A_531, %parallel_loop3A_532 = tpu.sort %parallel_loop3A_528, %parallel_loop3A_515 masked %parallel_loop3A_529 {descending = true} : (vector<16xi32>, vector<16xf32>, vector<16xi1>) -> (vector<16xi1>, vector<16xi32>, vector<16xf32>)
        %parallel_loop3A_533 = arith.constant 0 : i32
        %parallel_loop3A_534 = arith.index_cast %parallel_loop3A_533 : i32 to index
        %parallel_loop3A_535 = arith.index_cast %parallel_loop3A_511 : i32 to index
        %parallel_loop3A_536 = tpu.vector_load %arg17[%parallel_loop3A_534, %parallel_loop3A_535] {strides = array<i32>} : memref<2x2048xf32, #tpu.memory_space<vmem>>, vector<16xf32>,
        tpu.vector_store %arg17[%parallel_loop3A_534, %parallel_loop3A_535], %parallel_loop3A_532 {strides = array<i32>} : memref<2x2048xf32, #tpu.memory_space<vmem>>, vector<16xf32>,
        %parallel_loop3A_537 = arith.constant 1 : i32
        %parallel_loop3A_538 = arith.index_cast %parallel_loop3A_537 : i32 to index
        %parallel_loop3A_539 = arith.index_cast %parallel_loop3A_511 : i32 to index
        %parallel_loop3A_540 = tpu.vector_load %arg9[%parallel_loop3A_538, %parallel_loop3A_539] {strides = array<i32>} : memref<2x2048xf32, #tpu.memory_space<vmem>>, vector<16xf32>,
        %parallel_loop3A_541 = vector.bitcast %parallel_loop3A_540 : vector<16xf32> to vector<16xi32>
        %parallel_loop3A_542 = arith.constant 31 : i32
        %parallel_loop3A_543 = vector.broadcast %parallel_loop3A_542 : i32 to vector<16xi32>
        %parallel_loop3A_544 = arith.shrsi %parallel_loop3A_541, %parallel_loop3A_543 : vector<16xi32>
        %parallel_loop3A_545 = arith.constant -2147483648 : i32
        %parallel_loop3A_546 = vector.broadcast %parallel_loop3A_545 : i32 to vector<16xi32>
        %parallel_loop3A_547 = arith.ori %parallel_loop3A_544, %parallel_loop3A_546 : vector<16xi32>
        %parallel_loop3A_548 = arith.xori %parallel_loop3A_541, %parallel_loop3A_547 : vector<16xi32>
        %parallel_loop3A_549 = vector.bitcast %parallel_loop3A_548 : vector<16xi32> to vector<16xi32>
        %parallel_loop3A_550 = arith.constant 1 : i32
        %parallel_loop3A_551 = vector.broadcast %parallel_loop3A_550 : i32 to vector<16xi32>
        %parallel_loop3A_552 = arith.shrui %parallel_loop3A_549, %parallel_loop3A_551 : vector<16xi32>
        %parallel_loop3A_553 = arith.ori %parallel_loop3A_552, %select_n3A_405 : vector<16xi32>
        %parallel_loop3A_554 = arith.constant dense<true> : vector<16xi1>
        %parallel_loop3A_555, %parallel_loop3A_556, %parallel_loop3A_557 = tpu.sort %parallel_loop3A_553, %parallel_loop3A_540 masked %parallel_loop3A_554 {descending = true} : (vector<16xi32>, vector<16xf32>, vector<16xi1>) -> (vector<16xi1>, vector<16xi32>, vector<16xf32>)
        %parallel_loop3A_558 = arith.constant 1 : i32
        %parallel_loop3A_559 = arith.index_cast %parallel_loop3A_558 : i32 to index
        %parallel_loop3A_560 = arith.index_cast %parallel_loop3A_511 : i32 to index
        %parallel_loop3A_561 = tpu.vector_load %arg17[%parallel_loop3A_559, %parallel_loop3A_560] {strides = array<i32>} : memref<2x2048xf32, #tpu.memory_space<vmem>>, vector<16xf32>,
        tpu.vector_store %arg17[%parallel_loop3A_559, %parallel_loop3A_560], %parallel_loop3A_557 {strides = array<i32>} : memref<2x2048xf32, #tpu.memory_space<vmem>>, vector<16xf32>,
      } {sc.loop_unroll_factor = 2 : i64, sc.parallel_access}
      %mul3A_409 = arith.constant 2 : i32
      %mul3A_410 = arith.muli %add3A_382, %mul3A_409 : i32
      %add3A_411 = arith.addi %mul3A_32, %mul3A_410 : i32
      %dma_start3A_412 = arith.constant 0 : i32
      %dma_start3A_413 = tpu.memref_slice %arg3[%select_n3A, %add3A_411, %dma_start3A_412] : memref<4x4096x2048xf32, #tpu.memory_space<hbm>> -> memref<1x2x2048xf32, #tpu.memory_space<hbm>>
      %dma_start3A_414 = tpu.memref_squeeze %dma_start3A_413 : memref<1x2x2048xf32, #tpu.memory_space<hbm>> -> memref<2x2048xf32, #tpu.memory_space<hbm>>
      %dma_start3A_415 = arith.constant 0 : i32
      %dma_start3A_416 = tpu.memref_slice %arg3[%select_n3A, %add3A_411, %dma_start3A_415] : memref<4x4096x2048xf32, #tpu.memory_space<hbm>> -> memref<1x2x2048xf32, #tpu.memory_space<hbm>>
      %dma_start3A_417 = tpu.memref_squeeze %dma_start3A_416 : memref<1x2x2048xf32, #tpu.memory_space<hbm>> -> memref<2x2048xf32, #tpu.memory_space<hbm>>
      tpu.enqueue_dma source(%arg17 : memref<2x2048xf32, #tpu.memory_space<vmem>>) target(%dma_start3A_417 : memref<2x2048xf32, #tpu.memory_space<hbm>>) target_semaphore(%arg33 : memref<!tpu.dma_semaphore, #tpu.memory_space<semaphore_mem>>)
      %lt3A_418 = arith.constant 31 : i32
      %lt3A_419 = arith.cmpi slt, %scan3A_164, %lt3A_418 : i32
      %convert_element_type3A_420 = arith.extui %lt3A_419 : i1 to i32
      %cond3A_421 = arith.constant 0 : i32
      %cond3A_422 = arith.cmpi ne, %convert_element_type3A_420, %cond3A_421 : i32
      scf.if %cond3A_422 {
        %add3A_511 = arith.constant 8 : i32
        %add3A_512 = arith.addi %add3A_382, %add3A_511 : i32
        %mul3A_513 = arith.constant 2 : i32
        %mul3A_514 = arith.muli %add3A_512, %mul3A_513 : i32
        %add3A_515 = arith.addi %mul3A_32, %mul3A_514 : i32
        %dma_start3A_516 = arith.constant 0 : i32
        %dma_start3A_517 = tpu.memref_slice %arg2[%select_n3A, %add3A_515, %dma_start3A_516] : memref<4x4096x2048xf32, #tpu.memory_space<hbm>> -> memref<1x2x2048xf32, #tpu.memory_space<hbm>>
        %dma_start3A_518 = tpu.memref_squeeze %dma_start3A_517 : memref<1x2x2048xf32, #tpu.memory_space<hbm>> -> memref<2x2048xf32, #tpu.memory_space<hbm>>
        %dma_start3A_519 = arith.constant 0 : i32
        %dma_start3A_520 = tpu.memref_slice %arg2[%select_n3A, %add3A_515, %dma_start3A_519] : memref<4x4096x2048xf32, #tpu.memory_space<hbm>> -> memref<1x2x2048xf32, #tpu.memory_space<hbm>>
        %dma_start3A_521 = tpu.memref_squeeze %dma_start3A_520 : memref<1x2x2048xf32, #tpu.memory_space<hbm>> -> memref<2x2048xf32, #tpu.memory_space<hbm>>
        tpu.enqueue_dma source(%dma_start3A_521 : memref<2x2048xf32, #tpu.memory_space<hbm>>) target(%arg9 : memref<2x2048xf32, #tpu.memory_space<vmem>>) target_semaphore(%arg25 : memref<!tpu.dma_semaphore, #tpu.memory_space<semaphore_mem>>)
      } else {
      }
      %mul3A_423 = arith.constant 8 : i32
      %mul3A_424 = arith.muli %scan3A_164, %mul3A_423 : i32
      %add3A_425 = arith.constant 6 : i32
      %add3A_426 = arith.addi %mul3A_424, %add3A_425 : i32
      %mul3A_427 = arith.constant 2 : i32
      %mul3A_428 = arith.muli %add3A_426, %mul3A_427 : i32
      %add3A_429 = arith.addi %mul3A_32, %mul3A_428 : i32
      %dma_wait3A_430 = arith.constant 0 : i32
      %dma_wait3A_431 = tpu.memref_slice %arg2[%select_n3A, %add3A_429, %dma_wait3A_430] : memref<4x4096x2048xf32, #tpu.memory_space<hbm>> -> memref<1x2x2048xf32, #tpu.memory_space<hbm>>
      %dma_wait3A_432 = tpu.memref_squeeze %dma_wait3A_431 : memref<1x2x2048xf32, #tpu.memory_space<hbm>> -> memref<2x2048xf32, #tpu.memory_space<hbm>>
      %dma_wait3A_433 = arith.constant 0 : i32
      %dma_wait3A_434 = tpu.memref_slice %arg2[%select_n3A, %add3A_429, %dma_wait3A_433] : memref<4x4096x2048xf32, #tpu.memory_space<hbm>> -> memref<1x2x2048xf32, #tpu.memory_space<hbm>>
      %dma_wait3A_435 = tpu.memref_squeeze %dma_wait3A_434 : memref<1x2x2048xf32, #tpu.memory_space<hbm>> -> memref<2x2048xf32, #tpu.memory_space<hbm>>
      tpu.wait_dma2 semaphore(%arg26 : memref<!tpu.dma_semaphore, #tpu.memory_space<semaphore_mem>>) src(%dma_wait3A_435 : memref<2x2048xf32, #tpu.memory_space<hbm>>) dst(%arg10 : memref<2x2048xf32, #tpu.memory_space<vmem>>)
      %gt3A_436 = arith.constant 0 : i32
      %gt3A_437 = arith.cmpi sgt, %scan3A_164, %gt3A_436 : i32
      %convert_element_type3A_438 = arith.extui %gt3A_437 : i1 to i32
      %cond3A_439 = arith.constant 0 : i32
      %cond3A_440 = arith.cmpi ne, %convert_element_type3A_438, %cond3A_439 : i32
      scf.if %cond3A_440 {
        %mul3A_511 = arith.constant 2 : i32
        %mul3A_512 = arith.muli %add3A_426, %mul3A_511 : i32
        %add3A_513 = arith.addi %mul3A_32, %mul3A_512 : i32
        %dma_wait3A_514 = arith.constant 0 : i32
        %dma_wait3A_515 = tpu.memref_slice %arg3[%select_n3A, %add3A_513, %dma_wait3A_514] : memref<4x4096x2048xf32, #tpu.memory_space<hbm>> -> memref<1x2x2048xf32, #tpu.memory_space<hbm>>
        %dma_wait3A_516 = tpu.memref_squeeze %dma_wait3A_515 : memref<1x2x2048xf32, #tpu.memory_space<hbm>> -> memref<2x2048xf32, #tpu.memory_space<hbm>>
        %dma_wait3A_517 = arith.constant 0 : i32
        %dma_wait3A_518 = tpu.memref_slice %arg3[%select_n3A, %add3A_513, %dma_wait3A_517] : memref<4x4096x2048xf32, #tpu.memory_space<hbm>> -> memref<1x2x2048xf32, #tpu.memory_space<hbm>>
        %dma_wait3A_519 = tpu.memref_squeeze %dma_wait3A_518 : memref<1x2x2048xf32, #tpu.memory_space<hbm>> -> memref<2x2048xf32, #tpu.memory_space<hbm>>
        tpu.wait_dma2 semaphore(%arg34 : memref<!tpu.dma_semaphore, #tpu.memory_space<semaphore_mem>>) src(%arg18 : memref<2x2048xf32, #tpu.memory_space<vmem>>) dst(%dma_wait3A_519 : memref<2x2048xf32, #tpu.memory_space<hbm>>)
      } else {
      }
      %iota3A_441 = tpu.iota {dimensions = array<i32: 0>} : vector<16xi32>
      %lt3A_442 = arith.constant 8 : i32
      %lt3A_443 = vector.broadcast %lt3A_442 : i32 to vector<16xi32>
      %lt3A_444 = arith.cmpi slt, %iota3A_441, %lt3A_443 : vector<16xi32>
      %jit3A_445 = arith.constant -2147483648 : i32
      %jit3A_446 = arith.constant 0 : i32
      %broadcast_in_dim3A_447 = vector.broadcast %jit3A_445 : i32 to vector<16xi32>
      %broadcast_in_dim3A_448 = vector.broadcast %jit3A_446 : i32 to vector<16xi32>
      %select_n3A_449 = arith.select %lt3A_444, %broadcast_in_dim3A_447, %broadcast_in_dim3A_448 : vector<16xi1>, vector<16xi32>
      %parallel_loop3A_450 = arith.constant 0 : i32
      %parallel_loop3A_451 = arith.constant 2048 : i32
      %parallel_loop3A_452 = arith.constant 16 : i32
      scf.for %parallel_loop3A_511 = %parallel_loop3A_450 to %parallel_loop3A_451 step %parallel_loop3A_452  : i32 {
        %parallel_loop3A_512 = arith.constant 0 : i32
        %parallel_loop3A_513 = arith.index_cast %parallel_loop3A_512 : i32 to index
        %parallel_loop3A_514 = arith.index_cast %parallel_loop3A_511 : i32 to index
        %parallel_loop3A_515 = tpu.vector_load %arg10[%parallel_loop3A_513, %parallel_loop3A_514] {strides = array<i32>} : memref<2x2048xf32, #tpu.memory_space<vmem>>, vector<16xf32>,
        %parallel_loop3A_516 = vector.bitcast %parallel_loop3A_515 : vector<16xf32> to vector<16xi32>
        %parallel_loop3A_517 = arith.constant 31 : i32
        %parallel_loop3A_518 = vector.broadcast %parallel_loop3A_517 : i32 to vector<16xi32>
        %parallel_loop3A_519 = arith.shrsi %parallel_loop3A_516, %parallel_loop3A_518 : vector<16xi32>
        %parallel_loop3A_520 = arith.constant -2147483648 : i32
        %parallel_loop3A_521 = vector.broadcast %parallel_loop3A_520 : i32 to vector<16xi32>
        %parallel_loop3A_522 = arith.ori %parallel_loop3A_519, %parallel_loop3A_521 : vector<16xi32>
        %parallel_loop3A_523 = arith.xori %parallel_loop3A_516, %parallel_loop3A_522 : vector<16xi32>
        %parallel_loop3A_524 = vector.bitcast %parallel_loop3A_523 : vector<16xi32> to vector<16xi32>
        %parallel_loop3A_525 = arith.constant 1 : i32
        %parallel_loop3A_526 = vector.broadcast %parallel_loop3A_525 : i32 to vector<16xi32>
        %parallel_loop3A_527 = arith.shrui %parallel_loop3A_524, %parallel_loop3A_526 : vector<16xi32>
        %parallel_loop3A_528 = arith.ori %parallel_loop3A_527, %select_n3A_449 : vector<16xi32>
        %parallel_loop3A_529 = arith.constant dense<true> : vector<16xi1>
        %parallel_loop3A_530, %parallel_loop3A_531, %parallel_loop3A_532 = tpu.sort %parallel_loop3A_528, %parallel_loop3A_515 masked %parallel_loop3A_529 {descending = true} : (vector<16xi32>, vector<16xf32>, vector<16xi1>) -> (vector<16xi1>, vector<16xi32>, vector<16xf32>)
        %parallel_loop3A_533 = arith.constant 0 : i32
        %parallel_loop3A_534 = arith.index_cast %parallel_loop3A_533 : i32 to index
        %parallel_loop3A_535 = arith.index_cast %parallel_loop3A_511 : i32 to index
        %parallel_loop3A_536 = tpu.vector_load %arg18[%parallel_loop3A_534, %parallel_loop3A_535] {strides = array<i32>} : memref<2x2048xf32, #tpu.memory_space<vmem>>, vector<16xf32>,
        tpu.vector_store %arg18[%parallel_loop3A_534, %parallel_loop3A_535], %parallel_loop3A_532 {strides = array<i32>} : memref<2x2048xf32, #tpu.memory_space<vmem>>, vector<16xf32>,
        %parallel_loop3A_537 = arith.constant 1 : i32
        %parallel_loop3A_538 = arith.index_cast %parallel_loop3A_537 : i32 to index
        %parallel_loop3A_539 = arith.index_cast %parallel_loop3A_511 : i32 to index
        %parallel_loop3A_540 = tpu.vector_load %arg10[%parallel_loop3A_538, %parallel_loop3A_539] {strides = array<i32>} : memref<2x2048xf32, #tpu.memory_space<vmem>>, vector<16xf32>,
        %parallel_loop3A_541 = vector.bitcast %parallel_loop3A_540 : vector<16xf32> to vector<16xi32>
        %parallel_loop3A_542 = arith.constant 31 : i32
        %parallel_loop3A_543 = vector.broadcast %parallel_loop3A_542 : i32 to vector<16xi32>
        %parallel_loop3A_544 = arith.shrsi %parallel_loop3A_541, %parallel_loop3A_543 : vector<16xi32>
        %parallel_loop3A_545 = arith.constant -2147483648 : i32
        %parallel_loop3A_546 = vector.broadcast %parallel_loop3A_545 : i32 to vector<16xi32>
        %parallel_loop3A_547 = arith.ori %parallel_loop3A_544, %parallel_loop3A_546 : vector<16xi32>
        %parallel_loop3A_548 = arith.xori %parallel_loop3A_541, %parallel_loop3A_547 : vector<16xi32>
        %parallel_loop3A_549 = vector.bitcast %parallel_loop3A_548 : vector<16xi32> to vector<16xi32>
        %parallel_loop3A_550 = arith.constant 1 : i32
        %parallel_loop3A_551 = vector.broadcast %parallel_loop3A_550 : i32 to vector<16xi32>
        %parallel_loop3A_552 = arith.shrui %parallel_loop3A_549, %parallel_loop3A_551 : vector<16xi32>
        %parallel_loop3A_553 = arith.ori %parallel_loop3A_552, %select_n3A_449 : vector<16xi32>
        %parallel_loop3A_554 = arith.constant dense<true> : vector<16xi1>
        %parallel_loop3A_555, %parallel_loop3A_556, %parallel_loop3A_557 = tpu.sort %parallel_loop3A_553, %parallel_loop3A_540 masked %parallel_loop3A_554 {descending = true} : (vector<16xi32>, vector<16xf32>, vector<16xi1>) -> (vector<16xi1>, vector<16xi32>, vector<16xf32>)
        %parallel_loop3A_558 = arith.constant 1 : i32
        %parallel_loop3A_559 = arith.index_cast %parallel_loop3A_558 : i32 to index
        %parallel_loop3A_560 = arith.index_cast %parallel_loop3A_511 : i32 to index
        %parallel_loop3A_561 = tpu.vector_load %arg18[%parallel_loop3A_559, %parallel_loop3A_560] {strides = array<i32>} : memref<2x2048xf32, #tpu.memory_space<vmem>>, vector<16xf32>,
        tpu.vector_store %arg18[%parallel_loop3A_559, %parallel_loop3A_560], %parallel_loop3A_557 {strides = array<i32>} : memref<2x2048xf32, #tpu.memory_space<vmem>>, vector<16xf32>,
      } {sc.loop_unroll_factor = 2 : i64, sc.parallel_access}
      %mul3A_453 = arith.constant 2 : i32
      %mul3A_454 = arith.muli %add3A_426, %mul3A_453 : i32
      %add3A_455 = arith.addi %mul3A_32, %mul3A_454 : i32
      %dma_start3A_456 = arith.constant 0 : i32
      %dma_start3A_457 = tpu.memref_slice %arg3[%select_n3A, %add3A_455, %dma_start3A_456] : memref<4x4096x2048xf32, #tpu.memory_space<hbm>> -> memref<1x2x2048xf32, #tpu.memory_space<hbm>>
      %dma_start3A_458 = tpu.memref_squeeze %dma_start3A_457 : memref<1x2x2048xf32, #tpu.memory_space<hbm>> -> memref<2x2048xf32, #tpu.memory_space<hbm>>
      %dma_start3A_459 = arith.constant 0 : i32
      %dma_start3A_460 = tpu.memref_slice %arg3[%select_n3A, %add3A_455, %dma_start3A_459] : memref<4x4096x2048xf32, #tpu.memory_space<hbm>> -> memref<1x2x2048xf32, #tpu.memory_space<hbm>>
      %dma_start3A_461 = tpu.memref_squeeze %dma_start3A_460 : memref<1x2x2048xf32, #tpu.memory_space<hbm>> -> memref<2x2048xf32, #tpu.memory_space<hbm>>
      tpu.enqueue_dma source(%arg18 : memref<2x2048xf32, #tpu.memory_space<vmem>>) target(%dma_start3A_461 : memref<2x2048xf32, #tpu.memory_space<hbm>>) target_semaphore(%arg34 : memref<!tpu.dma_semaphore, #tpu.memory_space<semaphore_mem>>)
      %lt3A_462 = arith.constant 31 : i32
      %lt3A_463 = arith.cmpi slt, %scan3A_164, %lt3A_462 : i32
      %convert_element_type3A_464 = arith.extui %lt3A_463 : i1 to i32
      %cond3A_465 = arith.constant 0 : i32
      %cond3A_466 = arith.cmpi ne, %convert_element_type3A_464, %cond3A_465 : i32
      scf.if %cond3A_466 {
        %add3A_511 = arith.constant 8 : i32
        %add3A_512 = arith.addi %add3A_426, %add3A_511 : i32
        %mul3A_513 = arith.constant 2 : i32
        %mul3A_514 = arith.muli %add3A_512, %mul3A_513 : i32
        %add3A_515 = arith.addi %mul3A_32, %mul3A_514 : i32
        %dma_start3A_516 = arith.constant 0 : i32
        %dma_start3A_517 = tpu.memref_slice %arg2[%select_n3A, %add3A_515, %dma_start3A_516] : memref<4x4096x2048xf32, #tpu.memory_space<hbm>> -> memref<1x2x2048xf32, #tpu.memory_space<hbm>>
        %dma_start3A_518 = tpu.memref_squeeze %dma_start3A_517 : memref<1x2x2048xf32, #tpu.memory_space<hbm>> -> memref<2x2048xf32, #tpu.memory_space<hbm>>
        %dma_start3A_519 = arith.constant 0 : i32
        %dma_start3A_520 = tpu.memref_slice %arg2[%select_n3A, %add3A_515, %dma_start3A_519] : memref<4x4096x2048xf32, #tpu.memory_space<hbm>> -> memref<1x2x2048xf32, #tpu.memory_space<hbm>>
        %dma_start3A_521 = tpu.memref_squeeze %dma_start3A_520 : memref<1x2x2048xf32, #tpu.memory_space<hbm>> -> memref<2x2048xf32, #tpu.memory_space<hbm>>
        tpu.enqueue_dma source(%dma_start3A_521 : memref<2x2048xf32, #tpu.memory_space<hbm>>) target(%arg10 : memref<2x2048xf32, #tpu.memory_space<vmem>>) target_semaphore(%arg26 : memref<!tpu.dma_semaphore, #tpu.memory_space<semaphore_mem>>)
      } else {
      }
      %mul3A_467 = arith.constant 8 : i32
      %mul3A_468 = arith.muli %scan3A_164, %mul3A_467 : i32
      %add3A_469 = arith.constant 7 : i32
      %add3A_470 = arith.addi %mul3A_468, %add3A_469 : i32
      %mul3A_471 = arith.constant 2 : i32
      %mul3A_472 = arith.muli %add3A_470, %mul3A_471 : i32
      %add3A_473 = arith.addi %mul3A_32, %mul3A_472 : i32
      %dma_wait3A_474 = arith.constant 0 : i32
      %dma_wait3A_475 = tpu.memref_slice %arg2[%select_n3A, %add3A_473, %dma_wait3A_474] : memref<4x4096x2048xf32, #tpu.memory_space<hbm>> -> memref<1x2x2048xf32, #tpu.memory_space<hbm>>
      %dma_wait3A_476 = tpu.memref_squeeze %dma_wait3A_475 : memref<1x2x2048xf32, #tpu.memory_space<hbm>> -> memref<2x2048xf32, #tpu.memory_space<hbm>>
      %dma_wait3A_477 = arith.constant 0 : i32
      %dma_wait3A_478 = tpu.memref_slice %arg2[%select_n3A, %add3A_473, %dma_wait3A_477] : memref<4x4096x2048xf32, #tpu.memory_space<hbm>> -> memref<1x2x2048xf32, #tpu.memory_space<hbm>>
      %dma_wait3A_479 = tpu.memref_squeeze %dma_wait3A_478 : memref<1x2x2048xf32, #tpu.memory_space<hbm>> -> memref<2x2048xf32, #tpu.memory_space<hbm>>
      tpu.wait_dma2 semaphore(%arg27 : memref<!tpu.dma_semaphore, #tpu.memory_space<semaphore_mem>>) src(%dma_wait3A_479 : memref<2x2048xf32, #tpu.memory_space<hbm>>) dst(%arg11 : memref<2x2048xf32, #tpu.memory_space<vmem>>)
      %gt3A_480 = arith.constant 0 : i32
      %gt3A_481 = arith.cmpi sgt, %scan3A_164, %gt3A_480 : i32
      %convert_element_type3A_482 = arith.extui %gt3A_481 : i1 to i32
      %cond3A_483 = arith.constant 0 : i32
      %cond3A_484 = arith.cmpi ne, %convert_element_type3A_482, %cond3A_483 : i32
      scf.if %cond3A_484 {
        %mul3A_511 = arith.constant 2 : i32
        %mul3A_512 = arith.muli %add3A_470, %mul3A_511 : i32
        %add3A_513 = arith.addi %mul3A_32, %mul3A_512 : i32
        %dma_wait3A_514 = arith.constant 0 : i32
        %dma_wait3A_515 = tpu.memref_slice %arg3[%select_n3A, %add3A_513, %dma_wait3A_514] : memref<4x4096x2048xf32, #tpu.memory_space<hbm>> -> memref<1x2x2048xf32, #tpu.memory_space<hbm>>
        %dma_wait3A_516 = tpu.memref_squeeze %dma_wait3A_515 : memref<1x2x2048xf32, #tpu.memory_space<hbm>> -> memref<2x2048xf32, #tpu.memory_space<hbm>>
        %dma_wait3A_517 = arith.constant 0 : i32
        %dma_wait3A_518 = tpu.memref_slice %arg3[%select_n3A, %add3A_513, %dma_wait3A_517] : memref<4x4096x2048xf32, #tpu.memory_space<hbm>> -> memref<1x2x2048xf32, #tpu.memory_space<hbm>>
        %dma_wait3A_519 = tpu.memref_squeeze %dma_wait3A_518 : memref<1x2x2048xf32, #tpu.memory_space<hbm>> -> memref<2x2048xf32, #tpu.memory_space<hbm>>
        tpu.wait_dma2 semaphore(%arg35 : memref<!tpu.dma_semaphore, #tpu.memory_space<semaphore_mem>>) src(%arg19 : memref<2x2048xf32, #tpu.memory_space<vmem>>) dst(%dma_wait3A_519 : memref<2x2048xf32, #tpu.memory_space<hbm>>)
      } else {
      }
      %iota3A_485 = tpu.iota {dimensions = array<i32: 0>} : vector<16xi32>
      %lt3A_486 = arith.constant 8 : i32
      %lt3A_487 = vector.broadcast %lt3A_486 : i32 to vector<16xi32>
      %lt3A_488 = arith.cmpi slt, %iota3A_485, %lt3A_487 : vector<16xi32>
      %jit3A_489 = arith.constant -2147483648 : i32
      %jit3A_490 = arith.constant 0 : i32
      %broadcast_in_dim3A_491 = vector.broadcast %jit3A_489 : i32 to vector<16xi32>
      %broadcast_in_dim3A_492 = vector.broadcast %jit3A_490 : i32 to vector<16xi32>
      %select_n3A_493 = arith.select %lt3A_488, %broadcast_in_dim3A_491, %broadcast_in_dim3A_492 : vector<16xi1>, vector<16xi32>
      %parallel_loop3A_494 = arith.constant 0 : i32
      %parallel_loop3A_495 = arith.constant 2048 : i32
      %parallel_loop3A_496 = arith.constant 16 : i32
      scf.for %parallel_loop3A_511 = %parallel_loop3A_494 to %parallel_loop3A_495 step %parallel_loop3A_496  : i32 {
        %parallel_loop3A_512 = arith.constant 0 : i32
        %parallel_loop3A_513 = arith.index_cast %parallel_loop3A_512 : i32 to index
        %parallel_loop3A_514 = arith.index_cast %parallel_loop3A_511 : i32 to index
        %parallel_loop3A_515 = tpu.vector_load %arg11[%parallel_loop3A_513, %parallel_loop3A_514] {strides = array<i32>} : memref<2x2048xf32, #tpu.memory_space<vmem>>, vector<16xf32>,
        %parallel_loop3A_516 = vector.bitcast %parallel_loop3A_515 : vector<16xf32> to vector<16xi32>
        %parallel_loop3A_517 = arith.constant 31 : i32
        %parallel_loop3A_518 = vector.broadcast %parallel_loop3A_517 : i32 to vector<16xi32>
        %parallel_loop3A_519 = arith.shrsi %parallel_loop3A_516, %parallel_loop3A_518 : vector<16xi32>
        %parallel_loop3A_520 = arith.constant -2147483648 : i32
        %parallel_loop3A_521 = vector.broadcast %parallel_loop3A_520 : i32 to vector<16xi32>
        %parallel_loop3A_522 = arith.ori %parallel_loop3A_519, %parallel_loop3A_521 : vector<16xi32>
        %parallel_loop3A_523 = arith.xori %parallel_loop3A_516, %parallel_loop3A_522 : vector<16xi32>
        %parallel_loop3A_524 = vector.bitcast %parallel_loop3A_523 : vector<16xi32> to vector<16xi32>
        %parallel_loop3A_525 = arith.constant 1 : i32
        %parallel_loop3A_526 = vector.broadcast %parallel_loop3A_525 : i32 to vector<16xi32>
        %parallel_loop3A_527 = arith.shrui %parallel_loop3A_524, %parallel_loop3A_526 : vector<16xi32>
        %parallel_loop3A_528 = arith.ori %parallel_loop3A_527, %select_n3A_493 : vector<16xi32>
        %parallel_loop3A_529 = arith.constant dense<true> : vector<16xi1>
        %parallel_loop3A_530, %parallel_loop3A_531, %parallel_loop3A_532 = tpu.sort %parallel_loop3A_528, %parallel_loop3A_515 masked %parallel_loop3A_529 {descending = true} : (vector<16xi32>, vector<16xf32>, vector<16xi1>) -> (vector<16xi1>, vector<16xi32>, vector<16xf32>)
        %parallel_loop3A_533 = arith.constant 0 : i32
        %parallel_loop3A_534 = arith.index_cast %parallel_loop3A_533 : i32 to index
        %parallel_loop3A_535 = arith.index_cast %parallel_loop3A_511 : i32 to index
        %parallel_loop3A_536 = tpu.vector_load %arg19[%parallel_loop3A_534, %parallel_loop3A_535] {strides = array<i32>} : memref<2x2048xf32, #tpu.memory_space<vmem>>, vector<16xf32>,
        tpu.vector_store %arg19[%parallel_loop3A_534, %parallel_loop3A_535], %parallel_loop3A_532 {strides = array<i32>} : memref<2x2048xf32, #tpu.memory_space<vmem>>, vector<16xf32>,
        %parallel_loop3A_537 = arith.constant 1 : i32
        %parallel_loop3A_538 = arith.index_cast %parallel_loop3A_537 : i32 to index
        %parallel_loop3A_539 = arith.index_cast %parallel_loop3A_511 : i32 to index
        %parallel_loop3A_540 = tpu.vector_load %arg11[%parallel_loop3A_538, %parallel_loop3A_539] {strides = array<i32>} : memref<2x2048xf32, #tpu.memory_space<vmem>>, vector<16xf32>,
        %parallel_loop3A_541 = vector.bitcast %parallel_loop3A_540 : vector<16xf32> to vector<16xi32>
        %parallel_loop3A_542 = arith.constant 31 : i32
        %parallel_loop3A_543 = vector.broadcast %parallel_loop3A_542 : i32 to vector<16xi32>
        %parallel_loop3A_544 = arith.shrsi %parallel_loop3A_541, %parallel_loop3A_543 : vector<16xi32>
        %parallel_loop3A_545 = arith.constant -2147483648 : i32
        %parallel_loop3A_546 = vector.broadcast %parallel_loop3A_545 : i32 to vector<16xi32>
        %parallel_loop3A_547 = arith.ori %parallel_loop3A_544, %parallel_loop3A_546 : vector<16xi32>
        %parallel_loop3A_548 = arith.xori %parallel_loop3A_541, %parallel_loop3A_547 : vector<16xi32>
        %parallel_loop3A_549 = vector.bitcast %parallel_loop3A_548 : vector<16xi32> to vector<16xi32>
        %parallel_loop3A_550 = arith.constant 1 : i32
        %parallel_loop3A_551 = vector.broadcast %parallel_loop3A_550 : i32 to vector<16xi32>
        %parallel_loop3A_552 = arith.shrui %parallel_loop3A_549, %parallel_loop3A_551 : vector<16xi32>
        %parallel_loop3A_553 = arith.ori %parallel_loop3A_552, %select_n3A_493 : vector<16xi32>
        %parallel_loop3A_554 = arith.constant dense<true> : vector<16xi1>
        %parallel_loop3A_555, %parallel_loop3A_556, %parallel_loop3A_557 = tpu.sort %parallel_loop3A_553, %parallel_loop3A_540 masked %parallel_loop3A_554 {descending = true} : (vector<16xi32>, vector<16xf32>, vector<16xi1>) -> (vector<16xi1>, vector<16xi32>, vector<16xf32>)
        %parallel_loop3A_558 = arith.constant 1 : i32
        %parallel_loop3A_559 = arith.index_cast %parallel_loop3A_558 : i32 to index
        %parallel_loop3A_560 = arith.index_cast %parallel_loop3A_511 : i32 to index
        %parallel_loop3A_561 = tpu.vector_load %arg19[%parallel_loop3A_559, %parallel_loop3A_560] {strides = array<i32>} : memref<2x2048xf32, #tpu.memory_space<vmem>>, vector<16xf32>,
        tpu.vector_store %arg19[%parallel_loop3A_559, %parallel_loop3A_560], %parallel_loop3A_557 {strides = array<i32>} : memref<2x2048xf32, #tpu.memory_space<vmem>>, vector<16xf32>,
      } {sc.loop_unroll_factor = 2 : i64, sc.parallel_access}
      %mul3A_497 = arith.constant 2 : i32
      %mul3A_498 = arith.muli %add3A_470, %mul3A_497 : i32
      %add3A_499 = arith.addi %mul3A_32, %mul3A_498 : i32
      %dma_start3A_500 = arith.constant 0 : i32
      %dma_start3A_501 = tpu.memref_slice %arg3[%select_n3A, %add3A_499, %dma_start3A_500] : memref<4x4096x2048xf32, #tpu.memory_space<hbm>> -> memref<1x2x2048xf32, #tpu.memory_space<hbm>>
      %dma_start3A_502 = tpu.memref_squeeze %dma_start3A_501 : memref<1x2x2048xf32, #tpu.memory_space<hbm>> -> memref<2x2048xf32, #tpu.memory_space<hbm>>
      %dma_start3A_503 = arith.constant 0 : i32
      %dma_start3A_504 = tpu.memref_slice %arg3[%select_n3A, %add3A_499, %dma_start3A_503] : memref<4x4096x2048xf32, #tpu.memory_space<hbm>> -> memref<1x2x2048xf32, #tpu.memory_space<hbm>>
      %dma_start3A_505 = tpu.memref_squeeze %dma_start3A_504 : memref<1x2x2048xf32, #tpu.memory_space<hbm>> -> memref<2x2048xf32, #tpu.memory_space<hbm>>
      tpu.enqueue_dma source(%arg19 : memref<2x2048xf32, #tpu.memory_space<vmem>>) target(%dma_start3A_505 : memref<2x2048xf32, #tpu.memory_space<hbm>>) target_semaphore(%arg35 : memref<!tpu.dma_semaphore, #tpu.memory_space<semaphore_mem>>)
      %lt3A_506 = arith.constant 31 : i32
      %lt3A_507 = arith.cmpi slt, %scan3A_164, %lt3A_506 : i32
      %convert_element_type3A_508 = arith.extui %lt3A_507 : i1 to i32
      %cond3A_509 = arith.constant 0 : i32
      %cond3A_510 = arith.cmpi ne, %convert_element_type3A_508, %cond3A_509 : i32
      scf.if %cond3A_510 {
        %add3A_511 = arith.constant 8 : i32
        %add3A_512 = arith.addi %add3A_470, %add3A_511 : i32
        %mul3A_513 = arith.constant 2 : i32
        %mul3A_514 = arith.muli %add3A_512, %mul3A_513 : i32
        %add3A_515 = arith.addi %mul3A_32, %mul3A_514 : i32
        %dma_start3A_516 = arith.constant 0 : i32
        %dma_start3A_517 = tpu.memref_slice %arg2[%select_n3A, %add3A_515, %dma_start3A_516] : memref<4x4096x2048xf32, #tpu.memory_space<hbm>> -> memref<1x2x2048xf32, #tpu.memory_space<hbm>>
        %dma_start3A_518 = tpu.memref_squeeze %dma_start3A_517 : memref<1x2x2048xf32, #tpu.memory_space<hbm>> -> memref<2x2048xf32, #tpu.memory_space<hbm>>
        %dma_start3A_519 = arith.constant 0 : i32
        %dma_start3A_520 = tpu.memref_slice %arg2[%select_n3A, %add3A_515, %dma_start3A_519] : memref<4x4096x2048xf32, #tpu.memory_space<hbm>> -> memref<1x2x2048xf32, #tpu.memory_space<hbm>>
        %dma_start3A_521 = tpu.memref_squeeze %dma_start3A_520 : memref<1x2x2048xf32, #tpu.memory_space<hbm>> -> memref<2x2048xf32, #tpu.memory_space<hbm>>
        tpu.enqueue_dma source(%dma_start3A_521 : memref<2x2048xf32, #tpu.memory_space<hbm>>) target(%arg11 : memref<2x2048xf32, #tpu.memory_space<vmem>>) target_semaphore(%arg27 : memref<!tpu.dma_semaphore, #tpu.memory_space<semaphore_mem>>)
      } else {
      }
    }
    %scan3A_100 = arith.constant 32 : i32
    %add3A_101 = arith.constant 0 : i32
    %add3A_102 = arith.addi %mul3A_32, %add3A_101 : i32
    %dma_wait3A = arith.constant 0 : i32
    %dma_wait3A_103 = tpu.memref_slice %arg3[%select_n3A, %add3A_102, %dma_wait3A] : memref<4x4096x2048xf32, #tpu.memory_space<hbm>> -> memref<1x2x2048xf32, #tpu.memory_space<hbm>>
    %dma_wait3A_104 = tpu.memref_squeeze %dma_wait3A_103 : memref<1x2x2048xf32, #tpu.memory_space<hbm>> -> memref<2x2048xf32, #tpu.memory_space<hbm>>
    %dma_wait3A_105 = arith.constant 0 : i32
    %dma_wait3A_106 = tpu.memref_slice %arg3[%select_n3A, %add3A_102, %dma_wait3A_105] : memref<4x4096x2048xf32, #tpu.memory_space<hbm>> -> memref<1x2x2048xf32, #tpu.memory_space<hbm>>
    %dma_wait3A_107 = tpu.memref_squeeze %dma_wait3A_106 : memref<1x2x2048xf32, #tpu.memory_space<hbm>> -> memref<2x2048xf32, #tpu.memory_space<hbm>>
    tpu.wait_dma2 semaphore(%arg28 : memref<!tpu.dma_semaphore, #tpu.memory_space<semaphore_mem>>) src(%arg12 : memref<2x2048xf32, #tpu.memory_space<vmem>>) dst(%dma_wait3A_107 : memref<2x2048xf32, #tpu.memory_space<hbm>>)
    %add3A_108 = arith.constant 0 : i32
    %add3A_109 = arith.addi %mul3A_32, %add3A_108 : i32
    %dma_wait3A_110 = arith.constant 0 : i32
    %dma_wait3A_111 = tpu.memref_slice %arg3[%select_n3A, %add3A_109, %dma_wait3A_110] : memref<4x4096x2048xf32, #tpu.memory_space<hbm>> -> memref<1x2x2048xf32, #tpu.memory_space<hbm>>
    %dma_wait3A_112 = tpu.memref_squeeze %dma_wait3A_111 : memref<1x2x2048xf32, #tpu.memory_space<hbm>> -> memref<2x2048xf32, #tpu.memory_space<hbm>>
    %dma_wait3A_113 = arith.constant 0 : i32
    %dma_wait3A_114 = tpu.memref_slice %arg3[%select_n3A, %add3A_109, %dma_wait3A_113] : memref<4x4096x2048xf32, #tpu.memory_space<hbm>> -> memref<1x2x2048xf32, #tpu.memory_space<hbm>>
    %dma_wait3A_115 = tpu.memref_squeeze %dma_wait3A_114 : memref<1x2x2048xf32, #tpu.memory_space<hbm>> -> memref<2x2048xf32, #tpu.memory_space<hbm>>
    tpu.wait_dma2 semaphore(%arg29 : memref<!tpu.dma_semaphore, #tpu.memory_space<semaphore_mem>>) src(%arg13 : memref<2x2048xf32, #tpu.memory_space<vmem>>) dst(%dma_wait3A_115 : memref<2x2048xf32, #tpu.memory_space<hbm>>)
    %add3A_116 = arith.constant 0 : i32
    %add3A_117 = arith.addi %mul3A_32, %add3A_116 : i32
    %dma_wait3A_118 = arith.constant 0 : i32
    %dma_wait3A_119 = tpu.memref_slice %arg3[%select_n3A, %add3A_117, %dma_wait3A_118] : memref<4x4096x2048xf32, #tpu.memory_space<hbm>> -> memref<1x2x2048xf32, #tpu.memory_space<hbm>>
    %dma_wait3A_120 = tpu.memref_squeeze %dma_wait3A_119 : memref<1x2x2048xf32, #tpu.memory_space<hbm>> -> memref<2x2048xf32, #tpu.memory_space<hbm>>
    %dma_wait3A_121 = arith.constant 0 : i32
    %dma_wait3A_122 = tpu.memref_slice %arg3[%select_n3A, %add3A_117, %dma_wait3A_121] : memref<4x4096x2048xf32, #tpu.memory_space<hbm>> -> memref<1x2x2048xf32, #tpu.memory_space<hbm>>
    %dma_wait3A_123 = tpu.memref_squeeze %dma_wait3A_122 : memref<1x2x2048xf32, #tpu.memory_space<hbm>> -> memref<2x2048xf32, #tpu.memory_space<hbm>>
    tpu.wait_dma2 semaphore(%arg30 : memref<!tpu.dma_semaphore, #tpu.memory_space<semaphore_mem>>) src(%arg14 : memref<2x2048xf32, #tpu.memory_space<vmem>>) dst(%dma_wait3A_123 : memref<2x2048xf32, #tpu.memory_space<hbm>>)
    %add3A_124 = arith.constant 0 : i32
    %add3A_125 = arith.addi %mul3A_32, %add3A_124 : i32
    %dma_wait3A_126 = arith.constant 0 : i32
    %dma_wait3A_127 = tpu.memref_slice %arg3[%select_n3A, %add3A_125, %dma_wait3A_126] : memref<4x4096x2048xf32, #tpu.memory_space<hbm>> -> memref<1x2x2048xf32, #tpu.memory_space<hbm>>
    %dma_wait3A_128 = tpu.memref_squeeze %dma_wait3A_127 : memref<1x2x2048xf32, #tpu.memory_space<hbm>> -> memref<2x2048xf32, #tpu.memory_space<hbm>>
    %dma_wait3A_129 = arith.constant 0 : i32
    %dma_wait3A_130 = tpu.memref_slice %arg3[%select_n3A, %add3A_125, %dma_wait3A_129] : memref<4x4096x2048xf32, #tpu.memory_space<hbm>> -> memref<1x2x2048xf32, #tpu.memory_space<hbm>>
    %dma_wait3A_131 = tpu.memref_squeeze %dma_wait3A_130 : memref<1x2x2048xf32, #tpu.memory_space<hbm>> -> memref<2x2048xf32, #tpu.memory_space<hbm>>
    tpu.wait_dma2 semaphore(%arg31 : memref<!tpu.dma_semaphore, #tpu.memory_space<semaphore_mem>>) src(%arg15 : memref<2x2048xf32, #tpu.memory_space<vmem>>) dst(%dma_wait3A_131 : memref<2x2048xf32, #tpu.memory_space<hbm>>)
    %add3A_132 = arith.constant 0 : i32
    %add3A_133 = arith.addi %mul3A_32, %add3A_132 : i32
    %dma_wait3A_134 = arith.constant 0 : i32
    %dma_wait3A_135 = tpu.memref_slice %arg3[%select_n3A, %add3A_133, %dma_wait3A_134] : memref<4x4096x2048xf32, #tpu.memory_space<hbm>> -> memref<1x2x2048xf32, #tpu.memory_space<hbm>>
    %dma_wait3A_136 = tpu.memref_squeeze %dma_wait3A_135 : memref<1x2x2048xf32, #tpu.memory_space<hbm>> -> memref<2x2048xf32, #tpu.memory_space<hbm>>
    %dma_wait3A_137 = arith.constant 0 : i32
    %dma_wait3A_138 = tpu.memref_slice %arg3[%select_n3A, %add3A_133, %dma_wait3A_137] : memref<4x4096x2048xf32, #tpu.memory_space<hbm>> -> memref<1x2x2048xf32, #tpu.memory_space<hbm>>
    %dma_wait3A_139 = tpu.memref_squeeze %dma_wait3A_138 : memref<1x2x2048xf32, #tpu.memory_space<hbm>> -> memref<2x2048xf32, #tpu.memory_space<hbm>>
    tpu.wait_dma2 semaphore(%arg32 : memref<!tpu.dma_semaphore, #tpu.memory_space<semaphore_mem>>) src(%arg16 : memref<2x2048xf32, #tpu.memory_space<vmem>>) dst(%dma_wait3A_139 : memref<2x2048xf32, #tpu.memory_space<hbm>>)
    %add3A_140 = arith.constant 0 : i32
    %add3A_141 = arith.addi %mul3A_32, %add3A_140 : i32
    %dma_wait3A_142 = arith.constant 0 : i32
    %dma_wait3A_143 = tpu.memref_slice %arg3[%select_n3A, %add3A_141, %dma_wait3A_142] : memref<4x4096x2048xf32, #tpu.memory_space<hbm>> -> memref<1x2x2048xf32, #tpu.memory_space<hbm>>
    %dma_wait3A_144 = tpu.memref_squeeze %dma_wait3A_143 : memref<1x2x2048xf32, #tpu.memory_space<hbm>> -> memref<2x2048xf32, #tpu.memory_space<hbm>>
    %dma_wait3A_145 = arith.constant 0 : i32
    %dma_wait3A_146 = tpu.memref_slice %arg3[%select_n3A, %add3A_141, %dma_wait3A_145] : memref<4x4096x2048xf32, #tpu.memory_space<hbm>> -> memref<1x2x2048xf32, #tpu.memory_space<hbm>>
    %dma_wait3A_147 = tpu.memref_squeeze %dma_wait3A_146 : memref<1x2x2048xf32, #tpu.memory_space<hbm>> -> memref<2x2048xf32, #tpu.memory_space<hbm>>
    tpu.wait_dma2 semaphore(%arg33 : memref<!tpu.dma_semaphore, #tpu.memory_space<semaphore_mem>>) src(%arg17 : memref<2x2048xf32, #tpu.memory_space<vmem>>) dst(%dma_wait3A_147 : memref<2x2048xf32, #tpu.memory_space<hbm>>)
    %add3A_148 = arith.constant 0 : i32
    %add3A_149 = arith.addi %mul3A_32, %add3A_148 : i32
    %dma_wait3A_150 = arith.constant 0 : i32
    %dma_wait3A_151 = tpu.memref_slice %arg3[%select_n3A, %add3A_149, %dma_wait3A_150] : memref<4x4096x2048xf32, #tpu.memory_space<hbm>> -> memref<1x2x2048xf32, #tpu.memory_space<hbm>>
    %dma_wait3A_152 = tpu.memref_squeeze %dma_wait3A_151 : memref<1x2x2048xf32, #tpu.memory_space<hbm>> -> memref<2x2048xf32, #tpu.memory_space<hbm>>
    %dma_wait3A_153 = arith.constant 0 : i32
    %dma_wait3A_154 = tpu.memref_slice %arg3[%select_n3A, %add3A_149, %dma_wait3A_153] : memref<4x4096x2048xf32, #tpu.memory_space<hbm>> -> memref<1x2x2048xf32, #tpu.memory_space<hbm>>
    %dma_wait3A_155 = tpu.memref_squeeze %dma_wait3A_154 : memref<1x2x2048xf32, #tpu.memory_space<hbm>> -> memref<2x2048xf32, #tpu.memory_space<hbm>>
    tpu.wait_dma2 semaphore(%arg34 : memref<!tpu.dma_semaphore, #tpu.memory_space<semaphore_mem>>) src(%arg18 : memref<2x2048xf32, #tpu.memory_space<vmem>>) dst(%dma_wait3A_155 : memref<2x2048xf32, #tpu.memory_space<hbm>>)
    %add3A_156 = arith.constant 0 : i32
    %add3A_157 = arith.addi %mul3A_32, %add3A_156 : i32
    %dma_wait3A_158 = arith.constant 0 : i32
    %dma_wait3A_159 = tpu.memref_slice %arg3[%select_n3A, %add3A_157, %dma_wait3A_158] : memref<4x4096x2048xf32, #tpu.memory_space<hbm>> -> memref<1x2x2048xf32, #tpu.memory_space<hbm>>
    %dma_wait3A_160 = tpu.memref_squeeze %dma_wait3A_159 : memref<1x2x2048xf32, #tpu.memory_space<hbm>> -> memref<2x2048xf32, #tpu.memory_space<hbm>>
    %dma_wait3A_161 = arith.constant 0 : i32
    %dma_wait3A_162 = tpu.memref_slice %arg3[%select_n3A, %add3A_157, %dma_wait3A_161] : memref<4x4096x2048xf32, #tpu.memory_space<hbm>> -> memref<1x2x2048xf32, #tpu.memory_space<hbm>>
    %dma_wait3A_163 = tpu.memref_squeeze %dma_wait3A_162 : memref<1x2x2048xf32, #tpu.memory_space<hbm>> -> memref<2x2048xf32, #tpu.memory_space<hbm>>
    tpu.wait_dma2 semaphore(%arg35 : memref<!tpu.dma_semaphore, #tpu.memory_space<semaphore_mem>>) src(%arg19 : memref<2x2048xf32, #tpu.memory_space<vmem>>) dst(%dma_wait3A_163 : memref<2x2048xf32, #tpu.memory_space<hbm>>)
    return
  }
}

</mosaic_0001>

<sc_bundles>
// kernel: kernel.3.cloned.1.call-start
scs
__scs_entry_jumppad:
0x0: {  	(pc) =	sbr.rel $0x88, $3  }
0x1: {  	(tag) =	ssettag $0x0;
	lr =	simm.s32 $0x1  }
0x2: {  	[smem:$0x3FA0] =	sst lr;
	_ =	strace $0xD0000000  }
0x3: {  	_ = 	snop  }
0x4: {  	_ = 	snop  }
0x5: {  	_ = 	snop  }
0x6: {  	_ = 	snop  }
0x7: {  	_ = 	snop  }
__scs_overlays_trampoline_lowered:
0x8: {  	[smem:$0x3FAF] =	sst s0  }
0x9: {  	[smem:$0x3FB0] =	sst s1  }
0xa: {  	[smem:$0x3FB1] =	sst s2  }
0xb: {  	[smem:$0x3FB2] =	sst s3  }
0xc: {  	[smem:$0x3FB3] =	sst s4  }
0xd: {  	[smem:$0x3FB4] =	sst s5  }
0xe: {  	[smem:$0x3FB5] =	sst s6  }
0xf: {  	[smem:$0x3FB6] =	sst s7  }
0x10: {  	[smem:$0x3FB7] =	sst s8  }
0x11: {  	[smem:$0x3FB8] =	sst s9;
	s0 =	simm.s32 @!p0 $0x0  }
0x12: {  	s1 =	sld [smem:$0x3F9E];
	s0 =	simm.s32 @p0 $0x1  }
0x13: {  	[smem:$0x3FB9] =	sst s0;
	s0 =	simm.s32 @!p1 $0x0  }
0x14: {  	s2 =	sld [smem:$0x3F9D];
	s0 =	simm.s32 @p1 $0x1  }
0x15: {  	[smem:$0x3FBA] =	sst s0;
	s0 =	simm.s32 @!p2 $0x0  }
0x16: {  	s3 =	sld [smem:$0x3FDB];
	s0 =	simm.s32 @p2 $0x1  }
0x17: {  	s4 =	simm.s32 $0x1BF5;
	[smem:$0x3FBC] =	sst s0  }
0x18: {  	s0 =	sld [smem:$0x3F9F];
	_ =	swait.ge [sflag:s4], $0x0  }
0x19: {  	s7 =	sld [smem:$0x3FA0]  }
0x1a: {  	s8 =	sadd.s32 $0xFFFFE003, lr  }
0x1b: {  	s9 =	sadd.s32 $0xFFFFFEF7, lr;
	s5 =	simm.s32 $0xFFFFFFFF;
	p2 =	slt.u32 s8, $0xFFFFF086  }
0x1c: {  	p1 =	slt.u32 s9, $0xF7A;
	s5 =	simm.s32 @!p2 $0x0  }
0x1d: {  	s5 =	simm.s32 @p1 $0x1;
	p0 =	seq.s32 s7, s2  }
0x1e: {  	s7 =	smul.u32 @!p0 $0xF7A, s2;
	p2 =	seq.s32 @!p0 s5, $0x0  }
0x1f: {  	s9 =	smul.u32 $0xF7A, s1;
	s8 =	simm.s32 @!p0 $0x1BF5;
	p2 =	por !p2, p0  }
0x20: {  	[sflag:s8] =	ssyncset.s32 @!p0 $0xFFFFF086;
	s6 =	sadd.s32 @!p0 s3, s7;
	s7 =	simm.s32 @!p0 $0x108  }
0x21: {  	s3 =	sadd.s32 s3, s9;
	s6 =	sadd.s32 @!p0 $0x88, s6;
	s7 =	simm.s32 @p2 $0x1082  }
0x22: {  	[simem:s7], [sflag:s8] =	dma.local @!p0 [hbm:s6], $0xF7A  }
0x23: {  	s9 =	sor.u32 $0xD0000000, s2;
	s6 =	simm.s32 $0x108;
	_ =	swait.ge @!p0 [sflag:s8], $0x0  }
0x24: {  	s3 =	sadd.s32 $0x88, s3;
	s6 =	simm.s32 @!p1 $0x1082;
	[sflag:s4] =	ssyncset.s32 $0xFFFFF086  }
0x25: {  	[simem:s6], [sflag:s4] =	dma.local [hbm:s3], $0xF7A  }
0x26: {  	[smem:$0x3FA0] =	sst s1;
	(tag) =	ssettag s2;
	_ =	strace s9  }
0x27: {  	s1 =	sld [smem:$0x3FB0]  }
0x28: {  	s2 =	sld [smem:$0x3FB1]  }
0x29: {  	s4 =	sld [smem:$0x3FB3]  }
0x2a: {  	p0 =	seq.s32 s5, $0x0;
	s5 =	sld [smem:$0x3FB4]  }
0x2b: {  	s6 =	sld [smem:$0x3FB5]  }
0x2c: {  	s7 =	sld [smem:$0x3FB6]  }
0x2d: {  	s3 =	simm.s32 $0x108;
	s8 =	sld [smem:$0x3FB7]  }
0x2e: {  	s3 =	simm.s32 @!p0 $0x1082;
	s9 =	sld [smem:$0x3FB8]  }
0x2f: {  	lr =	sadd.s32 s0, s3;
	s0 =	sld [smem:$0x3FAF]  }
0x30: {  	s3 =	sld [smem:$0x3FB2]  }
0x31: {  	[smem:$0x3FBB] =	sst s10  }
0x32: {  	s10 =	sld [smem:$0x3FB9];
	_ =	sdelay $0x3  }
0x33: {  	p0 =	seq.s32 s10, $0x1;
	s10 =	sld [smem:$0x3FBB];
	_ =	sdelay $0x3  }
0x34: {  	[smem:$0x3FBB] =	sst s10  }
0x35: {  	s10 =	sld [smem:$0x3FBA];
	_ =	sdelay $0x3  }
0x36: {  	p1 =	seq.s32 s10, $0x1;
	s10 =	sld [smem:$0x3FBB];
	_ =	sdelay $0x3  }
0x37: {  	[smem:$0x3FBB] =	sst s10  }
0x38: {  	s10 =	sld [smem:$0x3FBC]  }
0x39: {  	_ = 	snop;
	(pc) =	sbr.ind lr, $3  }
0x3a: {  	_ = 	snop  }
0x3b: {  	_ = 	snop  }
0x3c: {  	p2 =	seq.s32 s10, $0x1;
	s10 =	sld [smem:$0x3FBB]  }
0x3d: {  	_ =	shalt  }
0x3e: {  	_ =	shalt  }
0x3f: {  	_ =	shalt  }
0x40: {  	_ =	shalt  }
0x41: {  	_ =	shalt  }
0x42: {  	_ =	shalt  }
0x43: {  	_ =	shalt  }
0x44: {  	_ =	shalt  }
0x45: {  	_ =	shalt  }
0x46: {  	_ =	shalt  }
0x47: {  	_ =	shalt  }
0x48: {  	_ =	shalt  }
0x49: {  	_ =	shalt  }
0x4a: {  	_ =	shalt  }
0x4b: {  	_ =	shalt  }
0x4c: {  	_ =	shalt  }
0x4d: {  	_ =	shalt  }
0x4e: {  	_ =	shalt  }
0x4f: {  	_ =	shalt  }
0x50: {  	_ =	shalt  }
0x51: {  	_ =	shalt  }
0x52: {  	_ =	shalt  }
0x53: {  	_ =	shalt  }
0x54: {  	_ =	shalt  }
0x55: {  	_ =	shalt  }
0x56: {  	_ =	shalt  }
0x57: {  	_ =	shalt  }
0x58: {  	_ =	shalt  }
0x59: {  	_ =	shalt  }
0x5a: {  	_ =	shalt  }
0x5b: {  	_ =	shalt  }
0x5c: {  	_ =	shalt  }
0x5d: {  	_ =	shalt  }
0x5e: {  	_ =	shalt  }
0x5f: {  	_ =	shalt  }
0x60: {  	_ =	shalt  }
0x61: {  	_ =	shalt  }
0x62: {  	_ =	shalt  }
0x63: {  	_ =	shalt  }
0x64: {  	_ =	shalt  }
0x65: {  	_ =	shalt  }
0x66: {  	_ =	shalt  }
0x67: {  	_ =	shalt  }
0x68: {  	_ =	shalt  }
0x69: {  	_ =	shalt  }
0x6a: {  	_ =	shalt  }
0x6b: {  	_ =	shalt  }
0x6c: {  	_ =	shalt  }
0x6d: {  	_ =	shalt  }
0x6e: {  	_ =	shalt  }
0x6f: {  	_ =	shalt  }
0x70: {  	_ =	shalt  }
0x71: {  	_ =	shalt  }
0x72: {  	_ =	shalt  }
0x73: {  	_ =	shalt  }
0x74: {  	_ =	shalt  }
0x75: {  	_ =	shalt  }
0x76: {  	_ =	shalt  }
0x77: {  	_ =	shalt  }
0x78: {  	_ =	shalt  }
0x79: {  	_ =	shalt  }
0x7a: {  	_ =	shalt  }
0x7b: {  	_ =	shalt  }
0x7c: {  	_ =	shalt  }
0x7d: {  	_ =	shalt  }
0x7e: {  	_ =	shalt  }
0x7f: {  	_ =	shalt  }
0x80: {  	_ =	shalt  }
0x81: {  	_ =	shalt  }
0x82: {  	_ =	shalt  }
0x83: {  	_ =	shalt  }
0x84: {  	_ =	shalt  }
0x85: {  	_ =	shalt  }
0x86: {  	_ =	shalt  }
0x87: {  	_ =	shalt  }
.Lfunc_end0:
.L_simem_size_0:
called_computation_lowered:
.L_overlay_start_0:
0x88: {  	s2 =	sld [smem:$0x3FD9]  }
0x89: {  	s3 =	sld [smem:$0x3FFE];
	_ =	sdelay $0x1  }
0x8a: {  	s1 =	srdreg.scid  }
0x8b: {  	s0 =	sand.u32 $0x1, s1  }
0x8c: {  	s18 =	sshll.u32 s0, $0xA;
	s2 =	sadd.s32 s3, s2  }
0x8d: {  	s2 =	sadd.s32 s2, s18  }
0x8e: {  	[smem:$0x3FC7] =	sst s2  }
0x8f: {  	_ = 	snop  }
0x90: {  	s2 =	sld [smem:$0x3FC9]  }
0x91: {  	s19 =	sld [smem:$0x3FD0];
	(tm) =	ssettm $0x1  }
0x92: {  	s4 =	sld [smem:$0x3FFB];
	_ =	sdelay $0x3  }
0x93: {  	_ =	strace s4  }
0x94: {  	s4 =	sld [smem:$0x3FFC];
	_ =	sdelay $0x3  }
0x95: {  	_ =	strace s4  }
0x96: {  	s4 =	sld [smem:$0x3FFD];
	_ =	sdelay $0x3  }
0x97: {  	_ =	strace s4  }
0x98: {  	_ =	strace $0x8FFFFFFF  }
0x99: {  	s20 =	sld [smem:$0x3FDB];
	_ =	sdelay $0x1  }
0x9a: {  	s5 =	simm.s32 $_scs_section_size  }
0x9b: {  	s6 =	simm.s32 $_size__tile_overlayer_lowered;
	s7 =	simm.s32 $_tile_overlayer_lowered  }
0x9c: {  	s23 =	simm.s32 $0x1BFF;
	s22 =	sshll.u32 s7, $0x1;
	s4 =	sadd.s32 s5, s20  }
0x9d: {  	s8 =	simm.s32 $0x0;
	s21 =	sshll.u32 s6, $0x1;
	s6 =	sadd.s32 s22, s4  }
0x9e: {  	[timem:s8], [sflag:s23] =	dma.local [hbm:s6], s21  }
0x9f: {  	_ =	swait.ge [sflag:s23], s21  }
0xa0: {  	s5 =	ssub.s32 $0x0, s21;
	[sflag:s23] =	ssyncset.done $0x0  }
0xa1: {  	[sflag:s23] =	ssyncadd.s32 s5;
	_ =	sdelay $0x1  }
0xa2: {  	s24 =	simm.s32 $0x1B8B  }
0xa3: {  	_ =	swait.ge [sflag:s24], $0x1  }
0xa4: {  	[sflag:s24] =	ssyncset.done $0x0  }
0xa5: {  	s25 =	simm.s32 $0x1B8E;
	[sflag:s24] =	ssyncadd.s32 $0xFFFFFFFF  }
0xa6: {  	s26 =	simm.s32 $execute0_lowered;
	[smem:$0x3FD2] =	sst s25  }
0xa7: {  	s5 =	sshll.u32 s26, $0x1;
	_ =	strace $0x80000046;
	[dreg:$0x1] =	wrdreg $0xFFFFFFFF  }
0xa8: {  	s28 =	simm.s32 $_size_execute0_lowered;
	s4 =	sadd.s32 s4, s5;
	[dreg:$0x0] =	wrdreg $0x0  }
0xa9: {  	s5 =	sshll.u32 s28, $0x1;
	[dreg:$0x2] =	wrdreg s4  }
0xaa: {  	[dreg:$0x3] =	wrdreg s5  }
0xab: {  	[dreg:$0x4] =	wrdreg $0xC0  }
0xac: {  	_ =	task [dreg:s8], $0x5FFFF  }
0xad: {  	[dreg:$0x1] =	wrdreg $0xFFFFFFFF  }
0xae: {  	[dreg:$0x0] =	wrdreg $0x60  }
0xaf: {  	[dreg:$0x2] =	wrdreg s2  }
0xb0: {  	[dreg:$0x3] =	wrdreg s19  }
0xb1: {  	[dreg:$0x4] =	wrdreg $0x9  }
0xb2: {  	_ =	task.clear_ibuf [dreg:s8], $0x5FFFF;
	_ =	strace $0x90000046  }
0xb3: {  	s29 =	simm.s32 $0x9;
	_ =	strace $0x80000048  }
0xb4: {  	_ =	swait.ge [sflag:s29], $0x1  }
0xb5: {  	[sflag:s29] =	ssyncadd.s32 $0xFFFFFFFF  }
0xb6: {  	_ =	strace $0x90000048  }
0xb7: {  	_ =	sfence  }
0xb8: {  	s30 =	sld [smem:$0x0];
	_ =	sdelay $0x2  }
0xb9: {  	s31 =	sshll.u32 s1, $0xD;
	s1 =	sshrl.u32 s1, $0x2  }
0xba: {  	s3 =	sand.u32 $0x4000, s31;
	s1 =	sadd.s32 s1, s30  }
0xbb: {  	s0 =	sor.u32 s3, s0;
	s1 =	sshll.u32 s1, $0x11  }
0xbc: {  	s0 =	sor.u32 s1, s0  }
0xbd: {  	s0 =	sadd.s32 $0x8F2B, s0  }
0xbe: {  	[sflag:s0] =	ssyncadd.remote.s32 $0x1  }
0xbf: {  	_ =	sfence.sel $0xFFFF  }
0xc0: {  	[dreg:$0x0] =	wrdreg $0xFFFFFFFF;
	(pc) =	sbr.abs _section_cstart, $3  }
0xc1: {  	[dreg:$0x1] =	wrdreg $0xFFFFFFFF  }
0xc2: {  	_ =	task.clear_ibuf [dreg:s8], $0x2FFFF;
	_ =	strace $0x9FFFFFFF  }
0xc3: {  	(tm) =	ssettm $0x7FFFFFFF  }
tec
execute0_lowered:
.L_overlay_start_1:
0x0: {  	(tag) =	ssettag $0x1  }
0x1: {  	s4 =	rddreg [dreg:$0x0]  }
0x2: {  	s6 =	rddreg [dreg:$0x1];
	s3 =	stileid.u32  }
0x3: {  	s2 =	simm.s32 $0x0;
	s0 =	srdreg.scid;
	s9 =	simm.s32 $0x1  }
0x4: {  	s12 =	simm.s32 $0x2;
	s29 =	simm.s32 $0x5;
	s30 =	simm.s32 $0x7  }
0x5: {  	s10 =	simm.s32 $0xF;
	s28 =	simm.s32 $0x10;
	s1 =	sshll.u32 s3, $0x1  }
0x6: {  	[smem:$0x7FF] =	sst s2;
	s0 =	sand.u32 $0x1, s0;
	s15 =	sshll.u32 s3, $0x15  }
0x7: {  	s7 =	sadd.s32 $0x20, s4;
	s8 =	sadd.s32 $0x40, s4;
	s1 =	sand.u32 $0x6, s1  }
0x8: {  	s14 =	ssub.s32 $0x2, s0;
	_ =	strace $0x80000047;
	[dreg:$0x5] =	wrdreg s7  }
0x9: {  	s5 =	sand.u32 $0x1800000, s15;
	[dreg:$0x8] =	wrdreg s8;
	s0 =	sor.u32 s0, s1  }
0xa: {  	s16 =	sshrl.u32 s14, $0x1;
	s17 =	sshll.u32 s0, $0x14;
	s18 =	sshll.u32 s0, $0x9  }
0xb: {  	s2 =	ssub.s32 s14, s16;
	s1 =	sor.u32 s5, s17;
	[dreg:$0x4] =	wrdreg s18  }
0xc: {  	s31 =	smax.u32 s2, $0x1;
	[dreg:$0x3] =	wrdreg s1;
	s19 =	sshrl.u32 s1, $0x3  }
0xd: {  	s13 =	sadd.s32 $0x60, s4;
	[dreg:$0xf] =	wrdreg s31;
	s1 =	sadd.s32 s4, s19  }
0xe: {  	s3 =	simm.s32 $0x0;
	s20 =	sadd.s32 s19, s7;
	[dreg:$0x6] =	wrdreg s1  }
0xf: {  	s16 =	simm.s32 $0x3;
	s21 =	sadd.s32 s19, s8;
	[dreg:$0x7] =	wrdreg s20  }
0x10: {  	s22 =	sor.u32 $0x800, s19;
	s0 =	sadd.s32 s19, s13;
	[dreg:$0x9] =	wrdreg s21  }
0x11: {  	s19 =	sor.u32 $0x10, s18;
	[dreg:$0xa] =	wrdreg s0;
	s23 =	sadd.s32 s4, s22  }
0x12: {  	s24 =	sadd.s32 s22, s7;
	s25 =	sadd.s32 s22, s8;
	s26 =	sadd.s32 s22, s13  }
.Ltmp0:
0x13: {  	v0 =	vlaneseq.u32;
	s20 =	sadd.s32 $0x20, s6;
	[dreg:$0xb] =	wrdreg s23;
	(pc) =	sbr.rel .LBB2_1-.Ltmp0, $4  }
0x14: {  	v0 =	vshrl.u32 v0, $0x3;
	s21 =	sadd.s32 $0x40, s6;
	s22 =	sadd.s32 $0x60, s6;
	[dreg:$0xc] =	wrdreg s24  }
0x15: {  	v0 =	vmul.u32 $0x80000000, v0;
	s0 =	simm.s32 $0x6;
	s1 =	simm.s32 $0xE;
	[dreg:$0xd] =	wrdreg s25  }
0x16: {  	[dreg:$0xe] =	wrdreg s26;
	s23 =	sor.u32 $0x18, s18;
	s25 =	simm.s32 $0x100  }
0x17: {  	v0 =	vadd.s32 $0x80000000, v0;
	s26 =	simm.s32 $0x400;
	s24 =	simm.s32 $0x4;
	s18 =	simm.s32 $0x8  }
.LBB2_44:
0x18: {  	s2 =	simm.s32 $0x9  }
0x19: {  	_ =	swait.ge [sflag:s2], $0x1000  }
0x1a: {  	[sflag:s2] =	ssyncset.done $0x0  }
0x1b: {  	s11 =	simm.s32 $0xA;
	[sflag:s2] =	ssyncadd.s32 $0xFFFFF000  }
0x1c: {  	_ =	swait.ge [sflag:s11], $0x1000  }
0x1d: {  	[sflag:s11] =	ssyncset.done $0x0  }
0x1e: {  	s14 =	simm.s32 $0xB;
	[sflag:s11] =	ssyncadd.s32 $0xFFFFF000  }
0x1f: {  	_ =	swait.ge [sflag:s14], $0x1000  }
0x20: {  	[sflag:s14] =	ssyncset.done $0x0  }
0x21: {  	s15 =	simm.s32 $0xC;
	[sflag:s14] =	ssyncadd.s32 $0xFFFFF000  }
0x22: {  	_ =	swait.ge [sflag:s15], $0x1000  }
0x23: {  	[sflag:s15] =	ssyncset.done $0x0  }
0x24: {  	s17 =	simm.s32 $0xD;
	[sflag:s15] =	ssyncadd.s32 $0xFFFFF000  }
0x25: {  	_ =	swait.ge [sflag:s17], $0x1000  }
0x26: {  	[sflag:s17] =	ssyncset.done $0x0  }
0x27: {  	[sflag:s17] =	ssyncadd.s32 $0xFFFFF000  }
0x28: {  	_ =	swait.ge [sflag:s1], $0x1000  }
0x29: {  	[sflag:s1] =	ssyncset.done $0x0  }
0x2a: {  	[sflag:s1] =	ssyncadd.s32 $0xFFFFF000  }
0x2b: {  	_ =	swait.ge [sflag:s10], $0x1000  }
0x2c: {  	[sflag:s10] =	ssyncset.done $0x0  }
0x2d: {  	[sflag:s10] =	ssyncadd.s32 $0xFFFFF000  }
0x2e: {  	_ =	swait.ge [sflag:s28], $0x1000  }
0x2f: {  	s3 =	rddreg [dreg:$0x10]  }
0x30: {  	s31 =	rddreg [dreg:$0xf];
	s3 =	sadd.s32 $0x1, s3  }
0x31: {  	p0 =	sne.s32 s3, s31  }
.Ltmp1:
0x32: {  	_ = 	snop;
	(pc) =	sbr.rel @!p0 .LBB2_45-.Ltmp1, $3  }
0x33: {  	_ =	sdelay $0x1  }
0x34: {  	[sflag:s28] =	ssyncset.done $0x0  }
0x35: {  	[sflag:s28] =	ssyncadd.s32 $0xFFFFF000  }
.LBB2_1:
0x36: {  	[dreg:$0x10] =	wrdreg s3  }
0x37: {  	s2 =	simm.s32 $0x0;
	s11 =	rddreg [dreg:$0x6]  }
0x38: {  	[tilespmem:s2], [sflag:$0x1] =	stream.strided.gather [hbm4b:s11+s25], $0x1000, s26, s25, $0x38;
	[tilespmem:$0x10000] =	vst v63  }
0x39: {  	s14 =	rddreg [dreg:$0x7];
	s15 =	simm.s32 $0x1000  }
0x3a: {  	[tilespmem:s15], [sflag:$0x2] =	stream.strided.gather [hbm4b:s14+s25], $0x1000, s26, s25, $0x38;
	[tilespmem:$0x10000] =	vst v63  }
0x3b: {  	s17 =	rddreg [dreg:$0x9];
	s31 =	simm.s32 $0x2000  }
0x3c: {  	[tilespmem:s31], [sflag:$0x3] =	stream.strided.gather [hbm4b:s17+s25], $0x1000, s26, s25, $0x38;
	[tilespmem:$0x10000] =	vst v63  }
0x3d: {  	s3 =	rddreg [dreg:$0xa];
	s4 =	simm.s32 $0x3000  }
0x3e: {  	[tilespmem:s4], [sflag:$0x4] =	stream.strided.gather [hbm4b:s3+s25], $0x1000, s26, s25, $0x38;
	[tilespmem:$0x10000] =	vst v63  }
0x3f: {  	s6 =	rddreg [dreg:$0xb];
	s7 =	simm.s32 $0x4000  }
0x40: {  	[tilespmem:s7], [sflag:$0x5] =	stream.strided.gather [hbm4b:s6+s25], $0x1000, s26, s25, $0x38;
	[tilespmem:$0x10000] =	vst v63  }
0x41: {  	s8 =	rddreg [dreg:$0xc];
	s11 =	simm.s32 $0x5000  }
0x42: {  	[tilespmem:s11], [sflag:$0x6] =	stream.strided.gather [hbm4b:s8+s25], $0x1000, s26, s25, $0x38;
	[tilespmem:$0x10000] =	vst v63  }
0x43: {  	s14 =	rddreg [dreg:$0xd];
	s15 =	simm.s32 $0x6000  }
0x44: {  	[tilespmem:s15], [sflag:$0x7] =	stream.strided.gather [hbm4b:s14+s25], $0x1000, s26, s25, $0x38;
	[tilespmem:$0x10000] =	vst v63  }
0x45: {  	s2 =	simm.s32 $0x0;
	s17 =	rddreg [dreg:$0xe];
	s31 =	simm.s32 $0x7000  }
0x46: {  	[tilespmem:s31], [sflag:$0x8] =	stream.strided.gather [hbm4b:s17+s25], $0x1000, s26, s25, $0x38;
	[tilespmem:$0x10000] =	vst v63  }
.LBB2_2:
0x47: {  	_ =	swait.ge [sflag:s9], $0x1000  }
0x48: {  	p0 =	seq.s32 s2, $0x0;
	[sflag:s9] =	ssyncset.done $0x0  }
0x49: {  	s3 =	simm.s32 @!p0 $0x9;
	[sflag:s9] =	ssyncadd.s32 $0xFFFFF000  }
0x4a: {  	s6 =	simm.s32 $0x0;
	s7 =	simm.s32 $0x0;
	_ =	swait.ge @!p0 [sflag:s3], $0x1000  }
0x4b: {  	s7 =	sand.u32 $0x60, s7;
	s6 =	sand.u32 $0xF00, s6;
	[sflag:s3] =	ssyncset.done @!p0 $0x0  }
0x4c: {  	s31 =	sor.u32 s7, s6;
	[sflag:s3] =	ssyncadd.s32 @!p0 $0xFFFFF000  }
0x4d: {  	v1 =	vld [tilespmem:s31+$0x90]  }
0x4e: {  	v2 =	vld [tilespmem:s31+$0x0]  }
0x4f: {  	v3 =	vld [tilespmem:s31+$0x80]  }
0x50: {  	v4 =	vld [tilespmem:s31+$0x10];
	_ =	sdelay $0x1  }
0x51: {  	s8 =	simm.s32 $0x40;
	s7 =	simm.s32 $0x20;
	v5 =	vshra.s32 v1, $0x1F  }
0x52: {  	s6 =	sand.u32 $0xF00, s8;
	s3 =	sand.u32 $0x60, s7;
	v5 =	vor.u32 $0x80000000, v5  }
0x53: {  	s3 =	sor.u32 s3, s6;
	v6 =	vshra.s32 v2, $0x1F;
	v7 =	vshra.s32 v3, $0x1F;
	v5 =	vxor.u32 v1, v5  }
0x54: {  	v8 =	vld [tilespmem:s3+$0x90];
	v9 =	vshra.s32 v4, $0x1F;
	v6 =	vor.u32 $0x80000000, v6;
	v5 =	vshrl.u32 v5, $0x1  }
0x55: {  	v10 =	vld [tilespmem:s3+$0x0];
	v7 =	vor.u32 $0x80000000, v7;
	v6 =	vxor.u32 v2, v6;
	v5 =	vor.u32 v0, v5  }
0x56: {  	v9 =	vor.u32 $0x80000000, v9;
	v7 =	vxor.u32 v3, v7;
	v6 =	vshrl.u32 v6, $0x1;
	(xrf1) =	vsort.dscd.msk.u32 $0xffff, v5, v1  }
0x57: {  	s11 =	simm.s32 $0x40;
	s14 =	simm.s32 $0x80;
	v7 =	vshrl.u32 v7, $0x1;
	v6 =	vor.u32 v0, v6;
	v1 =	vxor.u32 v4, v9  }
0x58: {  	s7 =	sand.u32 $0xF00, s14;
	s6 =	sand.u32 $0x60, s11;
	v7 =	vor.u32 v0, v7;
	v5 =	vld [tilespmem:s3+$0x80];
	v1 =	vshrl.u32 v1, $0x1;
	(xrf1) =	vsort.dscd.msk.u32 $0xffff, v6, v2  }
0x59: {  	s6 =	sor.u32 s6, s7;
	v9 =	vld [tilespmem:s3+$0x10];
	v1 =	vor.u32 v0, v1;
	(xrf1) =	vsort.dscd.msk.u32 $0xffff, v7, v3  }
0x5a: {  	v2 =	vshra.s32 v10, $0x1F;
	v6 =	vld [tilespmem:s6+$0x90];
	(xrf1) =	vsort.dscd.msk.u32 $0xffff, v1, v4;
	v1 =	vshra.s32 v8, $0x1F  }
0x5b: {  	v2 =	vor.u32 $0x80000000, v2;
	v7 =	vld [tilespmem:s6+$0x0];
	v1 =	vor.u32 $0x80000000, v1  }
0x5c: {  	v2 =	vxor.u32 v10, v2;
	v1 =	vxor.u32 v8, v1  }
0x5d: {  	v12 =	vshrl.u32 v2, $0x1;
	v11 =	vshrl.u32 v1, $0x1  }
0x5e: {  	v3 =	vshra.s32 v5, $0x1F;
	v4 =	vshra.s32 v9, $0x1F;
	v11 =	vor.u32 v0, v11  }
0x5f: {  	v12 =	vor.u32 v0, v12;
	v3 =	vor.u32 $0x80000000, v3;
	(xrf1) =	vsort.dscd.msk.u32 $0xffff, v11, v8;
	v8 =	vshra.s32 v6, $0x1F  }
0x60: {  	v3 =	vxor.u32 v5, v3;
	(xrf1) =	vsort.dscd.msk.u32 $0xffff, v12, v10;
	v10 =	vshra.s32 v7, $0x1F;
	v8 =	vor.u32 $0x80000000, v8  }
0x61: {  	v4 =	vor.u32 $0x80000000, v4;
	v3 =	vshrl.u32 v3, $0x1;
	v8 =	vxor.u32 v6, v8  }
0x62: {  	v4 =	vxor.u32 v9, v4;
	v3 =	vor.u32 v0, v3;
	v8 =	vshrl.u32 v8, $0x1  }
0x63: {  	v2 =	vld [tilespmem:s6+$0x10];
	v4 =	vshrl.u32 v4, $0x1;
	(xrf1) =	vsort.dscd.msk.u32 $0xffff, v3, v5;
	v3 =	vor.u32 $0x80000000, v10;
	v8 =	vor.u32 v0, v8  }
0x64: {  	v1 =	vld [tilespmem:s6+$0x80];
	v4 =	vor.u32 v0, v4;
	v11 =	vxor.u32 v7, v3;
	_, v10, _ =	vpop (xrf1)  }
0x65: {  	(xrf1) =	vsort.dscd.msk.u32 $0xffff, v4, v9;
	[tilespmem:s31+$0x8090] =	vst v10;
	v10 =	vshrl.u32 v11, $0x1  }
0x66: {  	s14 =	simm.s32 $0xC0;
	s11 =	simm.s32 $0x60;
	(xrf1) =	vsort.dscd.msk.u32 $0xffff, v8, v6;
	v10 =	vor.u32 v0, v10  }
0x67: {  	s8 =	sand.u32 $0xF00, s14;
	s15 =	sand.u32 $0x60, s11;
	_, v8, _ =	vpop (xrf1);
	(xrf1) =	vsort.dscd.msk.u32 $0xffff, v10, v7  }
0x68: {  	s7 =	sor.u32 s15, s8  }
0x69: {  	v5 =	vshra.s32 v1, $0x1F;
	v9 =	vshra.s32 v2, $0x1F;
	v4 =	vld [tilespmem:s7+$0x90]  }
0x6a: {  	v3 =	vld [tilespmem:s7+$0x0];
	v5 =	vor.u32 $0x80000000, v5;
	v9 =	vor.u32 $0x80000000, v9  }
0x6b: {  	v5 =	vxor.u32 v1, v5;
	v9 =	vxor.u32 v2, v9;
	v6 =	vld [tilespmem:s7+$0x80];
	[tilespmem:s31+$0x8000] =	vst v8  }
0x6c: {  	s17 =	sshll.u32 s2, $0xF;
	v63 =	vshrl.u32 v9, $0x1;
	v11 =	vshrl.u32 v5, $0x1;
	v5 =	vld [tilespmem:s7+$0x10];
	_, v13, _ =	vpop (xrf1);
	s4 =	rddreg [dreg:$0x3]  }
0x6d: {  	s15 =	sshll.u32 s2, $0x4;
	v9 =	vor.u32 v0, v11;
	v8 =	vor.u32 v0, v63;
	[tilespmem:s31+$0x8080] =	vst v13;
	_, v7, _ =	vpop (xrf1);
	s8 =	sadd.s32 s4, s17  }
.LBB2_3:
0x6e: {  	s11 =	sadd.s32 $0x20, s11;
	v12 =	vshra.s32 v4, $0x1F;
	s14 =	sadd.s32 $0x40, s14;
	(xrf1) =	vsort.dscd.msk.u32 $0xffff, v9, v1;
	[tilespmem:s31+$0x8010] =	vst v7;
	v7 =	vmov v4;
	s31 =	smov.u32 s3  }
0x6f: {  	s17 =	sand.u32 $0x60, s11;
	s4 =	sand.u32 $0xF00, s14;
	p1 =	slt.u32 s11, $0x7E0;
	v9 =	vshra.s32 v3, $0x1F;
	v4 =	vor.u32 $0x80000000, v12;
	(xrf1) =	vsort.dscd.msk.u32 $0xffff, v8, v2;
	v10 =	vmov v3  }
0x70: {  	s3 =	smov.u32 s6;
	s6 =	smov.u32 s7;
	v14 =	vor.u32 $0x80000000, v9;
	v3 =	vshra.s32 v6, $0x1F;
	v8 =	vxor.u32 v7, v4;
	v1 =	vmovc v6;
	s7 =	sor.u32 s17, s4  }
.Ltmp2:
0x71: {  	v4 =	vld [tilespmem:s7+$0x90];
	v9 =	vor.u32 $0x80000000, v3;
	v6 =	vshra.s32 v5, $0x1F;
	v8 =	vshrl.u32 v8, $0x1;
	_, v11, _ =	vpop (xrf1);
	(pc) =	sbr.rel @p1 .LBB2_3-.Ltmp2, $4  }
0x72: {  	v12 =	vxor.u32 v10, v14;
	v2 =	vmovc v5;
	v3 =	vld [tilespmem:s7+$0x0];
	v13 =	vor.u32 $0x80000000, v6;
	v8 =	vor.u32 v0, v8;
	[tilespmem:s31+$0x8090] =	vst v11  }
0x73: {  	v11 =	vshrl.u32 v12, $0x1;
	v9 =	vxor.u32 v1, v9;
	v6 =	vld [tilespmem:s7+$0x80];
	v12 =	vxor.u32 v2, v13;
	(xrf1) =	vsort.dscd.msk.u32 $0xffff, v8, v7;
	_, v7, _ =	vpop (xrf1)  }
0x74: {  	v11 =	vor.u32 v0, v11;
	v8 =	vshrl.u32 v9, $0x1;
	v5 =	vld [tilespmem:s7+$0x10];
	v12 =	vshrl.u32 v12, $0x1;
	[tilespmem:s31+$0x8000] =	vst v7;
	_, v7, _ =	vpop (xrf1)  }
0x75: {  	v9 =	vor.u32 v0, v8;
	v8 =	vor.u32 v0, v12;
	(xrf1) =	vsort.dscd.msk.u32 $0xffff, v11, v10;
	[tilespmem:s31+$0x8080] =	vst v7;
	_, v7, _ =	vpop (xrf1)  }
0x76: {  	_ = 	snop  }
0x77: {  	v10 =	vshra.s32 v4, $0x1F;
	v11 =	vshra.s32 v3, $0x1F  }
0x78: {  	v10 =	vor.u32 $0x80000000, v10;
	v11 =	vor.u32 $0x80000000, v11;
	v12 =	vshra.s32 v6, $0x1F  }
0x79: {  	v10 =	vxor.u32 v4, v10;
	v12 =	vor.u32 $0x80000000, v12;
	v13 =	vshra.s32 v5, $0x1F  }
0x7a: {  	(xrf1) =	vsort.dscd.msk.u32 $0xffff, v9, v1;
	v1 =	vshrl.u32 v10, $0x1;
	v59 =	vxor.u32 v3, v11;
	v60 =	vor.u32 $0x80000000, v13  }
0x7b: {  	(xrf1) =	vsort.dscd.msk.u32 $0xffff, v8, v2;
	v1 =	vor.u32 v0, v1;
	v2 =	vshrl.u32 v59, $0x1;
	v61 =	vxor.u32 v6, v12  }
0x7c: {  	v62 =	vxor.u32 v5, v60;
	(xrf1) =	vsort.dscd.msk.u32 $0xffff, v1, v4;
	v1 =	vor.u32 v0, v2;
	v2 =	vshrl.u32 v61, $0x1  }
0x7d: {  	v63 =	vshrl.u32 v62, $0x1;
	v2 =	vor.u32 v0, v2;
	(xrf1) =	vsort.dscd.msk.u32 $0xffff, v1, v3  }
0x7e: {  	v1 =	vor.u32 v0, v63;
	(xrf1) =	vsort.dscd.msk.u32 $0xffff, v2, v6  }
0x7f: {  	(xrf1) =	vsort.dscd.msk.u32 $0xffff, v1, v5;
	_ =	sdelay $0x2  }
0x80: {  	[tilespmem:s31+$0x8010] =	vst v7;
	_, v1, _ =	vpop (xrf1)  }
0x81: {  	_, v2, _ =	vpop (xrf1);
	[tilespmem:s3+$0x8090] =	vst v1  }
0x82: {  	_, v1, _ =	vpop (xrf1);
	[tilespmem:s3+$0x8000] =	vst v2  }
0x83: {  	_, v2, _ =	vpop (xrf1);
	[tilespmem:s3+$0x8080] =	vst v1  }
0x84: {  	[tilespmem:s3+$0x8010] =	vst v2;
	_, v1, _ =	vpop (xrf1)  }
0x85: {  	[tilespmem:s6+$0x8090] =	vst v1;
	_, v1, _ =	vpop (xrf1)  }
0x86: {  	[tilespmem:s6+$0x8000] =	vst v1;
	_, v1, _ =	vpop (xrf1)  }
0x87: {  	[tilespmem:s6+$0x8080] =	vst v1;
	_, v1, _ =	vpop (xrf1)  }
0x88: {  	p1 =	sne.s32 s2, $0x1F;
	[tilespmem:s6+$0x8010] =	vst v1;
	_, v1, _ =	vpop (xrf1)  }
.Ltmp3:
0x89: {  	[tilespmem:s7+$0x8090] =	vst v1;
	_, v1, _ =	vpop (xrf1);
	(pc) =	sbr.rel @p1 .LBB2_6-.Ltmp3, $4  }
0x8a: {  	[tilespmem:s7+$0x8000] =	vst v1;
	_, v1, _ =	vpop (xrf1)  }
0x8b: {  	s31 =	sshrl.u32 s8, $0x3;
	s17 =	rddreg [dreg:$0x1];
	[tilespmem:s7+$0x8080] =	vst v1;
	_, v1, _ =	vpop (xrf1)  }
0x8c: {  	s4 =	simm.s32 $0x8000;
	s3 =	sadd.s32 s17, s31;
	[tilespmem:s7+$0x8010] =	vst v1  }
0x8d: {  	[hbm4b:s3+s25] =	stream.strided.scatter [tilespmem:s4], [sflag:$0x9], $0x1000, s26, s25, $0x38;
	[tilespmem:$0x10000] =	vst v63  }
.Ltmp4:
0x8e: {  	(pc) =	sbr.rel .LBB2_7-.Ltmp4, $4  }
0x8f: {  	_ = 	snop  }
0x90: {  	_ =	swait.ge [sflag:s12], $0x1000  }
0x91: {  	[sflag:s12] =	ssyncset.done $0x0  }
0x92: {  	[sflag:s12] =	ssyncadd.s32 $0xFFFFF000  }
.LBB2_6:
0x93: {  	s3 =	sadd.s32 s15, s19  }
0x94: {  	s3 =	sshll.u32 s3, $0xB  }
0x95: {  	s3 =	sadd.s32 s5, s3  }
0x96: {  	s4 =	rddreg [dreg:$0x0];
	s3 =	sshrl.u32 s3, $0x3  }
.Ltmp5:
0x97: {  	s17 =	simm.s32 $0x0;
	s3 =	sadd.s32 s4, s3;
	(pc) =	sbr.rel @p0 .LBB2_8-.Ltmp5, $4  }
0x98: {  	[tilespmem:s17], [sflag:$0x1] =	stream.strided.gather [hbm4b:s3+s25], $0x1000, s26, s25, $0x38;
	[tilespmem:$0x10000] =	vst v63  }
0x99: {  	_ =	swait.ge [sflag:s12], $0x1000  }
0x9a: {  	[sflag:s12] =	ssyncset.done $0x0  }
0x9b: {  	[sflag:s12] =	ssyncadd.s32 $0xFFFFF000  }
.LBB2_7:
0x9c: {  	s3 =	simm.s32 $0xA  }
0x9d: {  	_ =	swait.ge [sflag:s3], $0x1000  }
0x9e: {  	[sflag:s3] =	ssyncset.done $0x0  }
0x9f: {  	[sflag:s3] =	ssyncadd.s32 $0xFFFFF000  }
.LBB2_8:
0xa0: {  	s3 =	simm.s32 $0x0;
	s4 =	simm.s32 $0x0  }
0xa1: {  	s4 =	sand.u32 $0x60, s4;
	s3 =	sand.u32 $0xF00, s3  }
0xa2: {  	s3 =	sor.u32 s4, s3  }
0xa3: {  	v1 =	vld [tilespmem:s3+$0x1090]  }
0xa4: {  	v2 =	vld [tilespmem:s3+$0x1000]  }
0xa5: {  	v3 =	vld [tilespmem:s3+$0x1080]  }
0xa6: {  	v4 =	vld [tilespmem:s3+$0x1010];
	_ =	sdelay $0x1  }
0xa7: {  	v5 =	vshra.s32 v1, $0x1F  }
0xa8: {  	s11 =	simm.s32 $0x20;
	s6 =	simm.s32 $0x40;
	v5 =	vor.u32 $0x80000000, v5  }
0xa9: {  	s6 =	sand.u32 $0xF00, s6;
	s4 =	sand.u32 $0x60, s11;
	v6 =	vshra.s32 v2, $0x1F;
	v7 =	vshra.s32 v3, $0x1F;
	v5 =	vxor.u32 v1, v5  }
0xaa: {  	s6 =	sor.u32 s4, s6;
	v9 =	vshra.s32 v4, $0x1F;
	v6 =	vor.u32 $0x80000000, v6;
	v5 =	vshrl.u32 v5, $0x1  }
0xab: {  	v8 =	vld [tilespmem:s6+$0x1090];
	v7 =	vor.u32 $0x80000000, v7;
	v6 =	vxor.u32 v2, v6;
	v5 =	vor.u32 v0, v5  }
0xac: {  	v10 =	vld [tilespmem:s6+$0x1000];
	v9 =	vor.u32 $0x80000000, v9;
	v7 =	vxor.u32 v3, v7;
	v6 =	vshrl.u32 v6, $0x1;
	(xrf1) =	vsort.dscd.msk.u32 $0xffff, v5, v1  }
0xad: {  	v7 =	vshrl.u32 v7, $0x1;
	v6 =	vor.u32 v0, v6;
	v1 =	vxor.u32 v4, v9  }
0xae: {  	s14 =	simm.s32 $0x40;
	s7 =	simm.s32 $0x80;
	v7 =	vor.u32 v0, v7;
	v1 =	vshrl.u32 v1, $0x1;
	(xrf1) =	vsort.dscd.msk.u32 $0xffff, v6, v2  }
0xaf: {  	s7 =	sand.u32 $0xF00, s7;
	s4 =	sand.u32 $0x60, s14;
	v5 =	vld [tilespmem:s6+$0x1080];
	v1 =	vor.u32 v0, v1;
	(xrf1) =	vsort.dscd.msk.u32 $0xffff, v7, v3  }
0xb0: {  	s7 =	sor.u32 s4, s7;
	v9 =	vld [tilespmem:s6+$0x1010];
	(xrf1) =	vsort.dscd.msk.u32 $0xffff, v1, v4;
	v1 =	vshra.s32 v8, $0x1F  }
0xb1: {  	v2 =	vshra.s32 v10, $0x1F;
	v7 =	vld [tilespmem:s7+$0x1000];
	v1 =	vor.u32 $0x80000000, v1  }
0xb2: {  	v2 =	vor.u32 $0x80000000, v2;
	v4 =	vld [tilespmem:s7+$0x1090];
	v1 =	vxor.u32 v8, v1  }
0xb3: {  	v2 =	vxor.u32 v10, v2;
	v11 =	vshrl.u32 v1, $0x1  }
0xb4: {  	v12 =	vshrl.u32 v2, $0x1;
	v3 =	vshra.s32 v5, $0x1F;
	v11 =	vor.u32 v0, v11  }
0xb5: {  	v12 =	vor.u32 v0, v12;
	v3 =	vor.u32 $0x80000000, v3;
	(xrf1) =	vsort.dscd.msk.u32 $0xffff, v11, v8  }
0xb6: {  	v6 =	vshra.s32 v9, $0x1F;
	v3 =	vxor.u32 v5, v3;
	(xrf1) =	vsort.dscd.msk.u32 $0xffff, v12, v10;
	v10 =	vshra.s32 v7, $0x1F  }
0xb7: {  	v6 =	vor.u32 $0x80000000, v6;
	v3 =	vshrl.u32 v3, $0x1;
	v8 =	vshra.s32 v4, $0x1F  }
0xb8: {  	v6 =	vxor.u32 v9, v6;
	v3 =	vor.u32 v0, v3;
	v8 =	vor.u32 $0x80000000, v8  }
0xb9: {  	v1 =	vld [tilespmem:s7+$0x1080];
	v6 =	vshrl.u32 v6, $0x1;
	(xrf1) =	vsort.dscd.msk.u32 $0xffff, v3, v5;
	v3 =	vor.u32 $0x80000000, v10;
	v8 =	vxor.u32 v4, v8  }
0xba: {  	v2 =	vld [tilespmem:s7+$0x1010];
	v6 =	vor.u32 v0, v6;
	v8 =	vshrl.u32 v8, $0x1;
	v11 =	vxor.u32 v7, v3;
	_, v10, _ =	vpop (xrf1)  }
0xbb: {  	(xrf1) =	vsort.dscd.msk.u32 $0xffff, v6, v9;
	v8 =	vor.u32 v0, v8;
	[tilespmem:s3+$0x9090] =	vst v10;
	v10 =	vshrl.u32 v11, $0x1  }
0xbc: {  	s11 =	simm.s32 $0x60;
	s14 =	simm.s32 $0xC0;
	(xrf1) =	vsort.dscd.msk.u32 $0xffff, v8, v4;
	v10 =	vor.u32 v0, v10  }
0xbd: {  	s17 =	sand.u32 $0x60, s11;
	s8 =	sand.u32 $0xF00, s14;
	_, v4, _ =	vpop (xrf1);
	(xrf1) =	vsort.dscd.msk.u32 $0xffff, v10, v7  }
0xbe: {  	s8 =	sor.u32 s17, s8;
	v5 =	vshra.s32 v1, $0x1F  }
0xbf: {  	v9 =	vshra.s32 v2, $0x1F;
	v6 =	vor.u32 $0x80000000, v5;
	v5 =	vld [tilespmem:s8+$0x1090]  }
0xc0: {  	v3 =	vld [tilespmem:s8+$0x1000];
	v9 =	vor.u32 $0x80000000, v9  }
0xc1: {  	v9 =	vxor.u32 v2, v9;
	v11 =	vxor.u32 v1, v6;
	v6 =	vld [tilespmem:s8+$0x1080]  }
0xc2: {  	v8 =	vshrl.u32 v11, $0x1;
	v11 =	vshrl.u32 v9, $0x1;
	[tilespmem:s3+$0x9000] =	vst v4;
	_, v63, _ =	vpop (xrf1);
	v4 =	vld [tilespmem:s8+$0x1010]  }
0xc3: {  	v9 =	vor.u32 v0, v8;
	v8 =	vor.u32 v0, v11;
	[tilespmem:s3+$0x9080] =	vst v63;
	_, v7, _ =	vpop (xrf1)  }
.LBB2_9:
0xc4: {  	s11 =	sadd.s32 $0x20, s11;
	v12 =	vshra.s32 v5, $0x1F;
	s14 =	sadd.s32 $0x40, s14;
	(xrf1) =	vsort.dscd.msk.u32 $0xffff, v9, v1;
	[tilespmem:s3+$0x9010] =	vst v7;
	v7 =	vmov v5;
	s3 =	smov.u32 s6  }
0xc5: {  	s4 =	sand.u32 $0x60, s11;
	s17 =	sand.u32 $0xF00, s14;
	p2 =	slt.u32 s11, $0x7E0;
	v9 =	vshra.s32 v3, $0x1F;
	v5 =	vor.u32 $0x80000000, v12;
	(xrf1) =	vsort.dscd.msk.u32 $0xffff, v8, v2;
	v10 =	vmov v3  }
0xc6: {  	s6 =	smov.u32 s7;
	s7 =	smov.u32 s8;
	v14 =	vor.u32 $0x80000000, v9;
	v3 =	vshra.s32 v6, $0x1F;
	v8 =	vxor.u32 v7, v5;
	v1 =	vmovc v6;
	s8 =	sor.u32 s4, s17  }
.Ltmp6:
0xc7: {  	v5 =	vld [tilespmem:s8+$0x1090];
	v9 =	vor.u32 $0x80000000, v3;
	v6 =	vshra.s32 v4, $0x1F;
	v8 =	vshrl.u32 v8, $0x1;
	_, v11, _ =	vpop (xrf1);
	(pc) =	sbr.rel @p2 .LBB2_9-.Ltmp6, $4  }
0xc8: {  	v12 =	vxor.u32 v10, v14;
	v2 =	vmovc v4;
	v3 =	vld [tilespmem:s8+$0x1000];
	v13 =	vor.u32 $0x80000000, v6;
	v8 =	vor.u32 v0, v8;
	[tilespmem:s3+$0x9090] =	vst v11  }
0xc9: {  	v11 =	vshrl.u32 v12, $0x1;
	v9 =	vxor.u32 v1, v9;
	v6 =	vld [tilespmem:s8+$0x1080];
	v12 =	vxor.u32 v2, v13;
	(xrf1) =	vsort.dscd.msk.u32 $0xffff, v8, v7;
	_, v7, _ =	vpop (xrf1)  }
0xca: {  	v11 =	vor.u32 v0, v11;
	v8 =	vshrl.u32 v9, $0x1;
	v4 =	vld [tilespmem:s8+$0x1010];
	v12 =	vshrl.u32 v12, $0x1;
	[tilespmem:s3+$0x9000] =	vst v7;
	_, v7, _ =	vpop (xrf1)  }
0xcb: {  	v9 =	vor.u32 v0, v8;
	v8 =	vor.u32 v0, v12;
	(xrf1) =	vsort.dscd.msk.u32 $0xffff, v11, v10;
	[tilespmem:s3+$0x9080] =	vst v7;
	_, v7, _ =	vpop (xrf1)  }
0xcc: {  	_ = 	snop  }
0xcd: {  	v10 =	vshra.s32 v5, $0x1F;
	v11 =	vshra.s32 v3, $0x1F  }
0xce: {  	v10 =	vor.u32 $0x80000000, v10;
	v11 =	vor.u32 $0x80000000, v11;
	v12 =	vshra.s32 v6, $0x1F  }
0xcf: {  	v10 =	vxor.u32 v5, v10;
	v12 =	vor.u32 $0x80000000, v12;
	v13 =	vshra.s32 v4, $0x1F  }
0xd0: {  	(xrf1) =	vsort.dscd.msk.u32 $0xffff, v9, v1;
	v1 =	vshrl.u32 v10, $0x1;
	v59 =	vxor.u32 v3, v11;
	v60 =	vor.u32 $0x80000000, v13  }
0xd1: {  	(xrf1) =	vsort.dscd.msk.u32 $0xffff, v8, v2;
	v1 =	vor.u32 v0, v1;
	v2 =	vshrl.u32 v59, $0x1;
	v61 =	vxor.u32 v6, v12  }
0xd2: {  	v62 =	vxor.u32 v4, v60;
	(xrf1) =	vsort.dscd.msk.u32 $0xffff, v1, v5;
	v1 =	vor.u32 v0, v2;
	v2 =	vshrl.u32 v61, $0x1  }
0xd3: {  	v63 =	vshrl.u32 v62, $0x1;
	v2 =	vor.u32 v0, v2;
	(xrf1) =	vsort.dscd.msk.u32 $0xffff, v1, v3  }
0xd4: {  	v1 =	vor.u32 v0, v63;
	(xrf1) =	vsort.dscd.msk.u32 $0xffff, v2, v6  }
0xd5: {  	(xrf1) =	vsort.dscd.msk.u32 $0xffff, v1, v4;
	_ =	sdelay $0x2  }
0xd6: {  	[tilespmem:s3+$0x9010] =	vst v7;
	_, v1, _ =	vpop (xrf1)  }
0xd7: {  	_, v2, _ =	vpop (xrf1);
	[tilespmem:s6+$0x9090] =	vst v1  }
0xd8: {  	_, v1, _ =	vpop (xrf1);
	[tilespmem:s6+$0x9000] =	vst v2  }
0xd9: {  	_, v2, _ =	vpop (xrf1);
	[tilespmem:s6+$0x9080] =	vst v1  }
0xda: {  	[tilespmem:s6+$0x9010] =	vst v2;
	_, v1, _ =	vpop (xrf1)  }
0xdb: {  	[tilespmem:s7+$0x9090] =	vst v1;
	_, v1, _ =	vpop (xrf1)  }
0xdc: {  	[tilespmem:s7+$0x9000] =	vst v1;
	_, v1, _ =	vpop (xrf1)  }
0xdd: {  	[tilespmem:s7+$0x9080] =	vst v1;
	_, v1, _ =	vpop (xrf1)  }
0xde: {  	[tilespmem:s7+$0x9010] =	vst v1;
	_, v1, _ =	vpop (xrf1)  }
.Ltmp7:
0xdf: {  	[tilespmem:s8+$0x9090] =	vst v1;
	_, v1, _ =	vpop (xrf1);
	(pc) =	sbr.rel @p1 .LBB2_12-.Ltmp7, $4  }
0xe0: {  	[tilespmem:s8+$0x9000] =	vst v1;
	_, v1, _ =	vpop (xrf1)  }
0xe1: {  	[tilespmem:s8+$0x9080] =	vst v1;
	_, v1, _ =	vpop (xrf1)  }
0xe2: {  	s17 =	sadd.s32 s31, s20;
	s4 =	simm.s32 $0x9000;
	[tilespmem:s8+$0x9010] =	vst v1  }
0xe3: {  	[hbm4b:s17+s25] =	stream.strided.scatter [tilespmem:s4], [sflag:$0xA], $0x1000, s26, s25, $0x38;
	[tilespmem:$0x10000] =	vst v63  }
.Ltmp8:
0xe4: {  	(pc) =	sbr.rel .LBB2_13-.Ltmp8, $4  }
0xe5: {  	_ = 	snop  }
0xe6: {  	_ =	swait.ge [sflag:s16], $0x1000  }
0xe7: {  	[sflag:s16] =	ssyncset.done $0x0  }
0xe8: {  	[sflag:s16] =	ssyncadd.s32 $0xFFFFF000  }
.LBB2_12:
0xe9: {  	s3 =	sadd.s32 s15, s19  }
0xea: {  	s3 =	sshll.u32 s3, $0xB  }
0xeb: {  	s3 =	sand.u32 $0xFF8000, s3  }
0xec: {  	s3 =	sadd.s32 s5, s3  }
0xed: {  	s4 =	rddreg [dreg:$0x5];
	s3 =	sshrl.u32 s3, $0x3  }
.Ltmp9:
0xee: {  	s17 =	simm.s32 $0x1000;
	s3 =	sadd.s32 s3, s4;
	(pc) =	sbr.rel @p0 .LBB2_14-.Ltmp9, $4  }
0xef: {  	[tilespmem:s17], [sflag:$0x2] =	stream.strided.gather [hbm4b:s3+s25], $0x1000, s26, s25, $0x38;
	[tilespmem:$0x10000] =	vst v63  }
0xf0: {  	_ =	swait.ge [sflag:s16], $0x1000  }
0xf1: {  	[sflag:s16] =	ssyncset.done $0x0  }
0xf2: {  	[sflag:s16] =	ssyncadd.s32 $0xFFFFF000  }
.LBB2_13:
0xf3: {  	s3 =	simm.s32 $0xB  }
0xf4: {  	_ =	swait.ge [sflag:s3], $0x1000  }
0xf5: {  	[sflag:s3] =	ssyncset.done $0x0  }
0xf6: {  	[sflag:s3] =	ssyncadd.s32 $0xFFFFF000  }
.LBB2_14:
0xf7: {  	s3 =	simm.s32 $0x0;
	s4 =	simm.s32 $0x0  }
0xf8: {  	s4 =	sand.u32 $0x60, s4;
	s3 =	sand.u32 $0xF00, s3  }
0xf9: {  	s3 =	sor.u32 s4, s3  }
0xfa: {  	v1 =	vld [tilespmem:s3+$0x2090]  }
0xfb: {  	v2 =	vld [tilespmem:s3+$0x2000]  }
0xfc: {  	v3 =	vld [tilespmem:s3+$0x2080]  }
0xfd: {  	v4 =	vld [tilespmem:s3+$0x2010];
	_ =	sdelay $0x1  }
0xfe: {  	v5 =	vshra.s32 v1, $0x1F  }
0xff: {  	s11 =	simm.s32 $0x20;
	s6 =	simm.s32 $0x40;
	v5 =	vor.u32 $0x80000000, v5  }
0x100: {  	s6 =	sand.u32 $0xF00, s6;
	s4 =	sand.u32 $0x60, s11;
	v6 =	vshra.s32 v2, $0x1F;
	v7 =	vshra.s32 v3, $0x1F;
	v5 =	vxor.u32 v1, v5  }
0x101: {  	s6 =	sor.u32 s4, s6;
	v9 =	vshra.s32 v4, $0x1F;
	v6 =	vor.u32 $0x80000000, v6;
	v5 =	vshrl.u32 v5, $0x1  }
0x102: {  	v8 =	vld [tilespmem:s6+$0x2090];
	v7 =	vor.u32 $0x80000000, v7;
	v6 =	vxor.u32 v2, v6;
	v5 =	vor.u32 v0, v5  }
0x103: {  	v10 =	vld [tilespmem:s6+$0x2000];
	v9 =	vor.u32 $0x80000000, v9;
	v7 =	vxor.u32 v3, v7;
	v6 =	vshrl.u32 v6, $0x1;
	(xrf1) =	vsort.dscd.msk.u32 $0xffff, v5, v1  }
0x104: {  	v7 =	vshrl.u32 v7, $0x1;
	v6 =	vor.u32 v0, v6;
	v1 =	vxor.u32 v4, v9  }
0x105: {  	s14 =	simm.s32 $0x40;
	s7 =	simm.s32 $0x80;
	v7 =	vor.u32 v0, v7;
	v1 =	vshrl.u32 v1, $0x1;
	(xrf1) =	vsort.dscd.msk.u32 $0xffff, v6, v2  }
0x106: {  	s7 =	sand.u32 $0xF00, s7;
	s4 =	sand.u32 $0x60, s14;
	v5 =	vld [tilespmem:s6+$0x2080];
	v1 =	vor.u32 v0, v1;
	(xrf1) =	vsort.dscd.msk.u32 $0xffff, v7, v3  }
0x107: {  	s7 =	sor.u32 s4, s7;
	v9 =	vld [tilespmem:s6+$0x2010];
	(xrf1) =	vsort.dscd.msk.u32 $0xffff, v1, v4;
	v1 =	vshra.s32 v8, $0x1F  }
0x108: {  	v2 =	vshra.s32 v10, $0x1F;
	v7 =	vld [tilespmem:s7+$0x2000];
	v1 =	vor.u32 $0x80000000, v1  }
0x109: {  	v2 =	vor.u32 $0x80000000, v2;
	v4 =	vld [tilespmem:s7+$0x2090];
	v1 =	vxor.u32 v8, v1  }
0x10a: {  	v2 =	vxor.u32 v10, v2;
	v11 =	vshrl.u32 v1, $0x1  }
0x10b: {  	v12 =	vshrl.u32 v2, $0x1;
	v3 =	vshra.s32 v5, $0x1F;
	v11 =	vor.u32 v0, v11  }
0x10c: {  	v12 =	vor.u32 v0, v12;
	v3 =	vor.u32 $0x80000000, v3;
	(xrf1) =	vsort.dscd.msk.u32 $0xffff, v11, v8  }
0x10d: {  	v6 =	vshra.s32 v9, $0x1F;
	v3 =	vxor.u32 v5, v3;
	(xrf1) =	vsort.dscd.msk.u32 $0xffff, v12, v10;
	v10 =	vshra.s32 v7, $0x1F  }
0x10e: {  	v6 =	vor.u32 $0x80000000, v6;
	v3 =	vshrl.u32 v3, $0x1;
	v8 =	vshra.s32 v4, $0x1F  }
0x10f: {  	v6 =	vxor.u32 v9, v6;
	v3 =	vor.u32 v0, v3;
	v8 =	vor.u32 $0x80000000, v8  }
0x110: {  	v1 =	vld [tilespmem:s7+$0x2080];
	v6 =	vshrl.u32 v6, $0x1;
	(xrf1) =	vsort.dscd.msk.u32 $0xffff, v3, v5;
	v3 =	vor.u32 $0x80000000, v10;
	v8 =	vxor.u32 v4, v8  }
0x111: {  	v2 =	vld [tilespmem:s7+$0x2010];
	v6 =	vor.u32 v0, v6;
	v8 =	vshrl.u32 v8, $0x1;
	v11 =	vxor.u32 v7, v3;
	_, v10, _ =	vpop (xrf1)  }
0x112: {  	(xrf1) =	vsort.dscd.msk.u32 $0xffff, v6, v9;
	v8 =	vor.u32 v0, v8;
	[tilespmem:s3+$0xA090] =	vst v10;
	v10 =	vshrl.u32 v11, $0x1  }
0x113: {  	s11 =	simm.s32 $0x60;
	s14 =	simm.s32 $0xC0;
	(xrf1) =	vsort.dscd.msk.u32 $0xffff, v8, v4;
	v10 =	vor.u32 v0, v10  }
0x114: {  	s17 =	sand.u32 $0x60, s11;
	s8 =	sand.u32 $0xF00, s14;
	_, v4, _ =	vpop (xrf1);
	(xrf1) =	vsort.dscd.msk.u32 $0xffff, v10, v7  }
0x115: {  	s8 =	sor.u32 s17, s8;
	v5 =	vshra.s32 v1, $0x1F  }
0x116: {  	v9 =	vshra.s32 v2, $0x1F;
	v6 =	vor.u32 $0x80000000, v5;
	v5 =	vld [tilespmem:s8+$0x2090]  }
0x117: {  	v3 =	vld [tilespmem:s8+$0x2000];
	v9 =	vor.u32 $0x80000000, v9  }
0x118: {  	v9 =	vxor.u32 v2, v9;
	v11 =	vxor.u32 v1, v6;
	v6 =	vld [tilespmem:s8+$0x2080]  }
0x119: {  	v8 =	vshrl.u32 v11, $0x1;
	v11 =	vshrl.u32 v9, $0x1;
	[tilespmem:s3+$0xA000] =	vst v4;
	_, v63, _ =	vpop (xrf1);
	v4 =	vld [tilespmem:s8+$0x2010]  }
0x11a: {  	v9 =	vor.u32 v0, v8;
	v8 =	vor.u32 v0, v11;
	[tilespmem:s3+$0xA080] =	vst v63;
	_, v7, _ =	vpop (xrf1)  }
.LBB2_15:
0x11b: {  	s11 =	sadd.s32 $0x20, s11;
	v12 =	vshra.s32 v5, $0x1F;
	s14 =	sadd.s32 $0x40, s14;
	(xrf1) =	vsort.dscd.msk.u32 $0xffff, v9, v1;
	[tilespmem:s3+$0xA010] =	vst v7;
	v7 =	vmov v5;
	s3 =	smov.u32 s6  }
0x11c: {  	s4 =	sand.u32 $0x60, s11;
	s17 =	sand.u32 $0xF00, s14;
	p2 =	slt.u32 s11, $0x7E0;
	v9 =	vshra.s32 v3, $0x1F;
	v5 =	vor.u32 $0x80000000, v12;
	(xrf1) =	vsort.dscd.msk.u32 $0xffff, v8, v2;
	v10 =	vmov v3  }
0x11d: {  	s6 =	smov.u32 s7;
	s7 =	smov.u32 s8;
	v14 =	vor.u32 $0x80000000, v9;
	v3 =	vshra.s32 v6, $0x1F;
	v8 =	vxor.u32 v7, v5;
	v1 =	vmovc v6;
	s8 =	sor.u32 s4, s17  }
.Ltmp10:
0x11e: {  	v5 =	vld [tilespmem:s8+$0x2090];
	v9 =	vor.u32 $0x80000000, v3;
	v6 =	vshra.s32 v4, $0x1F;
	v8 =	vshrl.u32 v8, $0x1;
	_, v11, _ =	vpop (xrf1);
	(pc) =	sbr.rel @p2 .LBB2_15-.Ltmp10, $4  }
0x11f: {  	v12 =	vxor.u32 v10, v14;
	v2 =	vmovc v4;
	v3 =	vld [tilespmem:s8+$0x2000];
	v13 =	vor.u32 $0x80000000, v6;
	v8 =	vor.u32 v0, v8;
	[tilespmem:s3+$0xA090] =	vst v11  }
0x120: {  	v11 =	vshrl.u32 v12, $0x1;
	v9 =	vxor.u32 v1, v9;
	v6 =	vld [tilespmem:s8+$0x2080];
	v12 =	vxor.u32 v2, v13;
	(xrf1) =	vsort.dscd.msk.u32 $0xffff, v8, v7;
	_, v7, _ =	vpop (xrf1)  }
0x121: {  	v11 =	vor.u32 v0, v11;
	v8 =	vshrl.u32 v9, $0x1;
	v4 =	vld [tilespmem:s8+$0x2010];
	v12 =	vshrl.u32 v12, $0x1;
	[tilespmem:s3+$0xA000] =	vst v7;
	_, v7, _ =	vpop (xrf1)  }
0x122: {  	v9 =	vor.u32 v0, v8;
	v8 =	vor.u32 v0, v12;
	(xrf1) =	vsort.dscd.msk.u32 $0xffff, v11, v10;
	[tilespmem:s3+$0xA080] =	vst v7;
	_, v7, _ =	vpop (xrf1)  }
0x123: {  	_ = 	snop  }
0x124: {  	v10 =	vshra.s32 v5, $0x1F;
	v11 =	vshra.s32 v3, $0x1F  }
0x125: {  	v10 =	vor.u32 $0x80000000, v10;
	v11 =	vor.u32 $0x80000000, v11;
	v12 =	vshra.s32 v6, $0x1F  }
0x126: {  	v10 =	vxor.u32 v5, v10;
	v12 =	vor.u32 $0x80000000, v12;
	v13 =	vshra.s32 v4, $0x1F  }
0x127: {  	(xrf1) =	vsort.dscd.msk.u32 $0xffff, v9, v1;
	v1 =	vshrl.u32 v10, $0x1;
	v59 =	vxor.u32 v3, v11;
	v60 =	vor.u32 $0x80000000, v13  }
0x128: {  	(xrf1) =	vsort.dscd.msk.u32 $0xffff, v8, v2;
	v1 =	vor.u32 v0, v1;
	v2 =	vshrl.u32 v59, $0x1;
	v61 =	vxor.u32 v6, v12  }
0x129: {  	v62 =	vxor.u32 v4, v60;
	(xrf1) =	vsort.dscd.msk.u32 $0xffff, v1, v5;
	v1 =	vor.u32 v0, v2;
	v2 =	vshrl.u32 v61, $0x1  }
0x12a: {  	v63 =	vshrl.u32 v62, $0x1;
	v2 =	vor.u32 v0, v2;
	(xrf1) =	vsort.dscd.msk.u32 $0xffff, v1, v3  }
0x12b: {  	v1 =	vor.u32 v0, v63;
	(xrf1) =	vsort.dscd.msk.u32 $0xffff, v2, v6  }
0x12c: {  	(xrf1) =	vsort.dscd.msk.u32 $0xffff, v1, v4;
	_ =	sdelay $0x2  }
0x12d: {  	[tilespmem:s3+$0xA010] =	vst v7;
	_, v1, _ =	vpop (xrf1)  }
0x12e: {  	_, v2, _ =	vpop (xrf1);
	[tilespmem:s6+$0xA090] =	vst v1  }
0x12f: {  	_, v1, _ =	vpop (xrf1);
	[tilespmem:s6+$0xA000] =	vst v2  }
0x130: {  	_, v2, _ =	vpop (xrf1);
	[tilespmem:s6+$0xA080] =	vst v1  }
0x131: {  	[tilespmem:s6+$0xA010] =	vst v2;
	_, v1, _ =	vpop (xrf1)  }
0x132: {  	[tilespmem:s7+$0xA090] =	vst v1;
	_, v1, _ =	vpop (xrf1)  }
0x133: {  	[tilespmem:s7+$0xA000] =	vst v1;
	_, v1, _ =	vpop (xrf1)  }
0x134: {  	[tilespmem:s7+$0xA080] =	vst v1;
	_, v1, _ =	vpop (xrf1)  }
0x135: {  	[tilespmem:s7+$0xA010] =	vst v1;
	_, v1, _ =	vpop (xrf1)  }
.Ltmp11:
0x136: {  	[tilespmem:s8+$0xA090] =	vst v1;
	_, v1, _ =	vpop (xrf1);
	(pc) =	sbr.rel @p1 .LBB2_18-.Ltmp11, $4  }
0x137: {  	[tilespmem:s8+$0xA000] =	vst v1;
	_, v1, _ =	vpop (xrf1)  }
0x138: {  	[tilespmem:s8+$0xA080] =	vst v1;
	_, v1, _ =	vpop (xrf1)  }
0x139: {  	s17 =	sadd.s32 s31, s21;
	s4 =	simm.s32 $0xA000;
	[tilespmem:s8+$0xA010] =	vst v1  }
0x13a: {  	[hbm4b:s17+s25] =	stream.strided.scatter [tilespmem:s4], [sflag:$0xB], $0x1000, s26, s25, $0x38;
	[tilespmem:$0x10000] =	vst v63  }
.Ltmp12:
0x13b: {  	(pc) =	sbr.rel .LBB2_19-.Ltmp12, $4  }
0x13c: {  	_ = 	snop  }
0x13d: {  	_ =	swait.ge [sflag:s24], $0x1000  }
0x13e: {  	[sflag:s24] =	ssyncset.done $0x0  }
0x13f: {  	[sflag:s24] =	ssyncadd.s32 $0xFFFFF000  }
.LBB2_18:
0x140: {  	s3 =	sadd.s32 s15, s19  }
0x141: {  	s3 =	sshll.u32 s3, $0xB  }
0x142: {  	s3 =	sand.u32 $0xFF8000, s3  }
0x143: {  	s3 =	sadd.s32 s5, s3  }
0x144: {  	s4 =	rddreg [dreg:$0x8];
	s3 =	sshrl.u32 s3, $0x3  }
.Ltmp13:
0x145: {  	s17 =	simm.s32 $0x2000;
	s3 =	sadd.s32 s3, s4;
	(pc) =	sbr.rel @p0 .LBB2_20-.Ltmp13, $4  }
0x146: {  	[tilespmem:s17], [sflag:$0x3] =	stream.strided.gather [hbm4b:s3+s25], $0x1000, s26, s25, $0x38;
	[tilespmem:$0x10000] =	vst v63  }
0x147: {  	_ =	swait.ge [sflag:s24], $0x1000  }
0x148: {  	[sflag:s24] =	ssyncset.done $0x0  }
0x149: {  	[sflag:s24] =	ssyncadd.s32 $0xFFFFF000  }
.LBB2_19:
0x14a: {  	s3 =	simm.s32 $0xC  }
0x14b: {  	_ =	swait.ge [sflag:s3], $0x1000  }
0x14c: {  	[sflag:s3] =	ssyncset.done $0x0  }
0x14d: {  	[sflag:s3] =	ssyncadd.s32 $0xFFFFF000  }
.LBB2_20:
0x14e: {  	s3 =	simm.s32 $0x0;
	s4 =	simm.s32 $0x0  }
0x14f: {  	s4 =	sand.u32 $0x60, s4;
	s3 =	sand.u32 $0xF00, s3  }
0x150: {  	s3 =	sor.u32 s4, s3  }
0x151: {  	v1 =	vld [tilespmem:s3+$0x3090]  }
0x152: {  	v2 =	vld [tilespmem:s3+$0x3000]  }
0x153: {  	v3 =	vld [tilespmem:s3+$0x3080]  }
0x154: {  	v4 =	vld [tilespmem:s3+$0x3010];
	_ =	sdelay $0x1  }
0x155: {  	v5 =	vshra.s32 v1, $0x1F  }
0x156: {  	s11 =	simm.s32 $0x20;
	s6 =	simm.s32 $0x40;
	v5 =	vor.u32 $0x80000000, v5  }
0x157: {  	s6 =	sand.u32 $0xF00, s6;
	s4 =	sand.u32 $0x60, s11;
	v6 =	vshra.s32 v2, $0x1F;
	v7 =	vshra.s32 v3, $0x1F;
	v5 =	vxor.u32 v1, v5  }
0x158: {  	s6 =	sor.u32 s4, s6;
	v9 =	vshra.s32 v4, $0x1F;
	v6 =	vor.u32 $0x80000000, v6;
	v5 =	vshrl.u32 v5, $0x1  }
0x159: {  	v8 =	vld [tilespmem:s6+$0x3090];
	v7 =	vor.u32 $0x80000000, v7;
	v6 =	vxor.u32 v2, v6;
	v5 =	vor.u32 v0, v5  }
0x15a: {  	v10 =	vld [tilespmem:s6+$0x3000];
	v9 =	vor.u32 $0x80000000, v9;
	v7 =	vxor.u32 v3, v7;
	v6 =	vshrl.u32 v6, $0x1;
	(xrf1) =	vsort.dscd.msk.u32 $0xffff, v5, v1  }
0x15b: {  	v7 =	vshrl.u32 v7, $0x1;
	v6 =	vor.u32 v0, v6;
	v1 =	vxor.u32 v4, v9  }
0x15c: {  	s14 =	simm.s32 $0x40;
	s7 =	simm.s32 $0x80;
	v7 =	vor.u32 v0, v7;
	v1 =	vshrl.u32 v1, $0x1;
	(xrf1) =	vsort.dscd.msk.u32 $0xffff, v6, v2  }
0x15d: {  	s7 =	sand.u32 $0xF00, s7;
	s4 =	sand.u32 $0x60, s14;
	v5 =	vld [tilespmem:s6+$0x3080];
	v1 =	vor.u32 v0, v1;
	(xrf1) =	vsort.dscd.msk.u32 $0xffff, v7, v3  }
0x15e: {  	s7 =	sor.u32 s4, s7;
	v9 =	vld [tilespmem:s6+$0x3010];
	(xrf1) =	vsort.dscd.msk.u32 $0xffff, v1, v4;
	v1 =	vshra.s32 v8, $0x1F  }
0x15f: {  	v2 =	vshra.s32 v10, $0x1F;
	v7 =	vld [tilespmem:s7+$0x3000];
	v1 =	vor.u32 $0x80000000, v1  }
0x160: {  	v2 =	vor.u32 $0x80000000, v2;
	v4 =	vld [tilespmem:s7+$0x3090];
	v1 =	vxor.u32 v8, v1  }
0x161: {  	v2 =	vxor.u32 v10, v2;
	v11 =	vshrl.u32 v1, $0x1  }
0x162: {  	v12 =	vshrl.u32 v2, $0x1;
	v3 =	vshra.s32 v5, $0x1F;
	v11 =	vor.u32 v0, v11  }
0x163: {  	v12 =	vor.u32 v0, v12;
	v3 =	vor.u32 $0x80000000, v3;
	(xrf1) =	vsort.dscd.msk.u32 $0xffff, v11, v8  }
0x164: {  	v6 =	vshra.s32 v9, $0x1F;
	v3 =	vxor.u32 v5, v3;
	(xrf1) =	vsort.dscd.msk.u32 $0xffff, v12, v10;
	v10 =	vshra.s32 v7, $0x1F  }
0x165: {  	v6 =	vor.u32 $0x80000000, v6;
	v3 =	vshrl.u32 v3, $0x1;
	v8 =	vshra.s32 v4, $0x1F  }
0x166: {  	v6 =	vxor.u32 v9, v6;
	v3 =	vor.u32 v0, v3;
	v8 =	vor.u32 $0x80000000, v8  }
0x167: {  	v1 =	vld [tilespmem:s7+$0x3080];
	v6 =	vshrl.u32 v6, $0x1;
	(xrf1) =	vsort.dscd.msk.u32 $0xffff, v3, v5;
	v3 =	vor.u32 $0x80000000, v10;
	v8 =	vxor.u32 v4, v8  }
0x168: {  	v2 =	vld [tilespmem:s7+$0x3010];
	v6 =	vor.u32 v0, v6;
	v8 =	vshrl.u32 v8, $0x1;
	v11 =	vxor.u32 v7, v3;
	_, v10, _ =	vpop (xrf1)  }
0x169: {  	(xrf1) =	vsort.dscd.msk.u32 $0xffff, v6, v9;
	v8 =	vor.u32 v0, v8;
	[tilespmem:s3+$0xB090] =	vst v10;
	v10 =	vshrl.u32 v11, $0x1  }
0x16a: {  	s11 =	simm.s32 $0x60;
	s14 =	simm.s32 $0xC0;
	(xrf1) =	vsort.dscd.msk.u32 $0xffff, v8, v4;
	v10 =	vor.u32 v0, v10  }
0x16b: {  	s17 =	sand.u32 $0x60, s11;
	s8 =	sand.u32 $0xF00, s14;
	_, v4, _ =	vpop (xrf1);
	(xrf1) =	vsort.dscd.msk.u32 $0xffff, v10, v7  }
0x16c: {  	s8 =	sor.u32 s17, s8;
	v5 =	vshra.s32 v1, $0x1F  }
0x16d: {  	v9 =	vshra.s32 v2, $0x1F;
	v6 =	vor.u32 $0x80000000, v5;
	v5 =	vld [tilespmem:s8+$0x3090]  }
0x16e: {  	v3 =	vld [tilespmem:s8+$0x3000];
	v9 =	vor.u32 $0x80000000, v9  }
0x16f: {  	v9 =	vxor.u32 v2, v9;
	v11 =	vxor.u32 v1, v6;
	v6 =	vld [tilespmem:s8+$0x3080]  }
0x170: {  	v8 =	vshrl.u32 v11, $0x1;
	v11 =	vshrl.u32 v9, $0x1;
	[tilespmem:s3+$0xB000] =	vst v4;
	_, v63, _ =	vpop (xrf1);
	v4 =	vld [tilespmem:s8+$0x3010]  }
0x171: {  	v9 =	vor.u32 v0, v8;
	v8 =	vor.u32 v0, v11;
	[tilespmem:s3+$0xB080] =	vst v63;
	_, v7, _ =	vpop (xrf1)  }
.LBB2_21:
0x172: {  	s11 =	sadd.s32 $0x20, s11;
	v12 =	vshra.s32 v5, $0x1F;
	s14 =	sadd.s32 $0x40, s14;
	(xrf1) =	vsort.dscd.msk.u32 $0xffff, v9, v1;
	[tilespmem:s3+$0xB010] =	vst v7;
	v7 =	vmov v5;
	s3 =	smov.u32 s6  }
0x173: {  	s4 =	sand.u32 $0x60, s11;
	s17 =	sand.u32 $0xF00, s14;
	p2 =	slt.u32 s11, $0x7E0;
	v9 =	vshra.s32 v3, $0x1F;
	v5 =	vor.u32 $0x80000000, v12;
	(xrf1) =	vsort.dscd.msk.u32 $0xffff, v8, v2;
	v10 =	vmov v3  }
0x174: {  	s6 =	smov.u32 s7;
	s7 =	smov.u32 s8;
	v14 =	vor.u32 $0x80000000, v9;
	v3 =	vshra.s32 v6, $0x1F;
	v8 =	vxor.u32 v7, v5;
	v1 =	vmovc v6;
	s8 =	sor.u32 s4, s17  }
.Ltmp14:
0x175: {  	v5 =	vld [tilespmem:s8+$0x3090];
	v9 =	vor.u32 $0x80000000, v3;
	v6 =	vshra.s32 v4, $0x1F;
	v8 =	vshrl.u32 v8, $0x1;
	_, v11, _ =	vpop (xrf1);
	(pc) =	sbr.rel @p2 .LBB2_21-.Ltmp14, $4  }
0x176: {  	v12 =	vxor.u32 v10, v14;
	v2 =	vmovc v4;
	v3 =	vld [tilespmem:s8+$0x3000];
	v13 =	vor.u32 $0x80000000, v6;
	v8 =	vor.u32 v0, v8;
	[tilespmem:s3+$0xB090] =	vst v11  }
0x177: {  	v11 =	vshrl.u32 v12, $0x1;
	v9 =	vxor.u32 v1, v9;
	v6 =	vld [tilespmem:s8+$0x3080];
	v12 =	vxor.u32 v2, v13;
	(xrf1) =	vsort.dscd.msk.u32 $0xffff, v8, v7;
	_, v7, _ =	vpop (xrf1)  }
0x178: {  	v11 =	vor.u32 v0, v11;
	v8 =	vshrl.u32 v9, $0x1;
	v4 =	vld [tilespmem:s8+$0x3010];
	v12 =	vshrl.u32 v12, $0x1;
	[tilespmem:s3+$0xB000] =	vst v7;
	_, v7, _ =	vpop (xrf1)  }
0x179: {  	v9 =	vor.u32 v0, v8;
	v8 =	vor.u32 v0, v12;
	(xrf1) =	vsort.dscd.msk.u32 $0xffff, v11, v10;
	[tilespmem:s3+$0xB080] =	vst v7;
	_, v7, _ =	vpop (xrf1)  }
0x17a: {  	_ = 	snop  }
0x17b: {  	v10 =	vshra.s32 v5, $0x1F;
	v11 =	vshra.s32 v3, $0x1F  }
0x17c: {  	v10 =	vor.u32 $0x80000000, v10;
	v11 =	vor.u32 $0x80000000, v11;
	v12 =	vshra.s32 v6, $0x1F  }
0x17d: {  	v10 =	vxor.u32 v5, v10;
	v12 =	vor.u32 $0x80000000, v12;
	v13 =	vshra.s32 v4, $0x1F  }
0x17e: {  	(xrf1) =	vsort.dscd.msk.u32 $0xffff, v9, v1;
	v1 =	vshrl.u32 v10, $0x1;
	v9 =	vxor.u32 v3, v11;
	v10 =	vor.u32 $0x80000000, v13  }
0x17f: {  	(xrf1) =	vsort.dscd.msk.u32 $0xffff, v8, v2;
	v1 =	vor.u32 v0, v1;
	v2 =	vshrl.u32 v9, $0x1;
	v8 =	vxor.u32 v6, v12  }
0x180: {  	v9 =	vxor.u32 v4, v10;
	(xrf1) =	vsort.dscd.msk.u32 $0xffff, v1, v5;
	v1 =	vor.u32 v0, v2;
	v2 =	vshrl.u32 v8, $0x1  }
0x181: {  	v5 =	vshrl.u32 v9, $0x1;
	v2 =	vor.u32 v0, v2;
	(xrf1) =	vsort.dscd.msk.u32 $0xffff, v1, v3  }
0x182: {  	v1 =	vor.u32 v0, v5;
	(xrf1) =	vsort.dscd.msk.u32 $0xffff, v2, v6  }
0x183: {  	(xrf1) =	vsort.dscd.msk.u32 $0xffff, v1, v4;
	_ =	sdelay $0x2  }
0x184: {  	[tilespmem:s3+$0xB010] =	vst v7;
	_, v1, _ =	vpop (xrf1)  }
0x185: {  	_, v2, _ =	vpop (xrf1);
	[tilespmem:s6+$0xB090] =	vst v1  }
0x186: {  	_, v1, _ =	vpop (xrf1);
	[tilespmem:s6+$0xB000] =	vst v2  }
0x187: {  	_, v2, _ =	vpop (xrf1);
	[tilespmem:s6+$0xB080] =	vst v1  }
0x188: {  	[tilespmem:s6+$0xB010] =	vst v2;
	_, v1, _ =	vpop (xrf1)  }
0x189: {  	[tilespmem:s7+$0xB090] =	vst v1;
	_, v1, _ =	vpop (xrf1)  }
0x18a: {  	p2 =	seq.s32 s2, $0x1F;
	[tilespmem:s7+$0xB000] =	vst v1;
	_, v1, _ =	vpop (xrf1)  }
0x18b: {  	s3 =	sadd.s32 @!p2 s15, s19;
	[tilespmem:s7+$0xB080] =	vst v1;
	_, v1, _ =	vpop (xrf1)  }
0x18c: {  	s3 =	sshll.u32 @!p2 s3, $0xB;
	[tilespmem:s7+$0xB010] =	vst v1;
	_, v1, _ =	vpop (xrf1)  }
0x18d: {  	s3 =	sand.u32 @!p2 $0xFF8000, s3;
	[tilespmem:s8+$0xB090] =	vst v1;
	_, v1, _ =	vpop (xrf1)  }
0x18e: {  	s3 =	sadd.s32 @!p2 s5, s3;
	[tilespmem:s8+$0xB000] =	vst v1;
	_, v1, _ =	vpop (xrf1)  }
0x18f: {  	s3 =	sshrl.u32 @!p2 s3, $0x3;
	[tilespmem:s8+$0xB080] =	vst v1;
	_, v1, _ =	vpop (xrf1)  }
0x190: {  	s14 =	sadd.s32 s31, s22;
	s4 =	simm.s32 $0xB000;
	s3 =	sadd.s32 @!p2 s3, s13;
	[tilespmem:s8+$0xB010] =	vst v1  }
0x191: {  	[hbm4b:s14+s25] =	stream.strided.scatter [tilespmem:s4], [sflag:$0xC], $0x1000, s26, s25, $0x38;
	[tilespmem:$0x10000] =	vst v63  }
0x192: {  	s6 =	simm.s32 @!p2 $0x400;
	s7 =	simm.s32 @!p2 $0x3000;
	s4 =	simm.s32 @!p2 $0x100  }
0x193: {  	[tilespmem:s7], [sflag:$0x4] =	stream.strided.gather @!p2 [hbm4b:s3+s4], $0x1000, s6, s4, $0x38;
	[tilespmem:$0x10000] =	vst v63  }
0x194: {  	_ =	swait.ge [sflag:s29], $0x1000  }
0x195: {  	[sflag:s29] =	ssyncset.done $0x0  }
0x196: {  	s3 =	simm.s32 @!p0 $0xD;
	[sflag:s29] =	ssyncadd.s32 $0xFFFFF000  }
0x197: {  	s17 =	simm.s32 $0x0;
	s7 =	simm.s32 $0x0;
	_ =	swait.ge @!p0 [sflag:s3], $0x1000  }
0x198: {  	s4 =	sand.u32 $0xF00, s17;
	s6 =	sand.u32 $0x60, s7;
	[sflag:s3] =	ssyncset.done @!p0 $0x0  }
0x199: {  	s31 =	sor.u32 s6, s4;
	[sflag:s3] =	ssyncadd.s32 @!p0 $0xFFFFF000  }
0x19a: {  	v1 =	vld [tilespmem:s31+$0x4090]  }
0x19b: {  	v2 =	vld [tilespmem:s31+$0x4000]  }
0x19c: {  	v3 =	vld [tilespmem:s31+$0x4080]  }
0x19d: {  	v4 =	vld [tilespmem:s31+$0x4010];
	_ =	sdelay $0x3  }
0x19e: {  	s11 =	simm.s32 $0x40;
	s8 =	simm.s32 $0x20;
	v5 =	vshra.s32 v1, $0x1F;
	v6 =	vshra.s32 v2, $0x1F  }
0x19f: {  	s4 =	sand.u32 $0xF00, s11;
	s3 =	sand.u32 $0x60, s8;
	v7 =	vshra.s32 v3, $0x1F;
	v9 =	vshra.s32 v4, $0x1F;
	v5 =	vor.u32 $0x80000000, v5  }
0x1a0: {  	s3 =	sor.u32 s3, s4;
	v6 =	vor.u32 $0x80000000, v6;
	v7 =	vor.u32 $0x80000000, v7;
	v5 =	vxor.u32 v1, v5  }
0x1a1: {  	v8 =	vld [tilespmem:s3+$0x4090];
	v9 =	vor.u32 $0x80000000, v9;
	v6 =	vxor.u32 v2, v6;
	v5 =	vshrl.u32 v5, $0x1  }
0x1a2: {  	v10 =	vld [tilespmem:s3+$0x4000];
	v7 =	vxor.u32 v3, v7;
	v6 =	vshrl.u32 v6, $0x1;
	v5 =	vor.u32 v0, v5  }
0x1a3: {  	s14 =	simm.s32 $0x40;
	s17 =	simm.s32 $0x80;
	v7 =	vshrl.u32 v7, $0x1;
	v6 =	vor.u32 v0, v6;
	(xrf1) =	vsort.dscd.msk.u32 $0xffff, v5, v1;
	v1 =	vxor.u32 v4, v9  }
0x1a4: {  	s6 =	sand.u32 $0xF00, s17;
	s4 =	sand.u32 $0x60, s14;
	v7 =	vor.u32 v0, v7;
	v5 =	vld [tilespmem:s3+$0x4080];
	v1 =	vshrl.u32 v1, $0x1;
	(xrf1) =	vsort.dscd.msk.u32 $0xffff, v6, v2  }
0x1a5: {  	s6 =	sor.u32 s4, s6;
	v9 =	vld [tilespmem:s3+$0x4010];
	v1 =	vor.u32 v0, v1;
	(xrf1) =	vsort.dscd.msk.u32 $0xffff, v7, v3  }
0x1a6: {  	v6 =	vld [tilespmem:s6+$0x4090];
	(xrf1) =	vsort.dscd.msk.u32 $0xffff, v1, v4;
	v1 =	vshra.s32 v8, $0x1F  }
0x1a7: {  	v2 =	vshra.s32 v10, $0x1F;
	v1 =	vor.u32 $0x80000000, v1  }
0x1a8: {  	v2 =	vor.u32 $0x80000000, v2;
	v7 =	vld [tilespmem:s6+$0x4000];
	v1 =	vxor.u32 v8, v1  }
0x1a9: {  	v2 =	vxor.u32 v10, v2;
	v11 =	vshrl.u32 v1, $0x1  }
0x1aa: {  	v61 =	vshrl.u32 v2, $0x1;
	v11 =	vor.u32 v0, v11  }
0x1ab: {  	v3 =	vshra.s32 v5, $0x1F;
	v4 =	vshra.s32 v9, $0x1F;
	(xrf1) =	vsort.dscd.msk.u32 $0xffff, v11, v8;
	v8 =	vshra.s32 v6, $0x1F  }
0x1ac: {  	v12 =	vor.u32 v0, v61;
	v3 =	vor.u32 $0x80000000, v3;
	v8 =	vor.u32 $0x80000000, v8  }
0x1ad: {  	v3 =	vxor.u32 v5, v3;
	(xrf1) =	vsort.dscd.msk.u32 $0xffff, v12, v10;
	v10 =	vshra.s32 v7, $0x1F;
	v8 =	vxor.u32 v6, v8  }
0x1ae: {  	v4 =	vor.u32 $0x80000000, v4;
	v3 =	vshrl.u32 v3, $0x1;
	v8 =	vshrl.u32 v8, $0x1  }
0x1af: {  	v4 =	vxor.u32 v9, v4;
	v3 =	vor.u32 v0, v3;
	v8 =	vor.u32 v0, v8  }
0x1b0: {  	v2 =	vld [tilespmem:s6+$0x4010];
	v4 =	vshrl.u32 v4, $0x1;
	(xrf1) =	vsort.dscd.msk.u32 $0xffff, v3, v5;
	v3 =	vor.u32 $0x80000000, v10  }
0x1b1: {  	v1 =	vld [tilespmem:s6+$0x4080];
	v4 =	vor.u32 v0, v4;
	v11 =	vxor.u32 v7, v3;
	_, v10, _ =	vpop (xrf1)  }
0x1b2: {  	s17 =	rddreg [dreg:$0x4];
	(xrf1) =	vsort.dscd.msk.u32 $0xffff, v4, v9;
	[tilespmem:s31+$0xC090] =	vst v10;
	v10 =	vshrl.u32 v11, $0x1  }
0x1b3: {  	s11 =	simm.s32 $0x60;
	s14 =	simm.s32 $0xC0;
	(xrf1) =	vsort.dscd.msk.u32 $0xffff, v8, v6;
	_, v8, _ =	vpop (xrf1);
	v10 =	vor.u32 v0, v10  }
0x1b4: {  	s7 =	sand.u32 $0x60, s11;
	s8 =	sand.u32 $0xF00, s14;
	_, v63, _ =	vpop (xrf1);
	(xrf1) =	vsort.dscd.msk.u32 $0xffff, v10, v7  }
0x1b5: {  	s7 =	sor.u32 s7, s8  }
0x1b6: {  	v5 =	vshra.s32 v1, $0x1F;
	v9 =	vshra.s32 v2, $0x1F;
	v4 =	vld [tilespmem:s7+$0x4090]  }
0x1b7: {  	s4 =	sadd.s32 s15, s17;
	v3 =	vld [tilespmem:s7+$0x4000];
	v5 =	vor.u32 $0x80000000, v5;
	v9 =	vor.u32 $0x80000000, v9  }
0x1b8: {  	s4 =	sshll.u32 s4, $0xB;
	v5 =	vxor.u32 v1, v5;
	v9 =	vxor.u32 v2, v9;
	v6 =	vld [tilespmem:s7+$0x4080]  }
0x1b9: {  	s4 =	sadd.s32 s5, s4;
	v62 =	vshrl.u32 v9, $0x1;
	v11 =	vshrl.u32 v5, $0x1;
	v5 =	vld [tilespmem:s7+$0x4010];
	[tilespmem:s31+$0xC000] =	vst v8  }
0x1ba: {  	s8 =	sadd.s32 $0x4000, s4;
	v9 =	vor.u32 v0, v11;
	v8 =	vor.u32 v0, v62;
	[tilespmem:s31+$0xC080] =	vst v63;
	_, v7, _ =	vpop (xrf1)  }
.LBB2_23:
0x1bb: {  	s11 =	sadd.s32 $0x20, s11;
	v12 =	vshra.s32 v4, $0x1F;
	s14 =	sadd.s32 $0x40, s14;
	(xrf1) =	vsort.dscd.msk.u32 $0xffff, v9, v1;
	[tilespmem:s31+$0xC010] =	vst v7;
	v7 =	vmov v4;
	s31 =	smov.u32 s3  }
0x1bc: {  	s4 =	sand.u32 $0x60, s11;
	s17 =	sand.u32 $0xF00, s14;
	p3 =	slt.u32 s11, $0x7E0;
	v9 =	vshra.s32 v3, $0x1F;
	v4 =	vor.u32 $0x80000000, v12;
	(xrf1) =	vsort.dscd.msk.u32 $0xffff, v8, v2;
	v10 =	vmov v3  }
0x1bd: {  	s3 =	smov.u32 s6;
	s6 =	smov.u32 s7;
	v14 =	vor.u32 $0x80000000, v9;
	v3 =	vshra.s32 v6, $0x1F;
	v8 =	vxor.u32 v7, v4;
	v1 =	vmovc v6;
	s7 =	sor.u32 s4, s17  }
.Ltmp15:
0x1be: {  	v4 =	vld [tilespmem:s7+$0x4090];
	v9 =	vor.u32 $0x80000000, v3;
	v6 =	vshra.s32 v5, $0x1F;
	v8 =	vshrl.u32 v8, $0x1;
	_, v11, _ =	vpop (xrf1);
	(pc) =	sbr.rel @p3 .LBB2_23-.Ltmp15, $4  }
0x1bf: {  	v12 =	vxor.u32 v10, v14;
	v2 =	vmovc v5;
	v3 =	vld [tilespmem:s7+$0x4000];
	v13 =	vor.u32 $0x80000000, v6;
	v8 =	vor.u32 v0, v8;
	[tilespmem:s31+$0xC090] =	vst v11  }
0x1c0: {  	v11 =	vshrl.u32 v12, $0x1;
	v9 =	vxor.u32 v1, v9;
	v6 =	vld [tilespmem:s7+$0x4080];
	v12 =	vxor.u32 v2, v13;
	(xrf1) =	vsort.dscd.msk.u32 $0xffff, v8, v7;
	_, v7, _ =	vpop (xrf1)  }
0x1c1: {  	v11 =	vor.u32 v0, v11;
	v8 =	vshrl.u32 v9, $0x1;
	v5 =	vld [tilespmem:s7+$0x4010];
	v12 =	vshrl.u32 v12, $0x1;
	[tilespmem:s31+$0xC000] =	vst v7;
	_, v7, _ =	vpop (xrf1)  }
0x1c2: {  	v9 =	vor.u32 v0, v8;
	v8 =	vor.u32 v0, v12;
	(xrf1) =	vsort.dscd.msk.u32 $0xffff, v11, v10;
	[tilespmem:s31+$0xC080] =	vst v7;
	_, v7, _ =	vpop (xrf1)  }
0x1c3: {  	_ = 	snop  }
0x1c4: {  	v10 =	vshra.s32 v4, $0x1F;
	v11 =	vshra.s32 v3, $0x1F  }
0x1c5: {  	v10 =	vor.u32 $0x80000000, v10;
	v11 =	vor.u32 $0x80000000, v11;
	v12 =	vshra.s32 v6, $0x1F  }
0x1c6: {  	v10 =	vxor.u32 v4, v10;
	v12 =	vor.u32 $0x80000000, v12;
	v13 =	vshra.s32 v5, $0x1F  }
0x1c7: {  	(xrf1) =	vsort.dscd.msk.u32 $0xffff, v9, v1;
	v1 =	vshrl.u32 v10, $0x1;
	v59 =	vxor.u32 v3, v11;
	v60 =	vor.u32 $0x80000000, v13  }
0x1c8: {  	(xrf1) =	vsort.dscd.msk.u32 $0xffff, v8, v2;
	v1 =	vor.u32 v0, v1;
	v2 =	vshrl.u32 v59, $0x1;
	v61 =	vxor.u32 v6, v12  }
0x1c9: {  	v62 =	vxor.u32 v5, v60;
	(xrf1) =	vsort.dscd.msk.u32 $0xffff, v1, v4;
	v1 =	vor.u32 v0, v2;
	v2 =	vshrl.u32 v61, $0x1  }
0x1ca: {  	v63 =	vshrl.u32 v62, $0x1;
	v2 =	vor.u32 v0, v2;
	(xrf1) =	vsort.dscd.msk.u32 $0xffff, v1, v3  }
0x1cb: {  	v1 =	vor.u32 v0, v63;
	(xrf1) =	vsort.dscd.msk.u32 $0xffff, v2, v6  }
0x1cc: {  	(xrf1) =	vsort.dscd.msk.u32 $0xffff, v1, v5;
	_ =	sdelay $0x2  }
0x1cd: {  	[tilespmem:s31+$0xC010] =	vst v7;
	_, v1, _ =	vpop (xrf1)  }
0x1ce: {  	_, v2, _ =	vpop (xrf1);
	[tilespmem:s3+$0xC090] =	vst v1  }
0x1cf: {  	_, v1, _ =	vpop (xrf1);
	[tilespmem:s3+$0xC000] =	vst v2  }
0x1d0: {  	_, v2, _ =	vpop (xrf1);
	[tilespmem:s3+$0xC080] =	vst v1  }
0x1d1: {  	[tilespmem:s3+$0xC010] =	vst v2;
	_, v1, _ =	vpop (xrf1)  }
0x1d2: {  	[tilespmem:s6+$0xC090] =	vst v1;
	_, v1, _ =	vpop (xrf1)  }
0x1d3: {  	[tilespmem:s6+$0xC000] =	vst v1;
	_, v1, _ =	vpop (xrf1)  }
0x1d4: {  	[tilespmem:s6+$0xC080] =	vst v1;
	_, v1, _ =	vpop (xrf1)  }
0x1d5: {  	[tilespmem:s6+$0xC010] =	vst v1;
	_, v1, _ =	vpop (xrf1)  }
.Ltmp16:
0x1d6: {  	[tilespmem:s7+$0xC090] =	vst v1;
	_, v1, _ =	vpop (xrf1);
	(pc) =	sbr.rel @p1 .LBB2_26-.Ltmp16, $4  }
0x1d7: {  	[tilespmem:s7+$0xC000] =	vst v1;
	_, v1, _ =	vpop (xrf1)  }
0x1d8: {  	s31 =	sshrl.u32 s8, $0x3;
	s17 =	rddreg [dreg:$0x1];
	[tilespmem:s7+$0xC080] =	vst v1;
	_, v1, _ =	vpop (xrf1)  }
0x1d9: {  	s4 =	simm.s32 $0xC000;
	s3 =	sadd.s32 s17, s31;
	[tilespmem:s7+$0xC010] =	vst v1  }
0x1da: {  	[hbm4b:s3+s25] =	stream.strided.scatter [tilespmem:s4], [sflag:$0xD], $0x1000, s26, s25, $0x38;
	[tilespmem:$0x10000] =	vst v63  }
.Ltmp17:
0x1db: {  	(pc) =	sbr.rel .LBB2_27-.Ltmp17, $4  }
0x1dc: {  	_ = 	snop  }
0x1dd: {  	_ =	swait.ge [sflag:s0], $0x1000  }
0x1de: {  	[sflag:s0] =	ssyncset.done $0x0  }
0x1df: {  	[sflag:s0] =	ssyncadd.s32 $0xFFFFF000  }
.LBB2_26:
0x1e0: {  	s3 =	sadd.s32 s15, s23  }
0x1e1: {  	s3 =	sshll.u32 s3, $0xB  }
0x1e2: {  	s3 =	sadd.s32 s5, s3  }
0x1e3: {  	s4 =	rddreg [dreg:$0x0];
	s3 =	sshrl.u32 s3, $0x3  }
.Ltmp18:
0x1e4: {  	s17 =	simm.s32 $0x4000;
	s3 =	sadd.s32 s4, s3;
	(pc) =	sbr.rel @p0 .LBB2_28-.Ltmp18, $4  }
0x1e5: {  	[tilespmem:s17], [sflag:$0x5] =	stream.strided.gather [hbm4b:s3+s25], $0x1000, s26, s25, $0x38;
	[tilespmem:$0x10000] =	vst v63  }
0x1e6: {  	_ =	swait.ge [sflag:s0], $0x1000  }
0x1e7: {  	[sflag:s0] =	ssyncset.done $0x0  }
0x1e8: {  	[sflag:s0] =	ssyncadd.s32 $0xFFFFF000  }
.LBB2_27:
0x1e9: {  	_ =	swait.ge [sflag:s1], $0x1000  }
0x1ea: {  	[sflag:s1] =	ssyncset.done $0x0  }
0x1eb: {  	[sflag:s1] =	ssyncadd.s32 $0xFFFFF000  }
.LBB2_28:
0x1ec: {  	s3 =	simm.s32 $0x0;
	s4 =	simm.s32 $0x0  }
0x1ed: {  	s4 =	sand.u32 $0x60, s4;
	s3 =	sand.u32 $0xF00, s3  }
0x1ee: {  	s3 =	sor.u32 s4, s3  }
0x1ef: {  	v1 =	vld [tilespmem:s3+$0x5090]  }
0x1f0: {  	v2 =	vld [tilespmem:s3+$0x5000]  }
0x1f1: {  	v3 =	vld [tilespmem:s3+$0x5080]  }
0x1f2: {  	v4 =	vld [tilespmem:s3+$0x5010];
	_ =	sdelay $0x1  }
0x1f3: {  	v5 =	vshra.s32 v1, $0x1F  }
0x1f4: {  	s11 =	simm.s32 $0x20;
	s6 =	simm.s32 $0x40;
	v5 =	vor.u32 $0x80000000, v5  }
0x1f5: {  	s6 =	sand.u32 $0xF00, s6;
	s4 =	sand.u32 $0x60, s11;
	v6 =	vshra.s32 v2, $0x1F;
	v7 =	vshra.s32 v3, $0x1F;
	v5 =	vxor.u32 v1, v5  }
0x1f6: {  	s6 =	sor.u32 s4, s6;
	v9 =	vshra.s32 v4, $0x1F;
	v6 =	vor.u32 $0x80000000, v6;
	v5 =	vshrl.u32 v5, $0x1  }
0x1f7: {  	v8 =	vld [tilespmem:s6+$0x5090];
	v7 =	vor.u32 $0x80000000, v7;
	v6 =	vxor.u32 v2, v6;
	v5 =	vor.u32 v0, v5  }
0x1f8: {  	v10 =	vld [tilespmem:s6+$0x5000];
	v9 =	vor.u32 $0x80000000, v9;
	v7 =	vxor.u32 v3, v7;
	v6 =	vshrl.u32 v6, $0x1;
	(xrf1) =	vsort.dscd.msk.u32 $0xffff, v5, v1  }
0x1f9: {  	v7 =	vshrl.u32 v7, $0x1;
	v6 =	vor.u32 v0, v6;
	v1 =	vxor.u32 v4, v9  }
0x1fa: {  	s14 =	simm.s32 $0x40;
	s7 =	simm.s32 $0x80;
	v7 =	vor.u32 v0, v7;
	v1 =	vshrl.u32 v1, $0x1;
	(xrf1) =	vsort.dscd.msk.u32 $0xffff, v6, v2  }
0x1fb: {  	s7 =	sand.u32 $0xF00, s7;
	s4 =	sand.u32 $0x60, s14;
	v5 =	vld [tilespmem:s6+$0x5080];
	v1 =	vor.u32 v0, v1;
	(xrf1) =	vsort.dscd.msk.u32 $0xffff, v7, v3  }
0x1fc: {  	s7 =	sor.u32 s4, s7;
	v9 =	vld [tilespmem:s6+$0x5010];
	(xrf1) =	vsort.dscd.msk.u32 $0xffff, v1, v4;
	v1 =	vshra.s32 v8, $0x1F  }
0x1fd: {  	v2 =	vshra.s32 v10, $0x1F;
	v7 =	vld [tilespmem:s7+$0x5000];
	v1 =	vor.u32 $0x80000000, v1  }
0x1fe: {  	v2 =	vor.u32 $0x80000000, v2;
	v4 =	vld [tilespmem:s7+$0x5090];
	v1 =	vxor.u32 v8, v1  }
0x1ff: {  	v2 =	vxor.u32 v10, v2;
	v11 =	vshrl.u32 v1, $0x1  }
0x200: {  	v12 =	vshrl.u32 v2, $0x1;
	v3 =	vshra.s32 v5, $0x1F;
	v11 =	vor.u32 v0, v11  }
0x201: {  	v12 =	vor.u32 v0, v12;
	v3 =	vor.u32 $0x80000000, v3;
	(xrf1) =	vsort.dscd.msk.u32 $0xffff, v11, v8  }
0x202: {  	v6 =	vshra.s32 v9, $0x1F;
	v3 =	vxor.u32 v5, v3;
	(xrf1) =	vsort.dscd.msk.u32 $0xffff, v12, v10;
	v10 =	vshra.s32 v7, $0x1F  }
0x203: {  	v6 =	vor.u32 $0x80000000, v6;
	v3 =	vshrl.u32 v3, $0x1;
	v8 =	vshra.s32 v4, $0x1F  }
0x204: {  	v6 =	vxor.u32 v9, v6;
	v3 =	vor.u32 v0, v3;
	v8 =	vor.u32 $0x80000000, v8  }
0x205: {  	v1 =	vld [tilespmem:s7+$0x5080];
	v6 =	vshrl.u32 v6, $0x1;
	(xrf1) =	vsort.dscd.msk.u32 $0xffff, v3, v5;
	v3 =	vor.u32 $0x80000000, v10;
	v8 =	vxor.u32 v4, v8  }
0x206: {  	v2 =	vld [tilespmem:s7+$0x5010];
	v6 =	vor.u32 v0, v6;
	v8 =	vshrl.u32 v8, $0x1;
	v11 =	vxor.u32 v7, v3;
	_, v10, _ =	vpop (xrf1)  }
0x207: {  	(xrf1) =	vsort.dscd.msk.u32 $0xffff, v6, v9;
	v8 =	vor.u32 v0, v8;
	[tilespmem:s3+$0xD090] =	vst v10;
	v10 =	vshrl.u32 v11, $0x1  }
0x208: {  	s11 =	simm.s32 $0x60;
	s14 =	simm.s32 $0xC0;
	(xrf1) =	vsort.dscd.msk.u32 $0xffff, v8, v4;
	v10 =	vor.u32 v0, v10  }
0x209: {  	s17 =	sand.u32 $0x60, s11;
	s8 =	sand.u32 $0xF00, s14;
	_, v4, _ =	vpop (xrf1);
	(xrf1) =	vsort.dscd.msk.u32 $0xffff, v10, v7  }
0x20a: {  	s8 =	sor.u32 s17, s8;
	v5 =	vshra.s32 v1, $0x1F  }
0x20b: {  	v9 =	vshra.s32 v2, $0x1F;
	v6 =	vor.u32 $0x80000000, v5;
	v5 =	vld [tilespmem:s8+$0x5090]  }
0x20c: {  	v3 =	vld [tilespmem:s8+$0x5000];
	v9 =	vor.u32 $0x80000000, v9  }
0x20d: {  	v9 =	vxor.u32 v2, v9;
	v11 =	vxor.u32 v1, v6;
	v6 =	vld [tilespmem:s8+$0x5080]  }
0x20e: {  	v8 =	vshrl.u32 v11, $0x1;
	v11 =	vshrl.u32 v9, $0x1;
	[tilespmem:s3+$0xD000] =	vst v4;
	_, v63, _ =	vpop (xrf1);
	v4 =	vld [tilespmem:s8+$0x5010]  }
0x20f: {  	v9 =	vor.u32 v0, v8;
	v8 =	vor.u32 v0, v11;
	[tilespmem:s3+$0xD080] =	vst v63;
	_, v7, _ =	vpop (xrf1)  }
.LBB2_29:
0x210: {  	s11 =	sadd.s32 $0x20, s11;
	v12 =	vshra.s32 v5, $0x1F;
	s14 =	sadd.s32 $0x40, s14;
	(xrf1) =	vsort.dscd.msk.u32 $0xffff, v9, v1;
	[tilespmem:s3+$0xD010] =	vst v7;
	v7 =	vmov v5;
	s3 =	smov.u32 s6  }
0x211: {  	s4 =	sand.u32 $0x60, s11;
	s17 =	sand.u32 $0xF00, s14;
	p3 =	slt.u32 s11, $0x7E0;
	v9 =	vshra.s32 v3, $0x1F;
	v5 =	vor.u32 $0x80000000, v12;
	(xrf1) =	vsort.dscd.msk.u32 $0xffff, v8, v2;
	v10 =	vmov v3  }
0x212: {  	s6 =	smov.u32 s7;
	s7 =	smov.u32 s8;
	v14 =	vor.u32 $0x80000000, v9;
	v3 =	vshra.s32 v6, $0x1F;
	v8 =	vxor.u32 v7, v5;
	v1 =	vmovc v6;
	s8 =	sor.u32 s4, s17  }
.Ltmp19:
0x213: {  	v5 =	vld [tilespmem:s8+$0x5090];
	v9 =	vor.u32 $0x80000000, v3;
	v6 =	vshra.s32 v4, $0x1F;
	v8 =	vshrl.u32 v8, $0x1;
	_, v11, _ =	vpop (xrf1);
	(pc) =	sbr.rel @p3 .LBB2_29-.Ltmp19, $4  }
0x214: {  	v12 =	vxor.u32 v10, v14;
	v2 =	vmovc v4;
	v3 =	vld [tilespmem:s8+$0x5000];
	v13 =	vor.u32 $0x80000000, v6;
	v8 =	vor.u32 v0, v8;
	[tilespmem:s3+$0xD090] =	vst v11  }
0x215: {  	v11 =	vshrl.u32 v12, $0x1;
	v9 =	vxor.u32 v1, v9;
	v6 =	vld [tilespmem:s8+$0x5080];
	v12 =	vxor.u32 v2, v13;
	(xrf1) =	vsort.dscd.msk.u32 $0xffff, v8, v7;
	_, v7, _ =	vpop (xrf1)  }
0x216: {  	v11 =	vor.u32 v0, v11;
	v8 =	vshrl.u32 v9, $0x1;
	v4 =	vld [tilespmem:s8+$0x5010];
	v12 =	vshrl.u32 v12, $0x1;
	[tilespmem:s3+$0xD000] =	vst v7;
	_, v7, _ =	vpop (xrf1)  }
0x217: {  	v9 =	vor.u32 v0, v8;
	v8 =	vor.u32 v0, v12;
	(xrf1) =	vsort.dscd.msk.u32 $0xffff, v11, v10;
	[tilespmem:s3+$0xD080] =	vst v7;
	_, v7, _ =	vpop (xrf1)  }
0x218: {  	_ = 	snop  }
0x219: {  	v10 =	vshra.s32 v5, $0x1F;
	v11 =	vshra.s32 v3, $0x1F  }
0x21a: {  	v10 =	vor.u32 $0x80000000, v10;
	v11 =	vor.u32 $0x80000000, v11;
	v12 =	vshra.s32 v6, $0x1F  }
0x21b: {  	v10 =	vxor.u32 v5, v10;
	v12 =	vor.u32 $0x80000000, v12;
	v13 =	vshra.s32 v4, $0x1F  }
0x21c: {  	(xrf1) =	vsort.dscd.msk.u32 $0xffff, v9, v1;
	v1 =	vshrl.u32 v10, $0x1;
	v59 =	vxor.u32 v3, v11;
	v60 =	vor.u32 $0x80000000, v13  }
0x21d: {  	(xrf1) =	vsort.dscd.msk.u32 $0xffff, v8, v2;
	v1 =	vor.u32 v0, v1;
	v2 =	vshrl.u32 v59, $0x1;
	v61 =	vxor.u32 v6, v12  }
0x21e: {  	v62 =	vxor.u32 v4, v60;
	(xrf1) =	vsort.dscd.msk.u32 $0xffff, v1, v5;
	v1 =	vor.u32 v0, v2;
	v2 =	vshrl.u32 v61, $0x1  }
0x21f: {  	v63 =	vshrl.u32 v62, $0x1;
	v2 =	vor.u32 v0, v2;
	(xrf1) =	vsort.dscd.msk.u32 $0xffff, v1, v3  }
0x220: {  	v1 =	vor.u32 v0, v63;
	(xrf1) =	vsort.dscd.msk.u32 $0xffff, v2, v6  }
0x221: {  	(xrf1) =	vsort.dscd.msk.u32 $0xffff, v1, v4;
	_ =	sdelay $0x2  }
0x222: {  	[tilespmem:s3+$0xD010] =	vst v7;
	_, v1, _ =	vpop (xrf1)  }
0x223: {  	_, v2, _ =	vpop (xrf1);
	[tilespmem:s6+$0xD090] =	vst v1  }
0x224: {  	_, v1, _ =	vpop (xrf1);
	[tilespmem:s6+$0xD000] =	vst v2  }
0x225: {  	_, v2, _ =	vpop (xrf1);
	[tilespmem:s6+$0xD080] =	vst v1  }
0x226: {  	[tilespmem:s6+$0xD010] =	vst v2;
	_, v1, _ =	vpop (xrf1)  }
0x227: {  	[tilespmem:s7+$0xD090] =	vst v1;
	_, v1, _ =	vpop (xrf1)  }
0x228: {  	[tilespmem:s7+$0xD000] =	vst v1;
	_, v1, _ =	vpop (xrf1)  }
0x229: {  	[tilespmem:s7+$0xD080] =	vst v1;
	_, v1, _ =	vpop (xrf1)  }
0x22a: {  	[tilespmem:s7+$0xD010] =	vst v1;
	_, v1, _ =	vpop (xrf1)  }
.Ltmp20:
0x22b: {  	[tilespmem:s8+$0xD090] =	vst v1;
	_, v1, _ =	vpop (xrf1);
	(pc) =	sbr.rel @p1 .LBB2_32-.Ltmp20, $4  }
0x22c: {  	[tilespmem:s8+$0xD000] =	vst v1;
	_, v1, _ =	vpop (xrf1)  }
0x22d: {  	[tilespmem:s8+$0xD080] =	vst v1;
	_, v1, _ =	vpop (xrf1)  }
0x22e: {  	s17 =	sadd.s32 s31, s20;
	s4 =	simm.s32 $0xD000;
	[tilespmem:s8+$0xD010] =	vst v1  }
0x22f: {  	[hbm4b:s17+s25] =	stream.strided.scatter [tilespmem:s4], [sflag:$0xE], $0x1000, s26, s25, $0x38;
	[tilespmem:$0x10000] =	vst v63  }
.Ltmp21:
0x230: {  	(pc) =	sbr.rel .LBB2_33-.Ltmp21, $4  }
0x231: {  	_ = 	snop  }
0x232: {  	_ =	swait.ge [sflag:s30], $0x1000  }
0x233: {  	[sflag:s30] =	ssyncset.done $0x0  }
0x234: {  	[sflag:s30] =	ssyncadd.s32 $0xFFFFF000  }
.LBB2_32:
0x235: {  	s3 =	sadd.s32 s15, s23  }
0x236: {  	s3 =	sshll.u32 s3, $0xB  }
0x237: {  	s3 =	sand.u32 $0xFFC000, s3  }
0x238: {  	s3 =	sadd.s32 s5, s3  }
0x239: {  	s4 =	rddreg [dreg:$0x5];
	s3 =	sshrl.u32 s3, $0x3  }
.Ltmp22:
0x23a: {  	s17 =	simm.s32 $0x5000;
	s3 =	sadd.s32 s3, s4;
	(pc) =	sbr.rel @p0 .LBB2_34-.Ltmp22, $4  }
0x23b: {  	[tilespmem:s17], [sflag:$0x6] =	stream.strided.gather [hbm4b:s3+s25], $0x1000, s26, s25, $0x38;
	[tilespmem:$0x10000] =	vst v63  }
0x23c: {  	_ =	swait.ge [sflag:s30], $0x1000  }
0x23d: {  	[sflag:s30] =	ssyncset.done $0x0  }
0x23e: {  	[sflag:s30] =	ssyncadd.s32 $0xFFFFF000  }
.LBB2_33:
0x23f: {  	_ =	swait.ge [sflag:s10], $0x1000  }
0x240: {  	[sflag:s10] =	ssyncset.done $0x0  }
0x241: {  	[sflag:s10] =	ssyncadd.s32 $0xFFFFF000  }
.LBB2_34:
0x242: {  	s3 =	simm.s32 $0x0;
	s4 =	simm.s32 $0x0  }
0x243: {  	s4 =	sand.u32 $0x60, s4;
	s3 =	sand.u32 $0xF00, s3  }
0x244: {  	s3 =	sor.u32 s4, s3  }
0x245: {  	v1 =	vld [tilespmem:s3+$0x6090]  }
0x246: {  	v2 =	vld [tilespmem:s3+$0x6000]  }
0x247: {  	v3 =	vld [tilespmem:s3+$0x6080]  }
0x248: {  	v4 =	vld [tilespmem:s3+$0x6010];
	_ =	sdelay $0x1  }
0x249: {  	v5 =	vshra.s32 v1, $0x1F  }
0x24a: {  	s11 =	simm.s32 $0x20;
	s6 =	simm.s32 $0x40;
	v5 =	vor.u32 $0x80000000, v5  }
0x24b: {  	s6 =	sand.u32 $0xF00, s6;
	s4 =	sand.u32 $0x60, s11;
	v6 =	vshra.s32 v2, $0x1F;
	v7 =	vshra.s32 v3, $0x1F;
	v5 =	vxor.u32 v1, v5  }
0x24c: {  	s6 =	sor.u32 s4, s6;
	v9 =	vshra.s32 v4, $0x1F;
	v6 =	vor.u32 $0x80000000, v6;
	v5 =	vshrl.u32 v5, $0x1  }
0x24d: {  	v8 =	vld [tilespmem:s6+$0x6090];
	v7 =	vor.u32 $0x80000000, v7;
	v6 =	vxor.u32 v2, v6;
	v5 =	vor.u32 v0, v5  }
0x24e: {  	v10 =	vld [tilespmem:s6+$0x6000];
	v9 =	vor.u32 $0x80000000, v9;
	v7 =	vxor.u32 v3, v7;
	v6 =	vshrl.u32 v6, $0x1;
	(xrf1) =	vsort.dscd.msk.u32 $0xffff, v5, v1  }
0x24f: {  	v7 =	vshrl.u32 v7, $0x1;
	v6 =	vor.u32 v0, v6;
	v1 =	vxor.u32 v4, v9  }
0x250: {  	s14 =	simm.s32 $0x40;
	s7 =	simm.s32 $0x80;
	v7 =	vor.u32 v0, v7;
	v1 =	vshrl.u32 v1, $0x1;
	(xrf1) =	vsort.dscd.msk.u32 $0xffff, v6, v2  }
0x251: {  	s7 =	sand.u32 $0xF00, s7;
	s4 =	sand.u32 $0x60, s14;
	v5 =	vld [tilespmem:s6+$0x6080];
	v1 =	vor.u32 v0, v1;
	(xrf1) =	vsort.dscd.msk.u32 $0xffff, v7, v3  }
0x252: {  	s7 =	sor.u32 s4, s7;
	v9 =	vld [tilespmem:s6+$0x6010];
	(xrf1) =	vsort.dscd.msk.u32 $0xffff, v1, v4;
	v1 =	vshra.s32 v8, $0x1F  }
0x253: {  	v2 =	vshra.s32 v10, $0x1F;
	v7 =	vld [tilespmem:s7+$0x6000];
	v1 =	vor.u32 $0x80000000, v1  }
0x254: {  	v2 =	vor.u32 $0x80000000, v2;
	v4 =	vld [tilespmem:s7+$0x6090];
	v1 =	vxor.u32 v8, v1  }
0x255: {  	v2 =	vxor.u32 v10, v2;
	v11 =	vshrl.u32 v1, $0x1  }
0x256: {  	v12 =	vshrl.u32 v2, $0x1;
	v3 =	vshra.s32 v5, $0x1F;
	v11 =	vor.u32 v0, v11  }
0x257: {  	v12 =	vor.u32 v0, v12;
	v3 =	vor.u32 $0x80000000, v3;
	(xrf1) =	vsort.dscd.msk.u32 $0xffff, v11, v8  }
0x258: {  	v6 =	vshra.s32 v9, $0x1F;
	v3 =	vxor.u32 v5, v3;
	(xrf1) =	vsort.dscd.msk.u32 $0xffff, v12, v10;
	v10 =	vshra.s32 v7, $0x1F  }
0x259: {  	v6 =	vor.u32 $0x80000000, v6;
	v3 =	vshrl.u32 v3, $0x1;
	v8 =	vshra.s32 v4, $0x1F  }
0x25a: {  	v6 =	vxor.u32 v9, v6;
	v3 =	vor.u32 v0, v3;
	v8 =	vor.u32 $0x80000000, v8  }
0x25b: {  	v1 =	vld [tilespmem:s7+$0x6080];
	v6 =	vshrl.u32 v6, $0x1;
	(xrf1) =	vsort.dscd.msk.u32 $0xffff, v3, v5;
	v3 =	vor.u32 $0x80000000, v10;
	v8 =	vxor.u32 v4, v8  }
0x25c: {  	v2 =	vld [tilespmem:s7+$0x6010];
	v6 =	vor.u32 v0, v6;
	v8 =	vshrl.u32 v8, $0x1;
	v11 =	vxor.u32 v7, v3;
	_, v10, _ =	vpop (xrf1)  }
0x25d: {  	(xrf1) =	vsort.dscd.msk.u32 $0xffff, v6, v9;
	v8 =	vor.u32 v0, v8;
	[tilespmem:s3+$0xE090] =	vst v10;
	v10 =	vshrl.u32 v11, $0x1  }
0x25e: {  	s11 =	simm.s32 $0x60;
	s14 =	simm.s32 $0xC0;
	(xrf1) =	vsort.dscd.msk.u32 $0xffff, v8, v4;
	v10 =	vor.u32 v0, v10  }
0x25f: {  	s17 =	sand.u32 $0x60, s11;
	s8 =	sand.u32 $0xF00, s14;
	_, v4, _ =	vpop (xrf1);
	(xrf1) =	vsort.dscd.msk.u32 $0xffff, v10, v7  }
0x260: {  	s8 =	sor.u32 s17, s8;
	v5 =	vshra.s32 v1, $0x1F  }
0x261: {  	v9 =	vshra.s32 v2, $0x1F;
	v6 =	vor.u32 $0x80000000, v5;
	v5 =	vld [tilespmem:s8+$0x6090]  }
0x262: {  	v3 =	vld [tilespmem:s8+$0x6000];
	v9 =	vor.u32 $0x80000000, v9  }
0x263: {  	v9 =	vxor.u32 v2, v9;
	v11 =	vxor.u32 v1, v6;
	v6 =	vld [tilespmem:s8+$0x6080]  }
0x264: {  	v8 =	vshrl.u32 v11, $0x1;
	v11 =	vshrl.u32 v9, $0x1;
	[tilespmem:s3+$0xE000] =	vst v4;
	_, v63, _ =	vpop (xrf1);
	v4 =	vld [tilespmem:s8+$0x6010]  }
0x265: {  	v9 =	vor.u32 v0, v8;
	v8 =	vor.u32 v0, v11;
	[tilespmem:s3+$0xE080] =	vst v63;
	_, v7, _ =	vpop (xrf1)  }
.LBB2_35:
0x266: {  	s11 =	sadd.s32 $0x20, s11;
	v12 =	vshra.s32 v5, $0x1F;
	s14 =	sadd.s32 $0x40, s14;
	(xrf1) =	vsort.dscd.msk.u32 $0xffff, v9, v1;
	[tilespmem:s3+$0xE010] =	vst v7;
	v7 =	vmov v5;
	s3 =	smov.u32 s6  }
0x267: {  	s4 =	sand.u32 $0x60, s11;
	s17 =	sand.u32 $0xF00, s14;
	p3 =	slt.u32 s11, $0x7E0;
	v9 =	vshra.s32 v3, $0x1F;
	v5 =	vor.u32 $0x80000000, v12;
	(xrf1) =	vsort.dscd.msk.u32 $0xffff, v8, v2;
	v10 =	vmov v3  }
0x268: {  	s6 =	smov.u32 s7;
	s7 =	smov.u32 s8;
	v14 =	vor.u32 $0x80000000, v9;
	v3 =	vshra.s32 v6, $0x1F;
	v8 =	vxor.u32 v7, v5;
	v1 =	vmovc v6;
	s8 =	sor.u32 s4, s17  }
.Ltmp23:
0x269: {  	v5 =	vld [tilespmem:s8+$0x6090];
	v9 =	vor.u32 $0x80000000, v3;
	v6 =	vshra.s32 v4, $0x1F;
	v8 =	vshrl.u32 v8, $0x1;
	_, v11, _ =	vpop (xrf1);
	(pc) =	sbr.rel @p3 .LBB2_35-.Ltmp23, $4  }
0x26a: {  	v12 =	vxor.u32 v10, v14;
	v2 =	vmovc v4;
	v3 =	vld [tilespmem:s8+$0x6000];
	v13 =	vor.u32 $0x80000000, v6;
	v8 =	vor.u32 v0, v8;
	[tilespmem:s3+$0xE090] =	vst v11  }
0x26b: {  	v11 =	vshrl.u32 v12, $0x1;
	v9 =	vxor.u32 v1, v9;
	v6 =	vld [tilespmem:s8+$0x6080];
	v12 =	vxor.u32 v2, v13;
	(xrf1) =	vsort.dscd.msk.u32 $0xffff, v8, v7;
	_, v7, _ =	vpop (xrf1)  }
0x26c: {  	v11 =	vor.u32 v0, v11;
	v8 =	vshrl.u32 v9, $0x1;
	v4 =	vld [tilespmem:s8+$0x6010];
	v12 =	vshrl.u32 v12, $0x1;
	[tilespmem:s3+$0xE000] =	vst v7;
	_, v7, _ =	vpop (xrf1)  }
0x26d: {  	v9 =	vor.u32 v0, v8;
	v8 =	vor.u32 v0, v12;
	(xrf1) =	vsort.dscd.msk.u32 $0xffff, v11, v10;
	[tilespmem:s3+$0xE080] =	vst v7;
	_, v7, _ =	vpop (xrf1)  }
0x26e: {  	_ = 	snop  }
0x26f: {  	v10 =	vshra.s32 v5, $0x1F;
	v11 =	vshra.s32 v3, $0x1F  }
0x270: {  	v10 =	vor.u32 $0x80000000, v10;
	v11 =	vor.u32 $0x80000000, v11;
	v12 =	vshra.s32 v6, $0x1F  }
0x271: {  	v10 =	vxor.u32 v5, v10;
	v12 =	vor.u32 $0x80000000, v12;
	v13 =	vshra.s32 v4, $0x1F  }
0x272: {  	(xrf1) =	vsort.dscd.msk.u32 $0xffff, v9, v1;
	v1 =	vshrl.u32 v10, $0x1;
	v59 =	vxor.u32 v3, v11;
	v60 =	vor.u32 $0x80000000, v13  }
0x273: {  	(xrf1) =	vsort.dscd.msk.u32 $0xffff, v8, v2;
	v1 =	vor.u32 v0, v1;
	v2 =	vshrl.u32 v59, $0x1;
	v61 =	vxor.u32 v6, v12  }
0x274: {  	v62 =	vxor.u32 v4, v60;
	(xrf1) =	vsort.dscd.msk.u32 $0xffff, v1, v5;
	v1 =	vor.u32 v0, v2;
	v2 =	vshrl.u32 v61, $0x1  }
0x275: {  	v63 =	vshrl.u32 v62, $0x1;
	v2 =	vor.u32 v0, v2;
	(xrf1) =	vsort.dscd.msk.u32 $0xffff, v1, v3  }
0x276: {  	v1 =	vor.u32 v0, v63;
	(xrf1) =	vsort.dscd.msk.u32 $0xffff, v2, v6  }
0x277: {  	(xrf1) =	vsort.dscd.msk.u32 $0xffff, v1, v4;
	_ =	sdelay $0x2  }
0x278: {  	[tilespmem:s3+$0xE010] =	vst v7;
	_, v1, _ =	vpop (xrf1)  }
0x279: {  	_, v2, _ =	vpop (xrf1);
	[tilespmem:s6+$0xE090] =	vst v1  }
0x27a: {  	_, v1, _ =	vpop (xrf1);
	[tilespmem:s6+$0xE000] =	vst v2  }
0x27b: {  	_, v2, _ =	vpop (xrf1);
	[tilespmem:s6+$0xE080] =	vst v1  }
0x27c: {  	[tilespmem:s6+$0xE010] =	vst v2;
	_, v1, _ =	vpop (xrf1)  }
0x27d: {  	[tilespmem:s7+$0xE090] =	vst v1;
	_, v1, _ =	vpop (xrf1)  }
0x27e: {  	[tilespmem:s7+$0xE000] =	vst v1;
	_, v1, _ =	vpop (xrf1)  }
0x27f: {  	[tilespmem:s7+$0xE080] =	vst v1;
	_, v1, _ =	vpop (xrf1)  }
0x280: {  	[tilespmem:s7+$0xE010] =	vst v1;
	_, v1, _ =	vpop (xrf1)  }
.Ltmp24:
0x281: {  	[tilespmem:s8+$0xE090] =	vst v1;
	_, v1, _ =	vpop (xrf1);
	(pc) =	sbr.rel @p1 .LBB2_38-.Ltmp24, $4  }
0x282: {  	[tilespmem:s8+$0xE000] =	vst v1;
	_, v1, _ =	vpop (xrf1)  }
0x283: {  	[tilespmem:s8+$0xE080] =	vst v1;
	_, v1, _ =	vpop (xrf1)  }
0x284: {  	s17 =	sadd.s32 s31, s21;
	s4 =	simm.s32 $0xE000;
	[tilespmem:s8+$0xE010] =	vst v1  }
0x285: {  	[hbm4b:s17+s25] =	stream.strided.scatter [tilespmem:s4], [sflag:$0xF], $0x1000, s26, s25, $0x38;
	[tilespmem:$0x10000] =	vst v63  }
.Ltmp25:
0x286: {  	(pc) =	sbr.rel .LBB2_39-.Ltmp25, $4  }
0x287: {  	_ = 	snop  }
0x288: {  	_ =	swait.ge [sflag:s18], $0x1000  }
0x289: {  	[sflag:s18] =	ssyncset.done $0x0  }
0x28a: {  	[sflag:s18] =	ssyncadd.s32 $0xFFFFF000  }
.LBB2_38:
0x28b: {  	s3 =	sadd.s32 s15, s23  }
0x28c: {  	s3 =	sshll.u32 s3, $0xB  }
0x28d: {  	s3 =	sand.u32 $0xFFC000, s3  }
0x28e: {  	s3 =	sadd.s32 s5, s3  }
0x28f: {  	s4 =	rddreg [dreg:$0x8];
	s3 =	sshrl.u32 s3, $0x3  }
.Ltmp26:
0x290: {  	s17 =	simm.s32 $0x6000;
	s3 =	sadd.s32 s3, s4;
	(pc) =	sbr.rel @p0 .LBB2_40-.Ltmp26, $4  }
0x291: {  	[tilespmem:s17], [sflag:$0x7] =	stream.strided.gather [hbm4b:s3+s25], $0x1000, s26, s25, $0x38;
	[tilespmem:$0x10000] =	vst v63  }
0x292: {  	_ =	swait.ge [sflag:s18], $0x1000  }
0x293: {  	[sflag:s18] =	ssyncset.done $0x0  }
0x294: {  	[sflag:s18] =	ssyncadd.s32 $0xFFFFF000  }
.LBB2_39:
0x295: {  	_ =	swait.ge [sflag:s28], $0x1000  }
0x296: {  	[sflag:s28] =	ssyncset.done $0x0  }
0x297: {  	[sflag:s28] =	ssyncadd.s32 $0xFFFFF000  }
.LBB2_40:
0x298: {  	s3 =	simm.s32 $0x0;
	s4 =	simm.s32 $0x0  }
0x299: {  	s4 =	sand.u32 $0x60, s4;
	s3 =	sand.u32 $0xF00, s3  }
0x29a: {  	s3 =	sor.u32 s4, s3  }
0x29b: {  	v1 =	vld [tilespmem:s3+$0x7090]  }
0x29c: {  	v2 =	vld [tilespmem:s3+$0x7000]  }
0x29d: {  	v3 =	vld [tilespmem:s3+$0x7080]  }
0x29e: {  	v4 =	vld [tilespmem:s3+$0x7010];
	_ =	sdelay $0x1  }
0x29f: {  	v5 =	vshra.s32 v1, $0x1F  }
0x2a0: {  	s11 =	simm.s32 $0x20;
	s6 =	simm.s32 $0x40;
	v5 =	vor.u32 $0x80000000, v5  }
0x2a1: {  	s6 =	sand.u32 $0xF00, s6;
	s4 =	sand.u32 $0x60, s11;
	v6 =	vshra.s32 v2, $0x1F;
	v7 =	vshra.s32 v3, $0x1F;
	v5 =	vxor.u32 v1, v5  }
0x2a2: {  	s6 =	sor.u32 s4, s6;
	v9 =	vshra.s32 v4, $0x1F;
	v6 =	vor.u32 $0x80000000, v6;
	v5 =	vshrl.u32 v5, $0x1  }
0x2a3: {  	v8 =	vld [tilespmem:s6+$0x7090];
	v7 =	vor.u32 $0x80000000, v7;
	v6 =	vxor.u32 v2, v6;
	v5 =	vor.u32 v0, v5  }
0x2a4: {  	v10 =	vld [tilespmem:s6+$0x7000];
	v9 =	vor.u32 $0x80000000, v9;
	v7 =	vxor.u32 v3, v7;
	v6 =	vshrl.u32 v6, $0x1;
	(xrf1) =	vsort.dscd.msk.u32 $0xffff, v5, v1  }
0x2a5: {  	v7 =	vshrl.u32 v7, $0x1;
	v6 =	vor.u32 v0, v6;
	v1 =	vxor.u32 v4, v9  }
0x2a6: {  	s14 =	simm.s32 $0x40;
	s7 =	simm.s32 $0x80;
	v7 =	vor.u32 v0, v7;
	v1 =	vshrl.u32 v1, $0x1;
	(xrf1) =	vsort.dscd.msk.u32 $0xffff, v6, v2  }
0x2a7: {  	s7 =	sand.u32 $0xF00, s7;
	s4 =	sand.u32 $0x60, s14;
	v5 =	vld [tilespmem:s6+$0x7080];
	v1 =	vor.u32 v0, v1;
	(xrf1) =	vsort.dscd.msk.u32 $0xffff, v7, v3  }
0x2a8: {  	s7 =	sor.u32 s4, s7;
	v9 =	vld [tilespmem:s6+$0x7010];
	(xrf1) =	vsort.dscd.msk.u32 $0xffff, v1, v4;
	v1 =	vshra.s32 v8, $0x1F  }
0x2a9: {  	v2 =	vshra.s32 v10, $0x1F;
	v7 =	vld [tilespmem:s7+$0x7000];
	v1 =	vor.u32 $0x80000000, v1  }
0x2aa: {  	v2 =	vor.u32 $0x80000000, v2;
	v4 =	vld [tilespmem:s7+$0x7090];
	v1 =	vxor.u32 v8, v1  }
0x2ab: {  	v2 =	vxor.u32 v10, v2;
	v11 =	vshrl.u32 v1, $0x1  }
0x2ac: {  	v12 =	vshrl.u32 v2, $0x1;
	v3 =	vshra.s32 v5, $0x1F;
	v11 =	vor.u32 v0, v11  }
0x2ad: {  	v12 =	vor.u32 v0, v12;
	v3 =	vor.u32 $0x80000000, v3;
	(xrf1) =	vsort.dscd.msk.u32 $0xffff, v11, v8  }
0x2ae: {  	v6 =	vshra.s32 v9, $0x1F;
	v3 =	vxor.u32 v5, v3;
	(xrf1) =	vsort.dscd.msk.u32 $0xffff, v12, v10;
	v10 =	vshra.s32 v7, $0x1F  }
0x2af: {  	v6 =	vor.u32 $0x80000000, v6;
	v3 =	vshrl.u32 v3, $0x1;
	v8 =	vshra.s32 v4, $0x1F  }
0x2b0: {  	v6 =	vxor.u32 v9, v6;
	v3 =	vor.u32 v0, v3;
	v8 =	vor.u32 $0x80000000, v8  }
0x2b1: {  	v1 =	vld [tilespmem:s7+$0x7080];
	v6 =	vshrl.u32 v6, $0x1;
	(xrf1) =	vsort.dscd.msk.u32 $0xffff, v3, v5;
	v3 =	vor.u32 $0x80000000, v10;
	v8 =	vxor.u32 v4, v8  }
0x2b2: {  	v2 =	vld [tilespmem:s7+$0x7010];
	v6 =	vor.u32 v0, v6;
	v8 =	vshrl.u32 v8, $0x1;
	v11 =	vxor.u32 v7, v3;
	_, v10, _ =	vpop (xrf1)  }
0x2b3: {  	(xrf1) =	vsort.dscd.msk.u32 $0xffff, v6, v9;
	v8 =	vor.u32 v0, v8;
	[tilespmem:s3+$0xF090] =	vst v10;
	v10 =	vshrl.u32 v11, $0x1  }
0x2b4: {  	s11 =	simm.s32 $0x60;
	s14 =	simm.s32 $0xC0;
	(xrf1) =	vsort.dscd.msk.u32 $0xffff, v8, v4;
	v10 =	vor.u32 v0, v10  }
0x2b5: {  	s17 =	sand.u32 $0x60, s11;
	s8 =	sand.u32 $0xF00, s14;
	_, v4, _ =	vpop (xrf1);
	(xrf1) =	vsort.dscd.msk.u32 $0xffff, v10, v7  }
0x2b6: {  	s8 =	sor.u32 s17, s8;
	v5 =	vshra.s32 v1, $0x1F  }
0x2b7: {  	v9 =	vshra.s32 v2, $0x1F;
	v6 =	vor.u32 $0x80000000, v5;
	v5 =	vld [tilespmem:s8+$0x7090]  }
0x2b8: {  	v3 =	vld [tilespmem:s8+$0x7000];
	v9 =	vor.u32 $0x80000000, v9  }
0x2b9: {  	v9 =	vxor.u32 v2, v9;
	v11 =	vxor.u32 v1, v6;
	v6 =	vld [tilespmem:s8+$0x7080]  }
0x2ba: {  	v8 =	vshrl.u32 v11, $0x1;
	v11 =	vshrl.u32 v9, $0x1;
	[tilespmem:s3+$0xF000] =	vst v4;
	_, v63, _ =	vpop (xrf1);
	v4 =	vld [tilespmem:s8+$0x7010]  }
0x2bb: {  	v9 =	vor.u32 v0, v8;
	v8 =	vor.u32 v0, v11;
	[tilespmem:s3+$0xF080] =	vst v63;
	_, v7, _ =	vpop (xrf1)  }
.LBB2_41:
0x2bc: {  	s11 =	sadd.s32 $0x20, s11;
	v12 =	vshra.s32 v5, $0x1F;
	s14 =	sadd.s32 $0x40, s14;
	(xrf1) =	vsort.dscd.msk.u32 $0xffff, v9, v1;
	[tilespmem:s3+$0xF010] =	vst v7;
	v7 =	vmov v5;
	s3 =	smov.u32 s6  }
0x2bd: {  	s4 =	sand.u32 $0x60, s11;
	s17 =	sand.u32 $0xF00, s14;
	p0 =	slt.u32 s11, $0x7E0;
	v9 =	vshra.s32 v3, $0x1F;
	v5 =	vor.u32 $0x80000000, v12;
	(xrf1) =	vsort.dscd.msk.u32 $0xffff, v8, v2;
	v10 =	vmov v3  }
0x2be: {  	s6 =	smov.u32 s7;
	s7 =	smov.u32 s8;
	v14 =	vor.u32 $0x80000000, v9;
	v3 =	vshra.s32 v6, $0x1F;
	v8 =	vxor.u32 v7, v5;
	v1 =	vmovc v6;
	s8 =	sor.u32 s4, s17  }
.Ltmp27:
0x2bf: {  	v5 =	vld [tilespmem:s8+$0x7090];
	v9 =	vor.u32 $0x80000000, v3;
	v6 =	vshra.s32 v4, $0x1F;
	v8 =	vshrl.u32 v8, $0x1;
	_, v11, _ =	vpop (xrf1);
	(pc) =	sbr.rel @p0 .LBB2_41-.Ltmp27, $4  }
0x2c0: {  	v12 =	vxor.u32 v10, v14;
	v2 =	vmovc v4;
	v3 =	vld [tilespmem:s8+$0x7000];
	v13 =	vor.u32 $0x80000000, v6;
	v8 =	vor.u32 v0, v8;
	[tilespmem:s3+$0xF090] =	vst v11  }
0x2c1: {  	v11 =	vshrl.u32 v12, $0x1;
	v9 =	vxor.u32 v1, v9;
	v6 =	vld [tilespmem:s8+$0x7080];
	v12 =	vxor.u32 v2, v13;
	(xrf1) =	vsort.dscd.msk.u32 $0xffff, v8, v7;
	_, v7, _ =	vpop (xrf1)  }
0x2c2: {  	v11 =	vor.u32 v0, v11;
	v8 =	vshrl.u32 v9, $0x1;
	v4 =	vld [tilespmem:s8+$0x7010];
	v12 =	vshrl.u32 v12, $0x1;
	[tilespmem:s3+$0xF000] =	vst v7;
	_, v7, _ =	vpop (xrf1)  }
0x2c3: {  	v9 =	vor.u32 v0, v8;
	v8 =	vor.u32 v0, v12;
	(xrf1) =	vsort.dscd.msk.u32 $0xffff, v11, v10;
	[tilespmem:s3+$0xF080] =	vst v7;
	_, v7, _ =	vpop (xrf1)  }
0x2c4: {  	_ = 	snop  }
0x2c5: {  	v10 =	vshra.s32 v5, $0x1F;
	v11 =	vshra.s32 v3, $0x1F  }
0x2c6: {  	v10 =	vor.u32 $0x80000000, v10;
	v11 =	vor.u32 $0x80000000, v11;
	v12 =	vshra.s32 v6, $0x1F  }
0x2c7: {  	v10 =	vxor.u32 v5, v10;
	v12 =	vor.u32 $0x80000000, v12;
	v13 =	vshra.s32 v4, $0x1F  }
0x2c8: {  	(xrf1) =	vsort.dscd.msk.u32 $0xffff, v9, v1;
	v1 =	vshrl.u32 v10, $0x1;
	v59 =	vxor.u32 v3, v11;
	v60 =	vor.u32 $0x80000000, v13  }
0x2c9: {  	(xrf1) =	vsort.dscd.msk.u32 $0xffff, v8, v2;
	v1 =	vor.u32 v0, v1;
	v2 =	vshrl.u32 v59, $0x1;
	v61 =	vxor.u32 v6, v12  }
0x2ca: {  	v62 =	vxor.u32 v4, v60;
	(xrf1) =	vsort.dscd.msk.u32 $0xffff, v1, v5;
	v1 =	vor.u32 v0, v2;
	v2 =	vshrl.u32 v61, $0x1  }
0x2cb: {  	v63 =	vshrl.u32 v62, $0x1;
	v2 =	vor.u32 v0, v2;
	(xrf1) =	vsort.dscd.msk.u32 $0xffff, v1, v3  }
0x2cc: {  	v1 =	vor.u32 v0, v63;
	(xrf1) =	vsort.dscd.msk.u32 $0xffff, v2, v6  }
0x2cd: {  	(xrf1) =	vsort.dscd.msk.u32 $0xffff, v1, v4;
	_ =	sdelay $0x2  }
0x2ce: {  	[tilespmem:s3+$0xF010] =	vst v7;
	_, v1, _ =	vpop (xrf1)  }
0x2cf: {  	_, v2, _ =	vpop (xrf1);
	[tilespmem:s6+$0xF090] =	vst v1  }
0x2d0: {  	_, v1, _ =	vpop (xrf1);
	[tilespmem:s6+$0xF000] =	vst v2  }
0x2d1: {  	_, v2, _ =	vpop (xrf1);
	[tilespmem:s6+$0xF080] =	vst v1  }
0x2d2: {  	[tilespmem:s6+$0xF010] =	vst v2;
	_, v1, _ =	vpop (xrf1)  }
0x2d3: {  	[tilespmem:s7+$0xF090] =	vst v1;
	_, v1, _ =	vpop (xrf1)  }
0x2d4: {  	[tilespmem:s7+$0xF000] =	vst v1;
	_, v1, _ =	vpop (xrf1)  }
0x2d5: {  	[tilespmem:s7+$0xF080] =	vst v1;
	_, v1, _ =	vpop (xrf1)  }
0x2d6: {  	[tilespmem:s7+$0xF010] =	vst v1;
	_, v1, _ =	vpop (xrf1)  }
.Ltmp28:
0x2d7: {  	[tilespmem:s8+$0xF090] =	vst v1;
	_, v1, _ =	vpop (xrf1);
	(pc) =	sbr.rel @p2 .LBB2_44-.Ltmp28, $4  }
0x2d8: {  	[tilespmem:s8+$0xF000] =	vst v1;
	_, v1, _ =	vpop (xrf1)  }
0x2d9: {  	[tilespmem:s8+$0xF080] =	vst v1;
	_, v1, _ =	vpop (xrf1)  }
0x2da: {  	s31 =	sadd.s32 s31, s22;
	s4 =	simm.s32 $0xF000;
	[tilespmem:s8+$0xF010] =	vst v1  }
0x2db: {  	[hbm4b:s31+s25] =	stream.strided.scatter [tilespmem:s4], [sflag:$0x10], $0x1000, s26, s25, $0x38;
	[tilespmem:$0x10000] =	vst v63  }
0x2dc: {  	s3 =	sadd.s32 s15, s23  }
0x2dd: {  	s3 =	sshll.u32 s3, $0xB  }
.Ltmp29:
0x2de: {  	s3 =	sand.u32 $0xFFC000, s3;
	(pc) =	sbr.rel .LBB2_2-.Ltmp29, $4  }
0x2df: {  	s3 =	sadd.s32 s5, s3  }
0x2e0: {  	s3 =	sshrl.u32 s3, $0x3  }
0x2e1: {  	s4 =	simm.s32 $0x7000;
	s2 =	sadd.s32 $0x1, s2;
	s3 =	sadd.s32 s3, s13  }
0x2e2: {  	[tilespmem:s4], [sflag:$0x8] =	stream.strided.gather [hbm4b:s3+s25], $0x1000, s26, s25, $0x38;
	[tilespmem:$0x10000] =	vst v63  }
.LBB2_45:
0x2e3: {  	_ =	sfence.sel $0x180000  }
0x2e4: {  	[bflag:$0x0] =	sbarrier.arrive $0xFFFF  }
0x2e5: {  	_ =	strace $0x90000047  }
0x2e6: {  	s0 =	stileid.u32;
	[bflag:$0x2] =	sbarrier.arrive $0xFFFF  }
0x2e7: {  	p0 =	sne.s32 s0, $0x0;
	s0 =	rddreg [dreg:$0x2]  }
0x2e8: {  	s0 =	sadd.s32 @!p0 $0x100000, s0  }
0x2e9: {  	[sflag:s0] =	ssyncadd.tile.s32 @!p0 $0x1;
	_ =	shalt  }
.Lfunc_end2:
_tile_overlayer_lowered:
.L_overlay_start_2:
0x2ea: {  	(tag) =	ssettag $0x2  }
0x2eb: {  	s0 =	rddreg [dreg:$0x0];
	s2 =	stileid.u32  }
0x2ec: {  	s1 =	rddreg [dreg:$0x1];
	p0 =	sne.s32 s2, $0x0  }
0x2ed: {  	s3 =	rddreg [dreg:$0x2];
	[bflag:$0x3] =	sbarrier.arrive $0xFFFF;
	s2 =	simm.s32 @!p0 $0x1C11  }
0x2ee: {  	[timem:s3], [sflag:s2] =	dma.local @!p0 [hbm:s0], s1  }
0x2ef: {  	s0 =	simm.s32 @!p0 $0x11  }
0x2f0: {  	_ =	swait.ge @!p0 [sflag:s0], s1  }
0x2f1: {  	s1 =	ssub.s32 @!p0 $0x0, s1;
	[sflag:s0] =	ssyncset.done @!p0 $0x0  }
0x2f2: {  	[sflag:s0] =	ssyncadd.s32 @!p0 s1  }
0x2f3: {  	[bflag:$0x3] =	sbarrier.arrive $0xFFFF  }
0x2f4: {  	_ =	shalt  }

</sc_bundles>
